<compile_context>
chip_gen: v7x
topology: tpu7x:2x2x1
jax: 0.10.2.dev20260603
libtpu: 0.0.44.dev20260713+nightly
codegen_flags: <defaults>
</compile_context>

<pallas_src>
import functools

import jax
import jax.numpy as jnp
from jax import lax
from jax.experimental import pallas as pl
from jax.experimental.pallas import tpu as pltpu
from jax.experimental.pallas import tpu_sc as plsc

H = 4
HID = 128
HTOT = 512
D = 128
HEAD_DIM = 32
N = 10000
E = 320000
NW = 32
EPW = E // NW
EB = 80
NBLK = EPW // EB
ROWW = 144
NP = 10240
RPS = NP // 16
EBLK = 512
NEB = E // EBLK
RBLK = 400

_sc_mesh = plsc.VectorSubcoreMesh(core_axis_name="c", subcore_axis_name="s")


def _node_mm_body(x_ref, w_ref, b_ref, o_ref):
    o_ref[...] = jnp.dot(x_ref[...], w_ref[...],
                         preferred_element_type=jnp.float32) + b_ref[...]


def _node_msg(x, w, b2):
    return pl.pallas_call(
        _node_mm_body,
        grid=(N // RBLK,),
        in_specs=[
            pl.BlockSpec((RBLK, D), lambda i: (i, 0)),
            pl.BlockSpec((D, D), lambda i: (0, 0)),
            pl.BlockSpec((1, D), lambda i: (0, 0)),
        ],
        out_specs=pl.BlockSpec((RBLK, D), lambda i: (i, 0)),
        out_shape=jax.ShapeDtypeStruct((N, D), jnp.float32),
    )(x, w, b2)


@functools.partial(
    pl.kernel,
    mesh=_sc_mesh,
    out_type=[
        jax.ShapeDtypeStruct((E, D), jnp.float32),
        jax.ShapeDtypeStruct((E, D), jnp.float32),
    ],
    scratch_types=[
        pltpu.VMEM((EB,), jnp.int32),
        pltpu.VMEM((EB,), jnp.int32),
        pltpu.VMEM((EB, D), jnp.float32),
        pltpu.VMEM((EB, D), jnp.float32),
        pltpu.SemaphoreType.DMA,
        pltpu.SemaphoreType.DMA,
    ],
    compiler_params=pltpu.CompilerParams(needs_layout_passes=False, use_tc_tiling_on_sc=False),
)
def _gather_cells(src_hbm, dst_hbm, sfeat_hbm, tfeat_hbm,
                  osc_hbm, otc_hbm,
                  sidx_v, didx_v, srow_v, trow_v, sem_a, sem_b):
    wid = lax.axis_index("s") * 2 + lax.axis_index("c")
    base0 = wid * EPW

    def body(i, carry):
        base = base0 + i * EB
        pltpu.sync_copy(src_hbm.at[pl.ds(base, EB)], sidx_v)
        pltpu.sync_copy(dst_hbm.at[pl.ds(base, EB)], didx_v)
        cp_a = pltpu.async_copy(sfeat_hbm.at[sidx_v], srow_v, sem_a)
        cp_b = pltpu.async_copy(tfeat_hbm.at[didx_v], trow_v, sem_b)
        cp_a.wait()
        cp_b.wait()
        pltpu.sync_copy(srow_v, osc_hbm.at[pl.ds(base, EB)])
        pltpu.sync_copy(trow_v, otc_hbm.at[pl.ds(base, EB)])
        return carry

    lax.fori_loop(0, NBLK, body, 0)


def _logits_body(sc_ref, tc_ref, ws_ref, wt_ref, b_ref, wap_ref,
                 lg_ref, bm_ref):
    h = jnp.dot(sc_ref[...], ws_ref[...], preferred_element_type=jnp.float32)
    h = h + jnp.dot(tc_ref[...], wt_ref[...],
                    preferred_element_type=jnp.float32)
    h = h + b_ref[...]
    x = h * 0.7071067811865476
    ax = jnp.abs(x)
    t = 1.0 / (1.0 + 0.3275911 * ax)
    poly = t * (0.254829592 + t * (-0.284496736 + t * (1.421413741
           + t * (-1.453152027 + t * 1.061405429))))
    erf_ax = 1.0 - poly * jnp.exp(-ax * ax)
    erf_x = jnp.where(x < 0.0, -erf_ax, erf_ax)
    h = h * 0.5 * (1.0 + erf_x)
    lg = jnp.dot(h, wap_ref[...], preferred_element_type=jnp.float32)
    lg_ref[...] = lg
    i = pl.program_id(0)
    cur = jnp.full((8, 128), jnp.max(lg), jnp.float32)

    @pl.when(i == 0)
    def _init():
        bm_ref[...] = cur

    @pl.when(i > 0)
    def _acc():
        bm_ref[...] = jnp.maximum(bm_ref[...], cur)

    @pl.when(i == NEB - 1)
    def _flood():
        bm_ref[...] = jnp.full((8, 128), jnp.max(bm_ref[...]), jnp.float32)


def _edge_logits(sc_cells, tc_cells, w_src, w_tgt, bsum2, wap):
    return pl.pallas_call(
        _logits_body,
        grid=(NEB,),
        in_specs=[
            pl.BlockSpec((EBLK, D), lambda i: (i, 0)),
            pl.BlockSpec((EBLK, D), lambda i: (i, 0)),
            pl.BlockSpec((D, HTOT), lambda i: (0, 0)),
            pl.BlockSpec((D, HTOT), lambda i: (0, 0)),
            pl.BlockSpec((1, HTOT), lambda i: (0, 0)),
            pl.BlockSpec((HTOT, H), lambda i: (0, 0)),
        ],
        out_specs=[
            pl.BlockSpec((EBLK, H), lambda i: (i, 0)),
            pl.BlockSpec((8, 128), lambda i: (0, 0)),
        ],
        out_shape=[
            jax.ShapeDtypeStruct((E, H), jnp.float32),
            jax.ShapeDtypeStruct((8, 128), jnp.float32),
        ],
    )(sc_cells, tc_cells, w_src, w_tgt, bsum2, wap)


@functools.partial(
    pl.kernel,
    mesh=_sc_mesh,
    out_type=jax.ShapeDtypeStruct((NW, NP * H // 16, 16), jnp.float32),
    scratch_types=[
        pltpu.VMEM((EB,), jnp.int32),
        pltpu.VMEM((EB * H,), jnp.float32),
        pltpu.VMEM((NP * H // 16, 16), jnp.float32),
    ],
    compiler_params=pltpu.CompilerParams(needs_layout_passes=False, use_tc_tiling_on_sc=False),
)
def _seg_max(dst_hbm, lg_hbm, smax_hbm, didx_v, lg_v, tab_v):
    cid = lax.axis_index("c")
    sid = lax.axis_index("s")
    wid = sid * 2 + cid
    base0 = wid * EPW

    neg16 = jnp.full((16,), -3e38, jnp.float32)

    def zt_body(r, carry):
        tab_v[r] = neg16
        return carry

    lax.fori_loop(0, NP * H // 16, zt_body, 0)

    lane = lax.iota(jnp.int32, 16)
    minlane = jnp.minimum(lane, H - 1)
    zsplat = jnp.full((16,), 0, jnp.int32)

    def blk_body(i, carry):
        base = base0 + i * EB
        pltpu.sync_copy(dst_hbm.at[pl.ds(base, EB)], didx_v)
        pltpu.sync_copy(lg_hbm.at[pl.ds(base * H, EB * H)], lg_v)

        def edge_body(e, carry2):
            lgw = plsc.load_gather(lg_v, [e * H + minlane])
            dstv = plsc.load_gather(didx_v, [zsplat + e])
            rows = dstv // 4
            cols = (dstv % 4) * H + minlane
            cur = plsc.load_gather(tab_v, [rows, cols])
            plsc.store_scatter(tab_v, [rows, cols],
                               jnp.maximum(cur, lgw), mask=lane < H)
            return carry2

        lax.fori_loop(0, EB, edge_body, 0)
        return carry

    lax.fori_loop(0, NBLK, blk_body, 0)
    pltpu.sync_copy(tab_v, smax_hbm.at[wid])


def _cmb_body(p_ref, o_ref):
    m = jnp.max(p_ref[...], axis=0)
    o_ref[...] = jnp.concatenate(
        [m, jnp.full((RBLK, 16 - H), -3e38, jnp.float32)], axis=1)


def _combine_max(parts):
    return pl.pallas_call(
        _cmb_body,
        grid=(NP // RBLK,),
        in_specs=[pl.BlockSpec((NW, RBLK, H), lambda i: (0, i, 0))],
        out_specs=pl.BlockSpec((RBLK, 16), lambda i: (i, 0)),
        out_shape=jax.ShapeDtypeStruct((NP, 16), jnp.float32),
    )(parts)


@functools.partial(
    pl.kernel,
    mesh=_sc_mesh,
    out_type=jax.ShapeDtypeStruct((2, NP, D), jnp.float32),
    scratch_types=[
        pltpu.VMEM((EB,), jnp.int32),
        pltpu.VMEM((EB,), jnp.int32),
        pltpu.VMEM((EB * H,), jnp.float32),
        pltpu.VMEM((EB * H,), jnp.float32),
        pltpu.VMEM((EB, D), jnp.float32),
        pltpu.VMEM((EB, D), jnp.float32),
        pltpu.VMEM((EB, 16), jnp.float32),
        pltpu.VMEM_SHARED((NP, D), jnp.float32),
        pltpu.SemaphoreType.DMA,
        pltpu.SemaphoreType.DMA,
    ],
    compiler_params=pltpu.CompilerParams(needs_layout_passes=False, use_tc_tiling_on_sc=False),
)
def _edge_accum(src_hbm, dst_hbm, lg_hbm, smax_hbm, msg_hbm, num_hbm,
                sidx_v, didx_v, lg_v, ex_v, msgrow_v, build_v, smax_v,
                shared, sem, sem2):
    cid = lax.axis_index("c")
    sid = lax.axis_index("s")
    wid = sid * 2 + cid
    base0 = wid * EPW
    row0 = sid * RPS

    lane = lax.iota(jnp.int32, 16)
    rowpat = lane // 4
    colpat = lane % 4

    zero16 = jnp.zeros((16,), jnp.float32)

    def z_body(e, carry):
        for j in range(D // 16):
            build_v[e, pl.ds(16 * j, 16)] = zero16
        return carry

    lax.fori_loop(0, EB, z_body, 0)
    for k in range(RPS // EB):
        pltpu.sync_copy(build_v, shared.at[pl.ds(row0 + k * EB, EB)])
    plsc.subcore_barrier()

    def blk_body(i, carry):
        base = base0 + i * EB
        pltpu.sync_copy(src_hbm.at[pl.ds(base, EB)], sidx_v)
        pltpu.sync_copy(dst_hbm.at[pl.ds(base, EB)], didx_v)
        pltpu.sync_copy(lg_hbm.at[pl.ds(base * H, EB * H)], lg_v)
        cp = pltpu.async_copy(msg_hbm.at[sidx_v], msgrow_v, sem)
        cpm = pltpu.async_copy(smax_hbm.at[didx_v], smax_v, sem2)
        cpm.wait()

        def ex_body(k, carry2):
            lv = lg_v[pl.ds(k * 16, 16)]
            sm = plsc.load_gather(smax_v, [k * 4 + rowpat, colpat])
            ex_v[pl.ds(k * 16, 16)] = jnp.exp(lv - sm)
            return carry2

        lax.fori_loop(0, EB * H // 16, ex_body, 0)
        cp.wait()

        def edge_body(e, carry2):
            for j in range(D // 16):
                hh = j // 2
                idx = jnp.full((16,), 0, jnp.int32) + (e * H + hh)
                w = plsc.load_gather(ex_v, [idx])
                mv = msgrow_v[e, pl.ds(16 * j, 16)]
                build_v[e, pl.ds(16 * j, 16)] = w * mv
            return carry2

        lax.fori_loop(0, EB, edge_body, 0)
        pltpu.sync_copy(build_v, shared.at[didx_v], add=True)
        return carry

    lax.fori_loop(0, NBLK, blk_body, 0)
    plsc.subcore_barrier()

    for k in range(RPS // EB):
        pltpu.sync_copy(shared.at[pl.ds(row0 + k * EB, EB)],
                        num_hbm.at[cid, pl.ds(row0 + k * EB, EB)])


@functools.partial(
    pl.kernel,
    mesh=_sc_mesh,
    out_type=jax.ShapeDtypeStruct((NW, NP * H // 16, 16), jnp.float32),
    scratch_types=[
        pltpu.VMEM((EB,), jnp.int32),
        pltpu.VMEM((EB * H,), jnp.float32),
        pltpu.VMEM((EB * H,), jnp.float32),
        pltpu.VMEM((EB, 16), jnp.float32),
        pltpu.VMEM((NP * H // 16, 16), jnp.float32),
        pltpu.SemaphoreType.DMA,
    ],
    compiler_params=pltpu.CompilerParams(needs_layout_passes=False, use_tc_tiling_on_sc=False),
)
def _den_accum(dst_hbm, lg_hbm, smax_hbm, den_hbm,
               didx_v, lg_v, ex_v, smax_v, den_v, sem2):
    cid = lax.axis_index("c")
    sid = lax.axis_index("s")
    wid = sid * 2 + cid
    base0 = wid * EPW

    rowpat = lax.iota(jnp.int32, 16) // 4
    colpat = lax.iota(jnp.int32, 16) % 4
    zero16 = jnp.zeros((16,), jnp.float32)

    def zd_body(r, carry):
        den_v[r] = zero16
        return carry

    lax.fori_loop(0, NP * H // 16, zd_body, 0)

    lane = lax.iota(jnp.int32, 16)
    minlane = jnp.minimum(lane, H - 1)

    def blk_body(i, carry):
        base = base0 + i * EB
        pltpu.sync_copy(dst_hbm.at[pl.ds(base, EB)], didx_v)
        pltpu.sync_copy(lg_hbm.at[pl.ds(base * H, EB * H)], lg_v)
        pltpu.async_copy(smax_hbm.at[didx_v], smax_v, sem2).wait()

        def ex_body(k, carry2):
            lv = lg_v[pl.ds(k * 16, 16)]
            sm = plsc.load_gather(smax_v, [k * 4 + rowpat, colpat])
            ex_v[pl.ds(k * 16, 16)] = jnp.exp(lv - sm)
            return carry2

        lax.fori_loop(0, EB * H // 16, ex_body, 0)

        def edge_body(e, carry2):
            eidx = e * H + minlane
            wv = plsc.load_gather(ex_v, [eidx])
            dstv = plsc.load_gather(didx_v,
                                    [jnp.full((16,), 0, jnp.int32) + e])
            plsc.addupdate_scatter(
                den_v,
                [dstv // 4, (dstv % 4) * H + minlane],
                wv, mask=lane < H)
            return carry2

        lax.fori_loop(0, EB, edge_body, 0)
        return carry

    lax.fori_loop(0, NBLK, blk_body, 0)
    pltpu.sync_copy(den_v, den_hbm.at[wid])


def _final_body(p_ref, dp_ref, s_ref, wo_ref, b_ref, o_ref):
    num = p_ref[0] + p_ref[1]
    den = jnp.sum(dp_ref[...], axis=0)
    inv = jnp.where(den > 0.0, 1.0 / den, 0.0)
    g = num * jnp.dot(inv, s_ref[...], preferred_element_type=jnp.float32)
    o_ref[...] = jnp.dot(g, wo_ref[...],
                         preferred_element_type=jnp.float32) + b_ref[...]


def _finalize(num_parts, den_all, sel, w_out, b2):
    return pl.pallas_call(
        _final_body,
        grid=(N // RBLK,),
        in_specs=[
            pl.BlockSpec((2, RBLK, D), lambda i: (0, i, 0)),
            pl.BlockSpec((NW, RBLK, H), lambda i: (0, i, 0)),
            pl.BlockSpec((H, D), lambda i: (0, 0)),
            pl.BlockSpec((D, D), lambda i: (0, 0)),
            pl.BlockSpec((1, D), lambda i: (0, 0)),
        ],
        out_specs=pl.BlockSpec((RBLK, D), lambda i: (i, 0)),
        out_shape=jax.ShapeDtypeStruct((N, D), jnp.float32),
    )(num_parts, den_all, sel, w_out, b2)


def kernel(source_features, target_features, edge_index, W_src, b_src,
           W_tgt, b_tgt, attn_proj, W_msg, b_msg, W_out, b_out):
    dst = edge_index[0]
    src = edge_index[1]
    bsum2 = (b_src + b_tgt).reshape(1, HTOT)
    eye = jnp.eye(H, dtype=jnp.float32)
    wap = (attn_proj[:, :, None] * eye[:, None, :]).reshape(HTOT, H)
    sel = jnp.repeat(eye, HEAD_DIM, axis=1)

    msg_tab = _node_msg(source_features, W_msg, b_msg.reshape(1, D))
    sc_cells, tc_cells = _gather_cells(src, dst, source_features,
                                       target_features)
    logits, bmax = _edge_logits(sc_cells, tc_cells, W_src, W_tgt, bsum2, wap)
    del bmax
    lgflat = logits.reshape(-1)
    smax_parts = _seg_max(dst, lgflat)
    smax = _combine_max(smax_parts.reshape(NW, NP, H))
    num_parts = _edge_accum(src, dst, lgflat, smax, msg_tab)
    den_parts = _den_accum(dst, lgflat, smax)
    den_all = den_parts.reshape(NW, NP, H)
    return _finalize(num_parts, den_all, sel, W_out, b_out.reshape(1, D))

# --- scband reference (transcript-rebuilt; emitter-appended) ---
"""Pipeline reference for scband-inter-rank-attention-69329362092306 (READ-ONLY COPY).

The authoritative reference and input builder live on the scoring server;
editing this copy changes nothing except your own understanding.
"""

import jax, jax.numpy as jnp
import numpy as np

NUM_HEADS = 4
HIDDEN_DIM = 128
HEAD_DIM = HIDDEN_DIM // NUM_HEADS
EMBED_DIM = 128
N_SRC = 10000
N_TGT = 10000
N_EDGES = 320000


def setup_inputs(seed: int = 0) -> dict:
    key = jax.random.key(seed)
    ks = jax.random.split(key, 12)
    inp = {}
    inp['source_features'] = jax.random.normal(ks[0], (N_SRC, EMBED_DIM), dtype=jnp.float32)
    inp['target_features'] = jax.random.normal(ks[1], (N_TGT, EMBED_DIM), dtype=jnp.float32)
    dst = jax.random.randint(ks[2], (N_EDGES,), 0, N_TGT, dtype=jnp.int32)
    src = jax.random.randint(ks[3], (N_EDGES,), 0, N_SRC, dtype=jnp.int32)
    inp['edge_index'] = jnp.stack([dst, src], axis=0)
    s = 1.0 / np.sqrt(EMBED_DIM)
    inp['W_src'] = jax.random.normal(ks[4], (EMBED_DIM, HIDDEN_DIM * NUM_HEADS), dtype=jnp.float32) * s
    inp['b_src'] = jnp.zeros((HIDDEN_DIM * NUM_HEADS,), dtype=jnp.float32)
    inp['W_tgt'] = jax.random.normal(ks[5], (EMBED_DIM, HIDDEN_DIM * NUM_HEADS), dtype=jnp.float32) * s
    inp['b_tgt'] = jnp.zeros((HIDDEN_DIM * NUM_HEADS,), dtype=jnp.float32)
    inp['attn_proj'] = jax.random.normal(ks[6], (NUM_HEADS, HIDDEN_DIM), dtype=jnp.float32)
    inp['W_msg'] = jax.random.normal(ks[7], (EMBED_DIM, EMBED_DIM), dtype=jnp.float32) * s
    inp['b_msg'] = jnp.zeros((EMBED_DIM,), dtype=jnp.float32)
    inp['W_out'] = jax.random.normal(ks[8], (EMBED_DIM, EMBED_DIM), dtype=jnp.float32) * s
    inp['b_out'] = jnp.zeros((EMBED_DIM,), dtype=jnp.float32)
    return inp


def reference(source_features, target_features, edge_index, W_src, b_src, W_tgt, b_tgt, attn_proj, W_msg, b_msg, W_out, b_out):
    dst = edge_index[0]
    src = edge_index[1]
    M = target_features.shape[0]
    source_cells = jnp.take(source_features, src, axis=0)
    target_cells = jnp.take(target_features, dst, axis=0)
    source_hidden = source_cells @ W_src + b_src
    target_hidden = target_cells @ W_tgt + b_tgt
    hidden = jax.nn.gelu(source_hidden + target_hidden, approximate=False)
    hidden = hidden.reshape(-1, NUM_HEADS, HIDDEN_DIM)
    attn_logits = jnp.sum(hidden * attn_proj, axis=-1)  # [E, H]
    # scatter_softmax over dim=0 grouped by dst
    seg_max = jax.ops.segment_max(attn_logits, dst, num_segments=M)
    seg_max = jnp.where(jnp.isfinite(seg_max), seg_max, 0.0)
    ex = jnp.exp(attn_logits - jnp.take(seg_max, dst, axis=0))
    denom = jax.ops.segment_sum(ex, dst, num_segments=M)
    attn_scores = ex / jnp.take(denom, dst, axis=0)
    messages = (source_cells @ W_msg + b_msg).reshape(-1, NUM_HEADS, HEAD_DIM)
    messages = messages * attn_scores[:, :, None]
    grouped = jax.ops.segment_sum(messages, dst, num_segments=M)
    grouped = grouped.reshape(M, NUM_HEADS * HEAD_DIM)
    out = grouped @ W_out + b_out
    return out

if __name__ == "__main__":
    import jax
    _d = setup_inputs()
    print(jax.jit(kernel)(*tuple(_d.values())))

</pallas_src>

<mosaic_0001>
#map = affine_map<(d0, d1) -> (0)>
#map1 = affine_map<(d0, d1) -> (0, 0)>
module attributes {stable_mosaic.version = 14 : i64} {
  func.func @_gather_cells(%arg0: i32, %arg1: i32, %arg2: memref<320000xi32, #tpu.memory_space<hbm>>, %arg3: memref<320000xi32, #tpu.memory_space<hbm>>, %arg4: memref<10000x128xf32, #tpu.memory_space<hbm>>, %arg5: memref<10000x128xf32, #tpu.memory_space<hbm>>, %arg6: memref<320000x128xf32, #tpu.memory_space<hbm>>, %arg7: memref<320000x128xf32, #tpu.memory_space<hbm>>, %arg8: memref<80xi32, #tpu.memory_space<vmem>>, %arg9: memref<80xi32, #tpu.memory_space<vmem>>, %arg10: memref<80x128xf32, #tpu.memory_space<vmem>>, %arg11: memref<80x128xf32, #tpu.memory_space<vmem>>, %arg12: memref<!tpu.dma_semaphore, #tpu.memory_space<semaphore_mem>>, %arg13: memref<!tpu.dma_semaphore, #tpu.memory_space<semaphore_mem>>) attributes {dimension_semantics = [#tpu.dimension_semantics<core_parallel>, #tpu.dimension_semantics<subcore_parallel>], iteration_bounds = array<i64: 2, 16>, scalar_prefetch = 0 : i64, scratch_operands = 6 : i64, tpu.core_type = #tpu.core_type<sc_vector_subcore>, window_params = [{transform_indices = #map}, {transform_indices = #map}, {transform_indices = #map1}, {transform_indices = #map1}, {transform_indices = #map1}, {transform_indices = #map1}]} {
    %mul3A = arith.constant 2 : i32
    %mul3A_0 = arith.muli %arg1, %mul3A : i32
    %add3A = arith.addi %mul3A_0, %arg0 : i32
    %mul3A_1 = arith.constant 10000 : i32
    %mul3A_2 = arith.muli %add3A, %mul3A_1 : i32
    %scan3A = arith.constant 0 : i32
    %scan3A_3 = arith.constant 0 : i32
    %scan3A_4 = arith.constant 125 : i32
    %scan3A_5 = arith.addi %scan3A_3, %scan3A_4 : i32
    %scan3A_6 = arith.constant 1 : i32
    scf.for %scan3A_8 = %scan3A_3 to %scan3A_5 step %scan3A_6  : i32 {
      %mul3A_9 = arith.constant 80 : i32
      %mul3A_10 = arith.muli %scan3A_8, %mul3A_9 : i32
      %add3A_11 = arith.addi %mul3A_2, %mul3A_10 : i32
      "tpu.region"() ({
        %run_scoped3A = tpu.sem_alloc : memref<!tpu.dma_semaphore, #tpu.memory_space<semaphore_mem>>
        %dma_start3A_22 = tpu.memref_slice %arg2[%add3A_11] : memref<320000xi32, #tpu.memory_space<hbm>> -> memref<80xi32, #tpu.memory_space<hbm>>
        %dma_start3A_23 = tpu.memref_slice %arg2[%add3A_11] : memref<320000xi32, #tpu.memory_space<hbm>> -> memref<80xi32, #tpu.memory_space<hbm>>
        tpu.enqueue_dma source(%dma_start3A_23 : memref<80xi32, #tpu.memory_space<hbm>>) target(%arg8 : memref<80xi32, #tpu.memory_space<vmem>>) target_semaphore(%run_scoped3A : memref<!tpu.dma_semaphore, #tpu.memory_space<semaphore_mem>>)
        %dma_wait3A_24 = tpu.memref_slice %arg2[%add3A_11] : memref<320000xi32, #tpu.memory_space<hbm>> -> memref<80xi32, #tpu.memory_space<hbm>>
        %dma_wait3A_25 = tpu.memref_slice %arg2[%add3A_11] : memref<320000xi32, #tpu.memory_space<hbm>> -> memref<80xi32, #tpu.memory_space<hbm>>
        tpu.wait_dma2 semaphore(%run_scoped3A : memref<!tpu.dma_semaphore, #tpu.memory_space<semaphore_mem>>) src(%dma_wait3A_25 : memref<80xi32, #tpu.memory_space<hbm>>) dst(%arg8 : memref<80xi32, #tpu.memory_space<vmem>>)
        tpu.yield
      }) : () -> ()
      "tpu.region"() ({
        %run_scoped3A = tpu.sem_alloc : memref<!tpu.dma_semaphore, #tpu.memory_space<semaphore_mem>>
        %dma_start3A_22 = tpu.memref_slice %arg3[%add3A_11] : memref<320000xi32, #tpu.memory_space<hbm>> -> memref<80xi32, #tpu.memory_space<hbm>>
        %dma_start3A_23 = tpu.memref_slice %arg3[%add3A_11] : memref<320000xi32, #tpu.memory_space<hbm>> -> memref<80xi32, #tpu.memory_space<hbm>>
        tpu.enqueue_dma source(%dma_start3A_23 : memref<80xi32, #tpu.memory_space<hbm>>) target(%arg9 : memref<80xi32, #tpu.memory_space<vmem>>) target_semaphore(%run_scoped3A : memref<!tpu.dma_semaphore, #tpu.memory_space<semaphore_mem>>)
        %dma_wait3A_24 = tpu.memref_slice %arg3[%add3A_11] : memref<320000xi32, #tpu.memory_space<hbm>> -> memref<80xi32, #tpu.memory_space<hbm>>
        %dma_wait3A_25 = tpu.memref_slice %arg3[%add3A_11] : memref<320000xi32, #tpu.memory_space<hbm>> -> memref<80xi32, #tpu.memory_space<hbm>>
        tpu.wait_dma2 semaphore(%run_scoped3A : memref<!tpu.dma_semaphore, #tpu.memory_space<semaphore_mem>>) src(%dma_wait3A_25 : memref<80xi32, #tpu.memory_space<hbm>>) dst(%arg9 : memref<80xi32, #tpu.memory_space<vmem>>)
        tpu.yield
      }) : () -> ()
      %dma_start3A = arith.constant 0 : i32
      %dma_start3A_12 = arith.constant 0 : i32
      %dma_start3A_13 = tpu.memref_slice %arg4[%dma_start3A, %dma_start3A_12] : memref<10000x128xf32, #tpu.memory_space<hbm>> -> memref<10000x128xf32, #tpu.memory_space<hbm>>
      tpu.enqueue_indirect_dma source(%dma_start3A_13 : memref<10000x128xf32, #tpu.memory_space<hbm>>) target(%arg10 : memref<80x128xf32, #tpu.memory_space<vmem>>) offsets(%arg8 : memref<80xi32, #tpu.memory_space<vmem>>) semaphore(%arg12 : memref<!tpu.dma_semaphore, #tpu.memory_space<semaphore_mem>>)
      %dma_start3A_14 = arith.constant 0 : i32
      %dma_start3A_15 = arith.constant 0 : i32
      %dma_start3A_16 = tpu.memref_slice %arg5[%dma_start3A_14, %dma_start3A_15] : memref<10000x128xf32, #tpu.memory_space<hbm>> -> memref<10000x128xf32, #tpu.memory_space<hbm>>
      tpu.enqueue_indirect_dma source(%dma_start3A_16 : memref<10000x128xf32, #tpu.memory_space<hbm>>) target(%arg11 : memref<80x128xf32, #tpu.memory_space<vmem>>) offsets(%arg9 : memref<80xi32, #tpu.memory_space<vmem>>) semaphore(%arg13 : memref<!tpu.dma_semaphore, #tpu.memory_space<semaphore_mem>>)
      %dma_wait3A = arith.constant 0 : i32
      %dma_wait3A_17 = arith.constant 0 : i32
      %dma_wait3A_18 = tpu.memref_slice %arg4[%dma_wait3A, %dma_wait3A_17] : memref<10000x128xf32, #tpu.memory_space<hbm>> -> memref<10000x128xf32, #tpu.memory_space<hbm>>
      tpu.wait_indirect_dma semaphore(%arg12 : memref<!tpu.dma_semaphore, #tpu.memory_space<semaphore_mem>>) src(%dma_wait3A_18 : memref<10000x128xf32, #tpu.memory_space<hbm>>) dst(%arg10 : memref<80x128xf32, #tpu.memory_space<vmem>>)
      %dma_wait3A_19 = arith.constant 0 : i32
      %dma_wait3A_20 = arith.constant 0 : i32
      %dma_wait3A_21 = tpu.memref_slice %arg5[%dma_wait3A_19, %dma_wait3A_20] : memref<10000x128xf32, #tpu.memory_space<hbm>> -> memref<10000x128xf32, #tpu.memory_space<hbm>>
      tpu.wait_indirect_dma semaphore(%arg13 : memref<!tpu.dma_semaphore, #tpu.memory_space<semaphore_mem>>) src(%dma_wait3A_21 : memref<10000x128xf32, #tpu.memory_space<hbm>>) dst(%arg11 : memref<80x128xf32, #tpu.memory_space<vmem>>)
      "tpu.region"() ({
        %run_scoped3A = tpu.sem_alloc : memref<!tpu.dma_semaphore, #tpu.memory_space<semaphore_mem>>
        %dma_start3A_22 = arith.constant 0 : i32
        %dma_start3A_23 = tpu.memref_slice %arg6[%add3A_11, %dma_start3A_22] : memref<320000x128xf32, #tpu.memory_space<hbm>> -> memref<80x128xf32, #tpu.memory_space<hbm>>
        %dma_start3A_24 = arith.constant 0 : i32
        %dma_start3A_25 = tpu.memref_slice %arg6[%add3A_11, %dma_start3A_24] : memref<320000x128xf32, #tpu.memory_space<hbm>> -> memref<80x128xf32, #tpu.memory_space<hbm>>
        tpu.enqueue_dma source(%arg10 : memref<80x128xf32, #tpu.memory_space<vmem>>) target(%dma_start3A_25 : memref<80x128xf32, #tpu.memory_space<hbm>>) target_semaphore(%run_scoped3A : memref<!tpu.dma_semaphore, #tpu.memory_space<semaphore_mem>>)
        %dma_wait3A_26 = arith.constant 0 : i32
        %dma_wait3A_27 = tpu.memref_slice %arg6[%add3A_11, %dma_wait3A_26] : memref<320000x128xf32, #tpu.memory_space<hbm>> -> memref<80x128xf32, #tpu.memory_space<hbm>>
        %dma_wait3A_28 = arith.constant 0 : i32
        %dma_wait3A_29 = tpu.memref_slice %arg6[%add3A_11, %dma_wait3A_28] : memref<320000x128xf32, #tpu.memory_space<hbm>> -> memref<80x128xf32, #tpu.memory_space<hbm>>
        tpu.wait_dma2 semaphore(%run_scoped3A : memref<!tpu.dma_semaphore, #tpu.memory_space<semaphore_mem>>) src(%arg10 : memref<80x128xf32, #tpu.memory_space<vmem>>) dst(%dma_wait3A_29 : memref<80x128xf32, #tpu.memory_space<hbm>>)
        tpu.yield
      }) : () -> ()
      "tpu.region"() ({
        %run_scoped3A = tpu.sem_alloc : memref<!tpu.dma_semaphore, #tpu.memory_space<semaphore_mem>>
        %dma_start3A_22 = arith.constant 0 : i32
        %dma_start3A_23 = tpu.memref_slice %arg7[%add3A_11, %dma_start3A_22] : memref<320000x128xf32, #tpu.memory_space<hbm>> -> memref<80x128xf32, #tpu.memory_space<hbm>>
        %dma_start3A_24 = arith.constant 0 : i32
        %dma_start3A_25 = tpu.memref_slice %arg7[%add3A_11, %dma_start3A_24] : memref<320000x128xf32, #tpu.memory_space<hbm>> -> memref<80x128xf32, #tpu.memory_space<hbm>>
        tpu.enqueue_dma source(%arg11 : memref<80x128xf32, #tpu.memory_space<vmem>>) target(%dma_start3A_25 : memref<80x128xf32, #tpu.memory_space<hbm>>) target_semaphore(%run_scoped3A : memref<!tpu.dma_semaphore, #tpu.memory_space<semaphore_mem>>)
        %dma_wait3A_26 = arith.constant 0 : i32
        %dma_wait3A_27 = tpu.memref_slice %arg7[%add3A_11, %dma_wait3A_26] : memref<320000x128xf32, #tpu.memory_space<hbm>> -> memref<80x128xf32, #tpu.memory_space<hbm>>
        %dma_wait3A_28 = arith.constant 0 : i32
        %dma_wait3A_29 = tpu.memref_slice %arg7[%add3A_11, %dma_wait3A_28] : memref<320000x128xf32, #tpu.memory_space<hbm>> -> memref<80x128xf32, #tpu.memory_space<hbm>>
        tpu.wait_dma2 semaphore(%run_scoped3A : memref<!tpu.dma_semaphore, #tpu.memory_space<semaphore_mem>>) src(%arg11 : memref<80x128xf32, #tpu.memory_space<vmem>>) dst(%dma_wait3A_29 : memref<80x128xf32, #tpu.memory_space<hbm>>)
        tpu.yield
      }) : () -> ()
    }
    %scan3A_7 = arith.constant 125 : i32
    return
  }
}

#map = affine_map<(d0, d1) -> (0)>
#map1 = affine_map<(d0, d1) -> (0, 0)>
#map2 = affine_map<(d0, d1) -> (0, 0, 0)>
module attributes {stable_mosaic.version = 14 : i64} {
  func.func @_den_accum(%arg0: i32, %arg1: i32, %arg2: memref<320000xi32, #tpu.memory_space<hbm>>, %arg3: memref<1280000xf32, #tpu.memory_space<hbm>>, %arg4: memref<10240x16xf32, #tpu.memory_space<hbm>>, %arg5: memref<32x2560x16xf32, #tpu.memory_space<hbm>>, %arg6: memref<80xi32, #tpu.memory_space<vmem>>, %arg7: memref<320xf32, #tpu.memory_space<vmem>>, %arg8: memref<320xf32, #tpu.memory_space<vmem>>, %arg9: memref<80x16xf32, #tpu.memory_space<vmem>>, %arg10: memref<2560x16xf32, #tpu.memory_space<vmem>>, %arg11: memref<!tpu.dma_semaphore, #tpu.memory_space<semaphore_mem>>) attributes {dimension_semantics = [#tpu.dimension_semantics<core_parallel>, #tpu.dimension_semantics<subcore_parallel>], iteration_bounds = array<i64: 2, 16>, scalar_prefetch = 0 : i64, scratch_operands = 6 : i64, tpu.core_type = #tpu.core_type<sc_vector_subcore>, window_params = [{transform_indices = #map}, {transform_indices = #map}, {transform_indices = #map1}, {transform_indices = #map2}]} {
    %mul3A = arith.constant 2 : i32
    %mul3A_0 = arith.muli %arg1, %mul3A : i32
    %add3A = arith.addi %mul3A_0, %arg0 : i32
    %mul3A_1 = arith.constant 10000 : i32
    %mul3A_2 = arith.muli %add3A, %mul3A_1 : i32
    %iota3A = tpu.iota {dimensions = array<i32: 0>} : vector<16xi32>
    %jit3A = arith.constant 4 : i32
    %div3A = vector.broadcast %jit3A : i32 to vector<16xi32>
    %div3A_3 = arith.divsi %iota3A, %div3A : vector<16xi32>
    %sign3A = arith.constant 0 : i32
    %sign3A_4 = vector.broadcast %sign3A : i32 to vector<16xi32>
    %sign3A_5 = arith.cmpi sgt, %iota3A, %sign3A_4 : vector<16xi32>
    %sign3A_6 = arith.extui %sign3A_5 : vector<16xi1> to vector<16xi32>
    %sign3A_7 = arith.constant 0 : i32
    %sign3A_8 = vector.broadcast %sign3A_7 : i32 to vector<16xi32>
    %sign3A_9 = arith.cmpi slt, %iota3A, %sign3A_8 : vector<16xi32>
    %sign3A_10 = arith.extui %sign3A_9 : vector<16xi1> to vector<16xi32>
    %sign3A_11 = arith.subi %sign3A_6, %sign3A_10 : vector<16xi32>
    %sign3A_12 = arith.constant 0 : i32
    %sign3A_13 = arith.cmpi sgt, %jit3A, %sign3A_12 : i32
    %sign3A_14 = arith.extui %sign3A_13 : i1 to i32
    %sign3A_15 = arith.constant 0 : i32
    %sign3A_16 = arith.cmpi slt, %jit3A, %sign3A_15 : i32
    %sign3A_17 = arith.extui %sign3A_16 : i1 to i32
    %sign3A_18 = arith.subi %sign3A_14, %sign3A_17 : i32
    %ne3A = vector.broadcast %sign3A_18 : i32 to vector<16xi32>
    %ne3A_19 = arith.cmpi ne, %sign3A_11, %ne3A : vector<16xi32>
    %rem3A = vector.broadcast %jit3A : i32 to vector<16xi32>
    %rem3A_20 = arith.remsi %iota3A, %rem3A : vector<16xi32>
    %ne3A_21 = arith.constant 0 : i32
    %ne3A_22 = vector.broadcast %ne3A_21 : i32 to vector<16xi32>
    %ne3A_23 = arith.cmpi ne, %rem3A_20, %ne3A_22 : vector<16xi32>
    %and3A = arith.andi %ne3A_19, %ne3A_23 : vector<16xi1>
    %sub3A = arith.constant 1 : i32
    %sub3A_24 = vector.broadcast %sub3A : i32 to vector<16xi32>
    %sub3A_25 = arith.subi %div3A_3, %sub3A_24 : vector<16xi32>
    %select_n3A = arith.select %and3A, %sub3A_25, %div3A_3 : vector<16xi1>, vector<16xi32>
    %iota3A_26 = tpu.iota {dimensions = array<i32: 0>} : vector<16xi32>
    %jit3A_27 = arith.constant 4 : i32
    %eq3A = arith.constant 0 : i32
    %eq3A_28 = arith.cmpi eq, %jit3A_27, %eq3A : i32
    %jit3A_29 = arith.constant 1 : i32
    %select_n3A_30 = arith.select %eq3A_28, %jit3A_29, %jit3A_27 : i32
    %rem3A_31 = vector.broadcast %select_n3A_30 : i32 to vector<16xi32>
    %rem3A_32 = arith.remsi %iota3A_26, %rem3A_31 : vector<16xi32>
    %ne3A_33 = arith.constant 0 : i32
    %ne3A_34 = vector.broadcast %ne3A_33 : i32 to vector<16xi32>
    %ne3A_35 = arith.cmpi ne, %rem3A_32, %ne3A_34 : vector<16xi32>
    %lt3A = arith.constant 0 : i32
    %lt3A_36 = vector.broadcast %lt3A : i32 to vector<16xi32>
    %lt3A_37 = arith.cmpi slt, %rem3A_32, %lt3A_36 : vector<16xi32>
    %lt3A_38 = arith.constant 0 : i32
    %lt3A_39 = arith.cmpi slt, %select_n3A_30, %lt3A_38 : i32
    %ne3A_40 = vector.broadcast %lt3A_39 : i1 to vector<16xi1>
    %ne3A_41 = vector.broadcast %ne3A_40 : vector<16xi1> to vector<16xi1>
    %ne3A_42 = arith.xori %lt3A_37, %ne3A_41 : vector<16xi1>
    %and3A_43 = arith.andi %ne3A_42, %ne3A_35 : vector<16xi1>
    %add3A_44 = vector.broadcast %select_n3A_30 : i32 to vector<16xi32>
    %add3A_45 = arith.addi %rem3A_32, %add3A_44 : vector<16xi32>
    %select_n3A_46 = arith.select %and3A_43, %add3A_45, %rem3A_32 : vector<16xi1>, vector<16xi32>
    %broadcast_in_dim3A = arith.constant 0.000000e+00 : f32
    %broadcast_in_dim3A_47 = vector.broadcast %broadcast_in_dim3A : f32 to vector<16xf32>
    %scan3A = arith.constant 0 : i32
    %scan3A_48 = arith.constant 0 : i32
    %scan3A_49 = arith.constant 2560 : i32
    %scan3A_50 = arith.addi %scan3A_48, %scan3A_49 : i32
    %scan3A_51 = arith.constant 1 : i32
    scf.for %scan3A_62 = %scan3A_48 to %scan3A_50 step %scan3A_51  : i32 {
      %swap3A = arith.index_cast %scan3A_62 : i32 to index
      %swap3A_63 = arith.constant 0 : index
      %swap3A_64 = tpu.vector_load %arg10[%swap3A, %swap3A_63] {strides = array<i32>} : memref<2560x16xf32, #tpu.memory_space<vmem>>, vector<16xf32>,
      tpu.vector_store %arg10[%swap3A, %swap3A_63], %broadcast_in_dim3A_47 {strides = array<i32>} : memref<2560x16xf32, #tpu.memory_space<vmem>>, vector<16xf32>,
    }
    %scan3A_52 = arith.constant 2560 : i32
    %iota3A_53 = tpu.iota {dimensions = array<i32: 0>} : vector<16xi32>
    %min3A = arith.constant 3 : i32
    %min3A_54 = vector.broadcast %min3A : i32 to vector<16xi32>
    %min3A_55 = arith.minsi %iota3A_53, %min3A_54 : vector<16xi32>
    %scan3A_56 = arith.constant 0 : i32
    %scan3A_57 = arith.constant 0 : i32
    %scan3A_58 = arith.constant 125 : i32
    %scan3A_59 = arith.addi %scan3A_57, %scan3A_58 : i32
    %scan3A_60 = arith.constant 1 : i32
    scf.for %scan3A_62 = %scan3A_57 to %scan3A_59 step %scan3A_60  : i32 {
      %mul3A_63 = arith.constant 80 : i32
      %mul3A_64 = arith.muli %scan3A_62, %mul3A_63 : i32
      %add3A_65 = arith.addi %mul3A_2, %mul3A_64 : i32
      "tpu.region"() ({
        %run_scoped3A = tpu.sem_alloc : memref<!tpu.dma_semaphore, #tpu.memory_space<semaphore_mem>>
        %dma_start3A_84 = tpu.memref_slice %arg2[%add3A_65] : memref<320000xi32, #tpu.memory_space<hbm>> -> memref<80xi32, #tpu.memory_space<hbm>>
        %dma_start3A_85 = tpu.memref_slice %arg2[%add3A_65] : memref<320000xi32, #tpu.memory_space<hbm>> -> memref<80xi32, #tpu.memory_space<hbm>>
        tpu.enqueue_dma source(%dma_start3A_85 : memref<80xi32, #tpu.memory_space<hbm>>) target(%arg6 : memref<80xi32, #tpu.memory_space<vmem>>) target_semaphore(%run_scoped3A : memref<!tpu.dma_semaphore, #tpu.memory_space<semaphore_mem>>)
        %dma_wait3A_86 = tpu.memref_slice %arg2[%add3A_65] : memref<320000xi32, #tpu.memory_space<hbm>> -> memref<80xi32, #tpu.memory_space<hbm>>
        %dma_wait3A_87 = tpu.memref_slice %arg2[%add3A_65] : memref<320000xi32, #tpu.memory_space<hbm>> -> memref<80xi32, #tpu.memory_space<hbm>>
        tpu.wait_dma2 semaphore(%run_scoped3A : memref<!tpu.dma_semaphore, #tpu.memory_space<semaphore_mem>>) src(%dma_wait3A_87 : memref<80xi32, #tpu.memory_space<hbm>>) dst(%arg6 : memref<80xi32, #tpu.memory_space<vmem>>)
        tpu.yield
      }) : () -> ()
      %mul3A_66 = arith.constant 4 : i32
      %mul3A_67 = arith.muli %add3A_65, %mul3A_66 : i32
      "tpu.region"() ({
        %run_scoped3A = tpu.sem_alloc : memref<!tpu.dma_semaphore, #tpu.memory_space<semaphore_mem>>
        %dma_start3A_84 = tpu.memref_slice %arg3[%mul3A_67] : memref<1280000xf32, #tpu.memory_space<hbm>> -> memref<320xf32, #tpu.memory_space<hbm>>
        %dma_start3A_85 = tpu.memref_slice %arg3[%mul3A_67] : memref<1280000xf32, #tpu.memory_space<hbm>> -> memref<320xf32, #tpu.memory_space<hbm>>
        tpu.enqueue_dma source(%dma_start3A_85 : memref<320xf32, #tpu.memory_space<hbm>>) target(%arg7 : memref<320xf32, #tpu.memory_space<vmem>>) target_semaphore(%run_scoped3A : memref<!tpu.dma_semaphore, #tpu.memory_space<semaphore_mem>>)
        %dma_wait3A_86 = tpu.memref_slice %arg3[%mul3A_67] : memref<1280000xf32, #tpu.memory_space<hbm>> -> memref<320xf32, #tpu.memory_space<hbm>>
        %dma_wait3A_87 = tpu.memref_slice %arg3[%mul3A_67] : memref<1280000xf32, #tpu.memory_space<hbm>> -> memref<320xf32, #tpu.memory_space<hbm>>
        tpu.wait_dma2 semaphore(%run_scoped3A : memref<!tpu.dma_semaphore, #tpu.memory_space<semaphore_mem>>) src(%dma_wait3A_87 : memref<320xf32, #tpu.memory_space<hbm>>) dst(%arg7 : memref<320xf32, #tpu.memory_space<vmem>>)
        tpu.yield
      }) : () -> ()
      %dma_start3A = arith.constant 0 : i32
      %dma_start3A_68 = arith.constant 0 : i32
      %dma_start3A_69 = tpu.memref_slice %arg4[%dma_start3A, %dma_start3A_68] : memref<10240x16xf32, #tpu.memory_space<hbm>> -> memref<10240x16xf32, #tpu.memory_space<hbm>>
      tpu.enqueue_indirect_dma source(%dma_start3A_69 : memref<10240x16xf32, #tpu.memory_space<hbm>>) target(%arg9 : memref<80x16xf32, #tpu.memory_space<vmem>>) offsets(%arg6 : memref<80xi32, #tpu.memory_space<vmem>>) semaphore(%arg11 : memref<!tpu.dma_semaphore, #tpu.memory_space<semaphore_mem>>)
      %dma_wait3A = arith.constant 0 : i32
      %dma_wait3A_70 = arith.constant 0 : i32
      %dma_wait3A_71 = tpu.memref_slice %arg4[%dma_wait3A, %dma_wait3A_70] : memref<10240x16xf32, #tpu.memory_space<hbm>> -> memref<10240x16xf32, #tpu.memory_space<hbm>>
      tpu.wait_indirect_dma semaphore(%arg11 : memref<!tpu.dma_semaphore, #tpu.memory_space<semaphore_mem>>) src(%dma_wait3A_71 : memref<10240x16xf32, #tpu.memory_space<hbm>>) dst(%arg9 : memref<80x16xf32, #tpu.memory_space<vmem>>)
      %scan3A_72 = arith.constant 0 : i32
      %scan3A_73 = arith.constant 0 : i32
      %scan3A_74 = arith.constant 20 : i32
      %scan3A_75 = arith.addi %scan3A_73, %scan3A_74 : i32
      %scan3A_76 = arith.constant 1 : i32
      scf.for %scan3A_84 = %scan3A_73 to %scan3A_75 step %scan3A_76  : i32 {
        %mul3A_85 = arith.constant 16 : i32
        %mul3A_86 = arith.muli %scan3A_84, %mul3A_85 : i32
        %get3A = arith.index_cast %mul3A_86 : i32 to index
        %get3A_87 = tpu.vector_load %arg7[%get3A] {strides = array<i32>} : memref<320xf32, #tpu.memory_space<vmem>>, vector<16xf32>,
        %mul3A_88 = arith.constant 4 : i32
        %mul3A_89 = arith.muli %scan3A_84, %mul3A_88 : i32
        %add3A_90 = vector.broadcast %mul3A_89 : i32 to vector<16xi32>
        %add3A_91 = arith.addi %add3A_90, %select_n3A : vector<16xi32>
        %gather3A = tpu.vector_load_idx %arg9[%add3A_91, %select_n3A_46] : memref<80x16xf32, #tpu.memory_space<vmem>>[vector<16xi32>, vector<16xi32>], vector<16xf32>,
        %sub3A_92 = arith.subf %get3A_87, %gather3A : vector<16xf32>
        %exp3A = math.exp %sub3A_92 : vector<16xf32>
        %mul3A_93 = arith.constant 16 : i32
        %mul3A_94 = arith.muli %scan3A_84, %mul3A_93 : i32
        %swap3A = arith.index_cast %mul3A_94 : i32 to index
        %swap3A_95 = tpu.vector_load %arg8[%swap3A] {strides = array<i32>} : memref<320xf32, #tpu.memory_space<vmem>>, vector<16xf32>,
        tpu.vector_store %arg8[%swap3A], %exp3A {strides = array<i32>} : memref<320xf32, #tpu.memory_space<vmem>>, vector<16xf32>,
      }
      %scan3A_77 = arith.constant 20 : i32
      %scan3A_78 = arith.constant 0 : i32
      %scan3A_79 = arith.constant 0 : i32
      %scan3A_80 = arith.constant 80 : i32
      %scan3A_81 = arith.addi %scan3A_79, %scan3A_80 : i32
      %scan3A_82 = arith.constant 1 : i32
      scf.for %scan3A_84 = %scan3A_79 to %scan3A_81 step %scan3A_82  : i32 {
        %mul3A_85 = arith.constant 4 : i32
        %mul3A_86 = arith.muli %scan3A_84, %mul3A_85 : i32
        %add3A_87 = vector.broadcast %mul3A_86 : i32 to vector<16xi32>
        %add3A_88 = arith.addi %add3A_87, %min3A_55 : vector<16xi32>
        %gather3A = tpu.vector_load_idx %arg8[%add3A_88] : memref<320xf32, #tpu.memory_space<vmem>>[vector<16xi32>], vector<16xf32>,
        %broadcast_in_dim3A_89 = arith.constant 0 : i32
        %broadcast_in_dim3A_90 = vector.broadcast %broadcast_in_dim3A_89 : i32 to vector<16xi32>
        %add3A_91 = vector.broadcast %scan3A_84 : i32 to vector<16xi32>
        %add3A_92 = arith.addi %broadcast_in_dim3A_90, %add3A_91 : vector<16xi32>
        %gather3A_93 = tpu.vector_load_idx %arg6[%add3A_92] : memref<80xi32, #tpu.memory_space<vmem>>[vector<16xi32>], vector<16xi32>,
        %jit3A_94 = arith.constant 4 : i32
        %div3A_95 = vector.broadcast %jit3A_94 : i32 to vector<16xi32>
        %div3A_96 = arith.divsi %gather3A_93, %div3A_95 : vector<16xi32>
        %sign3A_97 = arith.constant 0 : i32
        %sign3A_98 = vector.broadcast %sign3A_97 : i32 to vector<16xi32>
        %sign3A_99 = arith.cmpi sgt, %gather3A_93, %sign3A_98 : vector<16xi32>
        %sign3A_100 = arith.extui %sign3A_99 : vector<16xi1> to vector<16xi32>
        %sign3A_101 = arith.constant 0 : i32
        %sign3A_102 = vector.broadcast %sign3A_101 : i32 to vector<16xi32>
        %sign3A_103 = arith.cmpi slt, %gather3A_93, %sign3A_102 : vector<16xi32>
        %sign3A_104 = arith.extui %sign3A_103 : vector<16xi1> to vector<16xi32>
        %sign3A_105 = arith.subi %sign3A_100, %sign3A_104 : vector<16xi32>
        %sign3A_106 = arith.constant 0 : i32
        %sign3A_107 = arith.cmpi sgt, %jit3A_94, %sign3A_106 : i32
        %sign3A_108 = arith.extui %sign3A_107 : i1 to i32
        %sign3A_109 = arith.constant 0 : i32
        %sign3A_110 = arith.cmpi slt, %jit3A_94, %sign3A_109 : i32
        %sign3A_111 = arith.extui %sign3A_110 : i1 to i32
        %sign3A_112 = arith.subi %sign3A_108, %sign3A_111 : i32
        %ne3A_113 = vector.broadcast %sign3A_112 : i32 to vector<16xi32>
        %ne3A_114 = arith.cmpi ne, %sign3A_105, %ne3A_113 : vector<16xi32>
        %rem3A_115 = vector.broadcast %jit3A_94 : i32 to vector<16xi32>
        %rem3A_116 = arith.remsi %gather3A_93, %rem3A_115 : vector<16xi32>
        %ne3A_117 = arith.constant 0 : i32
        %ne3A_118 = vector.broadcast %ne3A_117 : i32 to vector<16xi32>
        %ne3A_119 = arith.cmpi ne, %rem3A_116, %ne3A_118 : vector<16xi32>
        %and3A_120 = arith.andi %ne3A_114, %ne3A_119 : vector<16xi1>
        %sub3A_121 = arith.constant 1 : i32
        %sub3A_122 = vector.broadcast %sub3A_121 : i32 to vector<16xi32>
        %sub3A_123 = arith.subi %div3A_96, %sub3A_122 : vector<16xi32>
        %select_n3A_124 = arith.select %and3A_120, %sub3A_123, %div3A_96 : vector<16xi1>, vector<16xi32>
        %jit3A_125 = arith.constant 4 : i32
        %eq3A_126 = arith.constant 0 : i32
        %eq3A_127 = arith.cmpi eq, %jit3A_125, %eq3A_126 : i32
        %jit3A_128 = arith.constant 1 : i32
        %select_n3A_129 = arith.select %eq3A_127, %jit3A_128, %jit3A_125 : i32
        %rem3A_130 = vector.broadcast %select_n3A_129 : i32 to vector<16xi32>
        %rem3A_131 = arith.remsi %gather3A_93, %rem3A_130 : vector<16xi32>
        %ne3A_132 = arith.constant 0 : i32
        %ne3A_133 = vector.broadcast %ne3A_132 : i32 to vector<16xi32>
        %ne3A_134 = arith.cmpi ne, %rem3A_131, %ne3A_133 : vector<16xi32>
        %lt3A_135 = arith.constant 0 : i32
        %lt3A_136 = vector.broadcast %lt3A_135 : i32 to vector<16xi32>
        %lt3A_137 = arith.cmpi slt, %rem3A_131, %lt3A_136 : vector<16xi32>
        %lt3A_138 = arith.constant 0 : i32
        %lt3A_139 = arith.cmpi slt, %select_n3A_129, %lt3A_138 : i32
        %ne3A_140 = vector.broadcast %lt3A_139 : i1 to vector<16xi1>
        %ne3A_141 = vector.broadcast %ne3A_140 : vector<16xi1> to vector<16xi1>
        %ne3A_142 = arith.xori %lt3A_137, %ne3A_141 : vector<16xi1>
        %and3A_143 = arith.andi %ne3A_142, %ne3A_134 : vector<16xi1>
        %add3A_144 = vector.broadcast %select_n3A_129 : i32 to vector<16xi32>
        %add3A_145 = arith.addi %rem3A_131, %add3A_144 : vector<16xi32>
        %select_n3A_146 = arith.select %and3A_143, %add3A_145, %rem3A_131 : vector<16xi1>, vector<16xi32>
        %mul3A_147 = arith.constant 4 : i32
        %mul3A_148 = vector.broadcast %mul3A_147 : i32 to vector<16xi32>
        %mul3A_149 = arith.muli %select_n3A_146, %mul3A_148 : vector<16xi32>
        %add3A_150 = arith.addi %mul3A_149, %min3A_55 : vector<16xi32>
        %lt3A_151 = arith.constant 4 : i32
        %lt3A_152 = vector.broadcast %lt3A_151 : i32 to vector<16xi32>
        %lt3A_153 = arith.cmpi slt, %iota3A_53, %lt3A_152 : vector<16xi32>
        tpu.vector_store_idx %arg10[%select_n3A_124, %add3A_150], %gather3A masked %lt3A_153 {add = true} : memref<2560x16xf32, #tpu.memory_space<vmem>>[vector<16xi32>, vector<16xi32>], vector<16xf32>, vector<16xi1>
      }
      %scan3A_83 = arith.constant 80 : i32
    }
    %scan3A_61 = arith.constant 125 : i32
    "tpu.region"() ({
      %run_scoped3A = tpu.sem_alloc : memref<!tpu.dma_semaphore, #tpu.memory_space<semaphore_mem>>
      %dma_start3A = arith.constant 0 : i32
      %dma_start3A_62 = arith.constant 0 : i32
      %dma_start3A_63 = tpu.memref_slice %arg5[%add3A, %dma_start3A, %dma_start3A_62] : memref<32x2560x16xf32, #tpu.memory_space<hbm>> -> memref<1x2560x16xf32, #tpu.memory_space<hbm>>
      %dma_start3A_64 = tpu.memref_squeeze %dma_start3A_63 : memref<1x2560x16xf32, #tpu.memory_space<hbm>> -> memref<2560x16xf32, #tpu.memory_space<hbm>>
      %dma_start3A_65 = arith.constant 0 : i32
      %dma_start3A_66 = arith.constant 0 : i32
      %dma_start3A_67 = tpu.memref_slice %arg5[%add3A, %dma_start3A_65, %dma_start3A_66] : memref<32x2560x16xf32, #tpu.memory_space<hbm>> -> memref<1x2560x16xf32, #tpu.memory_space<hbm>>
      %dma_start3A_68 = tpu.memref_squeeze %dma_start3A_67 : memref<1x2560x16xf32, #tpu.memory_space<hbm>> -> memref<2560x16xf32, #tpu.memory_space<hbm>>
      tpu.enqueue_dma source(%arg10 : memref<2560x16xf32, #tpu.memory_space<vmem>>) target(%dma_start3A_68 : memref<2560x16xf32, #tpu.memory_space<hbm>>) target_semaphore(%run_scoped3A : memref<!tpu.dma_semaphore, #tpu.memory_space<semaphore_mem>>)
      %dma_wait3A = arith.constant 0 : i32
      %dma_wait3A_69 = arith.constant 0 : i32
      %dma_wait3A_70 = tpu.memref_slice %arg5[%add3A, %dma_wait3A, %dma_wait3A_69] : memref<32x2560x16xf32, #tpu.memory_space<hbm>> -> memref<1x2560x16xf32, #tpu.memory_space<hbm>>
      %dma_wait3A_71 = tpu.memref_squeeze %dma_wait3A_70 : memref<1x2560x16xf32, #tpu.memory_space<hbm>> -> memref<2560x16xf32, #tpu.memory_space<hbm>>
      %dma_wait3A_72 = arith.constant 0 : i32
      %dma_wait3A_73 = arith.constant 0 : i32
      %dma_wait3A_74 = tpu.memref_slice %arg5[%add3A, %dma_wait3A_72, %dma_wait3A_73] : memref<32x2560x16xf32, #tpu.memory_space<hbm>> -> memref<1x2560x16xf32, #tpu.memory_space<hbm>>
      %dma_wait3A_75 = tpu.memref_squeeze %dma_wait3A_74 : memref<1x2560x16xf32, #tpu.memory_space<hbm>> -> memref<2560x16xf32, #tpu.memory_space<hbm>>
      tpu.wait_dma2 semaphore(%run_scoped3A : memref<!tpu.dma_semaphore, #tpu.memory_space<semaphore_mem>>) src(%arg10 : memref<2560x16xf32, #tpu.memory_space<vmem>>) dst(%dma_wait3A_75 : memref<2560x16xf32, #tpu.memory_space<hbm>>)
      tpu.yield
    }) : () -> ()
    return
  }
}

#map = affine_map<(d0, d1) -> (0)>
#map1 = affine_map<(d0, d1) -> (0, 0)>
#map2 = affine_map<(d0, d1) -> (0, 0, 0)>
module attributes {stable_mosaic.version = 14 : i64} {
  func.func @_edge_accum(%arg0: i32, %arg1: i32, %arg2: memref<320000xi32, #tpu.memory_space<hbm>>, %arg3: memref<320000xi32, #tpu.memory_space<hbm>>, %arg4: memref<1280000xf32, #tpu.memory_space<hbm>>, %arg5: memref<10240x16xf32, #tpu.memory_space<hbm>>, %arg6: memref<10000x128xf32, #tpu.memory_space<hbm>>, %arg7: memref<2x10240x128xf32, #tpu.memory_space<hbm>>, %arg8: memref<80xi32, #tpu.memory_space<vmem>>, %arg9: memref<80xi32, #tpu.memory_space<vmem>>, %arg10: memref<320xf32, #tpu.memory_space<vmem>>, %arg11: memref<320xf32, #tpu.memory_space<vmem>>, %arg12: memref<80x128xf32, #tpu.memory_space<vmem>>, %arg13: memref<80x128xf32, #tpu.memory_space<vmem>>, %arg14: memref<80x16xf32, #tpu.memory_space<vmem>>, %arg15: memref<10240x128xf32, #tpu.memory_space<vmem_shared>>, %arg16: memref<!tpu.dma_semaphore, #tpu.memory_space<semaphore_mem>>, %arg17: memref<!tpu.dma_semaphore, #tpu.memory_space<semaphore_mem>>) attributes {dimension_semantics = [#tpu.dimension_semantics<core_parallel>, #tpu.dimension_semantics<subcore_parallel>], iteration_bounds = array<i64: 2, 16>, scalar_prefetch = 0 : i64, scratch_operands = 10 : i64, tpu.core_type = #tpu.core_type<sc_vector_subcore>, window_params = [{transform_indices = #map}, {transform_indices = #map}, {transform_indices = #map}, {transform_indices = #map1}, {transform_indices = #map1}, {transform_indices = #map2}]} {
    %mul3A = arith.constant 2 : i32
    %mul3A_0 = arith.muli %arg1, %mul3A : i32
    %add3A = arith.addi %mul3A_0, %arg0 : i32
    %mul3A_1 = arith.constant 10000 : i32
    %mul3A_2 = arith.muli %add3A, %mul3A_1 : i32
    %mul3A_3 = arith.constant 640 : i32
    %mul3A_4 = arith.muli %arg1, %mul3A_3 : i32
    %iota3A = tpu.iota {dimensions = array<i32: 0>} : vector<16xi32>
    %jit3A = arith.constant 4 : i32
    %div3A = vector.broadcast %jit3A : i32 to vector<16xi32>
    %div3A_5 = arith.divsi %iota3A, %div3A : vector<16xi32>
    %sign3A = arith.constant 0 : i32
    %sign3A_6 = vector.broadcast %sign3A : i32 to vector<16xi32>
    %sign3A_7 = arith.cmpi sgt, %iota3A, %sign3A_6 : vector<16xi32>
    %sign3A_8 = arith.extui %sign3A_7 : vector<16xi1> to vector<16xi32>
    %sign3A_9 = arith.constant 0 : i32
    %sign3A_10 = vector.broadcast %sign3A_9 : i32 to vector<16xi32>
    %sign3A_11 = arith.cmpi slt, %iota3A, %sign3A_10 : vector<16xi32>
    %sign3A_12 = arith.extui %sign3A_11 : vector<16xi1> to vector<16xi32>
    %sign3A_13 = arith.subi %sign3A_8, %sign3A_12 : vector<16xi32>
    %sign3A_14 = arith.constant 0 : i32
    %sign3A_15 = arith.cmpi sgt, %jit3A, %sign3A_14 : i32
    %sign3A_16 = arith.extui %sign3A_15 : i1 to i32
    %sign3A_17 = arith.constant 0 : i32
    %sign3A_18 = arith.cmpi slt, %jit3A, %sign3A_17 : i32
    %sign3A_19 = arith.extui %sign3A_18 : i1 to i32
    %sign3A_20 = arith.subi %sign3A_16, %sign3A_19 : i32
    %ne3A = vector.broadcast %sign3A_20 : i32 to vector<16xi32>
    %ne3A_21 = arith.cmpi ne, %sign3A_13, %ne3A : vector<16xi32>
    %rem3A = vector.broadcast %jit3A : i32 to vector<16xi32>
    %rem3A_22 = arith.remsi %iota3A, %rem3A : vector<16xi32>
    %ne3A_23 = arith.constant 0 : i32
    %ne3A_24 = vector.broadcast %ne3A_23 : i32 to vector<16xi32>
    %ne3A_25 = arith.cmpi ne, %rem3A_22, %ne3A_24 : vector<16xi32>
    %and3A = arith.andi %ne3A_21, %ne3A_25 : vector<16xi1>
    %sub3A = arith.constant 1 : i32
    %sub3A_26 = vector.broadcast %sub3A : i32 to vector<16xi32>
    %sub3A_27 = arith.subi %div3A_5, %sub3A_26 : vector<16xi32>
    %select_n3A = arith.select %and3A, %sub3A_27, %div3A_5 : vector<16xi1>, vector<16xi32>
    %jit3A_28 = arith.constant 4 : i32
    %eq3A = arith.constant 0 : i32
    %eq3A_29 = arith.cmpi eq, %jit3A_28, %eq3A : i32
    %jit3A_30 = arith.constant 1 : i32
    %select_n3A_31 = arith.select %eq3A_29, %jit3A_30, %jit3A_28 : i32
    %rem3A_32 = vector.broadcast %select_n3A_31 : i32 to vector<16xi32>
    %rem3A_33 = arith.remsi %iota3A, %rem3A_32 : vector<16xi32>
    %ne3A_34 = arith.constant 0 : i32
    %ne3A_35 = vector.broadcast %ne3A_34 : i32 to vector<16xi32>
    %ne3A_36 = arith.cmpi ne, %rem3A_33, %ne3A_35 : vector<16xi32>
    %lt3A = arith.constant 0 : i32
    %lt3A_37 = vector.broadcast %lt3A : i32 to vector<16xi32>
    %lt3A_38 = arith.cmpi slt, %rem3A_33, %lt3A_37 : vector<16xi32>
    %lt3A_39 = arith.constant 0 : i32
    %lt3A_40 = arith.cmpi slt, %select_n3A_31, %lt3A_39 : i32
    %ne3A_41 = vector.broadcast %lt3A_40 : i1 to vector<16xi1>
    %ne3A_42 = vector.broadcast %ne3A_41 : vector<16xi1> to vector<16xi1>
    %ne3A_43 = arith.xori %lt3A_38, %ne3A_42 : vector<16xi1>
    %and3A_44 = arith.andi %ne3A_43, %ne3A_36 : vector<16xi1>
    %add3A_45 = vector.broadcast %select_n3A_31 : i32 to vector<16xi32>
    %add3A_46 = arith.addi %rem3A_33, %add3A_45 : vector<16xi32>
    %select_n3A_47 = arith.select %and3A_44, %add3A_46, %rem3A_33 : vector<16xi1>, vector<16xi32>
    %broadcast_in_dim3A = arith.constant 0.000000e+00 : f32
    %broadcast_in_dim3A_48 = vector.broadcast %broadcast_in_dim3A : f32 to vector<16xf32>
    %scan3A = arith.constant 0 : i32
    %scan3A_49 = arith.constant 0 : i32
    %scan3A_50 = arith.constant 80 : i32
    %scan3A_51 = arith.addi %scan3A_49, %scan3A_50 : i32
    %scan3A_52 = arith.constant 1 : i32
    scf.for %scan3A_109 = %scan3A_49 to %scan3A_51 step %scan3A_52  : i32 {
      %swap3A = arith.index_cast %scan3A_109 : i32 to index
      %swap3A_110 = arith.constant 0 : index
      %swap3A_111 = tpu.vector_load %arg13[%swap3A, %swap3A_110] {strides = array<i32>} : memref<80x128xf32, #tpu.memory_space<vmem>>, vector<16xf32>,
      tpu.vector_store %arg13[%swap3A, %swap3A_110], %broadcast_in_dim3A_48 {strides = array<i32>} : memref<80x128xf32, #tpu.memory_space<vmem>>, vector<16xf32>,
      %swap3A_112 = arith.index_cast %scan3A_109 : i32 to index
      %swap3A_113 = arith.constant 16 : index
      %swap3A_114 = tpu.vector_load %arg13[%swap3A_112, %swap3A_113] {strides = array<i32>} : memref<80x128xf32, #tpu.memory_space<vmem>>, vector<16xf32>,
      tpu.vector_store %arg13[%swap3A_112, %swap3A_113], %broadcast_in_dim3A_48 {strides = array<i32>} : memref<80x128xf32, #tpu.memory_space<vmem>>, vector<16xf32>,
      %swap3A_115 = arith.index_cast %scan3A_109 : i32 to index
      %swap3A_116 = arith.constant 32 : index
      %swap3A_117 = tpu.vector_load %arg13[%swap3A_115, %swap3A_116] {strides = array<i32>} : memref<80x128xf32, #tpu.memory_space<vmem>>, vector<16xf32>,
      tpu.vector_store %arg13[%swap3A_115, %swap3A_116], %broadcast_in_dim3A_48 {strides = array<i32>} : memref<80x128xf32, #tpu.memory_space<vmem>>, vector<16xf32>,
      %swap3A_118 = arith.index_cast %scan3A_109 : i32 to index
      %swap3A_119 = arith.constant 48 : index
      %swap3A_120 = tpu.vector_load %arg13[%swap3A_118, %swap3A_119] {strides = array<i32>} : memref<80x128xf32, #tpu.memory_space<vmem>>, vector<16xf32>,
      tpu.vector_store %arg13[%swap3A_118, %swap3A_119], %broadcast_in_dim3A_48 {strides = array<i32>} : memref<80x128xf32, #tpu.memory_space<vmem>>, vector<16xf32>,
      %swap3A_121 = arith.index_cast %scan3A_109 : i32 to index
      %swap3A_122 = arith.constant 64 : index
      %swap3A_123 = tpu.vector_load %arg13[%swap3A_121, %swap3A_122] {strides = array<i32>} : memref<80x128xf32, #tpu.memory_space<vmem>>, vector<16xf32>,
      tpu.vector_store %arg13[%swap3A_121, %swap3A_122], %broadcast_in_dim3A_48 {strides = array<i32>} : memref<80x128xf32, #tpu.memory_space<vmem>>, vector<16xf32>,
      %swap3A_124 = arith.index_cast %scan3A_109 : i32 to index
      %swap3A_125 = arith.constant 80 : index
      %swap3A_126 = tpu.vector_load %arg13[%swap3A_124, %swap3A_125] {strides = array<i32>} : memref<80x128xf32, #tpu.memory_space<vmem>>, vector<16xf32>,
      tpu.vector_store %arg13[%swap3A_124, %swap3A_125], %broadcast_in_dim3A_48 {strides = array<i32>} : memref<80x128xf32, #tpu.memory_space<vmem>>, vector<16xf32>,
      %swap3A_127 = arith.index_cast %scan3A_109 : i32 to index
      %swap3A_128 = arith.constant 96 : index
      %swap3A_129 = tpu.vector_load %arg13[%swap3A_127, %swap3A_128] {strides = array<i32>} : memref<80x128xf32, #tpu.memory_space<vmem>>, vector<16xf32>,
      tpu.vector_store %arg13[%swap3A_127, %swap3A_128], %broadcast_in_dim3A_48 {strides = array<i32>} : memref<80x128xf32, #tpu.memory_space<vmem>>, vector<16xf32>,
      %swap3A_130 = arith.index_cast %scan3A_109 : i32 to index
      %swap3A_131 = arith.constant 112 : index
      %swap3A_132 = tpu.vector_load %arg13[%swap3A_130, %swap3A_131] {strides = array<i32>} : memref<80x128xf32, #tpu.memory_space<vmem>>, vector<16xf32>,
      tpu.vector_store %arg13[%swap3A_130, %swap3A_131], %broadcast_in_dim3A_48 {strides = array<i32>} : memref<80x128xf32, #tpu.memory_space<vmem>>, vector<16xf32>,
    }
    %scan3A_53 = arith.constant 80 : i32
    %add3A_54 = arith.constant 0 : i32
    %add3A_55 = arith.addi %mul3A_4, %add3A_54 : i32
    "tpu.region"() ({
      %run_scoped3A = tpu.sem_alloc : memref<!tpu.dma_semaphore, #tpu.memory_space<semaphore_mem>>
      %dma_start3A = arith.constant 0 : i32
      %dma_start3A_109 = tpu.memref_slice %arg15[%add3A_55, %dma_start3A] : memref<10240x128xf32, #tpu.memory_space<vmem_shared>> -> memref<80x128xf32, #tpu.memory_space<vmem_shared>>
      %dma_start3A_110 = arith.constant 0 : i32
      %dma_start3A_111 = tpu.memref_slice %arg15[%add3A_55, %dma_start3A_110] : memref<10240x128xf32, #tpu.memory_space<vmem_shared>> -> memref<80x128xf32, #tpu.memory_space<vmem_shared>>
      tpu.enqueue_dma source(%arg13 : memref<80x128xf32, #tpu.memory_space<vmem>>) target(%dma_start3A_111 : memref<80x128xf32, #tpu.memory_space<vmem_shared>>) target_semaphore(%run_scoped3A : memref<!tpu.dma_semaphore, #tpu.memory_space<semaphore_mem>>)
      %dma_wait3A = arith.constant 0 : i32
      %dma_wait3A_112 = tpu.memref_slice %arg15[%add3A_55, %dma_wait3A] : memref<10240x128xf32, #tpu.memory_space<vmem_shared>> -> memref<80x128xf32, #tpu.memory_space<vmem_shared>>
      %dma_wait3A_113 = arith.constant 0 : i32
      %dma_wait3A_114 = tpu.memref_slice %arg15[%add3A_55, %dma_wait3A_113] : memref<10240x128xf32, #tpu.memory_space<vmem_shared>> -> memref<80x128xf32, #tpu.memory_space<vmem_shared>>
      tpu.wait_dma2 semaphore(%run_scoped3A : memref<!tpu.dma_semaphore, #tpu.memory_space<semaphore_mem>>) src(%arg13 : memref<80x128xf32, #tpu.memory_space<vmem>>) dst(%dma_wait3A_114 : memref<80x128xf32, #tpu.memory_space<vmem_shared>>)
      tpu.yield
    }) : () -> ()
    %add3A_56 = arith.constant 80 : i32
    %add3A_57 = arith.addi %mul3A_4, %add3A_56 : i32
    "tpu.region"() ({
      %run_scoped3A = tpu.sem_alloc : memref<!tpu.dma_semaphore, #tpu.memory_space<semaphore_mem>>
      %dma_start3A = arith.constant 0 : i32
      %dma_start3A_109 = tpu.memref_slice %arg15[%add3A_57, %dma_start3A] : memref<10240x128xf32, #tpu.memory_space<vmem_shared>> -> memref<80x128xf32, #tpu.memory_space<vmem_shared>>
      %dma_start3A_110 = arith.constant 0 : i32
      %dma_start3A_111 = tpu.memref_slice %arg15[%add3A_57, %dma_start3A_110] : memref<10240x128xf32, #tpu.memory_space<vmem_shared>> -> memref<80x128xf32, #tpu.memory_space<vmem_shared>>
      tpu.enqueue_dma source(%arg13 : memref<80x128xf32, #tpu.memory_space<vmem>>) target(%dma_start3A_111 : memref<80x128xf32, #tpu.memory_space<vmem_shared>>) target_semaphore(%run_scoped3A : memref<!tpu.dma_semaphore, #tpu.memory_space<semaphore_mem>>)
      %dma_wait3A = arith.constant 0 : i32
      %dma_wait3A_112 = tpu.memref_slice %arg15[%add3A_57, %dma_wait3A] : memref<10240x128xf32, #tpu.memory_space<vmem_shared>> -> memref<80x128xf32, #tpu.memory_space<vmem_shared>>
      %dma_wait3A_113 = arith.constant 0 : i32
      %dma_wait3A_114 = tpu.memref_slice %arg15[%add3A_57, %dma_wait3A_113] : memref<10240x128xf32, #tpu.memory_space<vmem_shared>> -> memref<80x128xf32, #tpu.memory_space<vmem_shared>>
      tpu.wait_dma2 semaphore(%run_scoped3A : memref<!tpu.dma_semaphore, #tpu.memory_space<semaphore_mem>>) src(%arg13 : memref<80x128xf32, #tpu.memory_space<vmem>>) dst(%dma_wait3A_114 : memref<80x128xf32, #tpu.memory_space<vmem_shared>>)
      tpu.yield
    }) : () -> ()
    %add3A_58 = arith.constant 160 : i32
    %add3A_59 = arith.addi %mul3A_4, %add3A_58 : i32
    "tpu.region"() ({
      %run_scoped3A = tpu.sem_alloc : memref<!tpu.dma_semaphore, #tpu.memory_space<semaphore_mem>>
      %dma_start3A = arith.constant 0 : i32
      %dma_start3A_109 = tpu.memref_slice %arg15[%add3A_59, %dma_start3A] : memref<10240x128xf32, #tpu.memory_space<vmem_shared>> -> memref<80x128xf32, #tpu.memory_space<vmem_shared>>
      %dma_start3A_110 = arith.constant 0 : i32
      %dma_start3A_111 = tpu.memref_slice %arg15[%add3A_59, %dma_start3A_110] : memref<10240x128xf32, #tpu.memory_space<vmem_shared>> -> memref<80x128xf32, #tpu.memory_space<vmem_shared>>
      tpu.enqueue_dma source(%arg13 : memref<80x128xf32, #tpu.memory_space<vmem>>) target(%dma_start3A_111 : memref<80x128xf32, #tpu.memory_space<vmem_shared>>) target_semaphore(%run_scoped3A : memref<!tpu.dma_semaphore, #tpu.memory_space<semaphore_mem>>)
      %dma_wait3A = arith.constant 0 : i32
      %dma_wait3A_112 = tpu.memref_slice %arg15[%add3A_59, %dma_wait3A] : memref<10240x128xf32, #tpu.memory_space<vmem_shared>> -> memref<80x128xf32, #tpu.memory_space<vmem_shared>>
      %dma_wait3A_113 = arith.constant 0 : i32
      %dma_wait3A_114 = tpu.memref_slice %arg15[%add3A_59, %dma_wait3A_113] : memref<10240x128xf32, #tpu.memory_space<vmem_shared>> -> memref<80x128xf32, #tpu.memory_space<vmem_shared>>
      tpu.wait_dma2 semaphore(%run_scoped3A : memref<!tpu.dma_semaphore, #tpu.memory_space<semaphore_mem>>) src(%arg13 : memref<80x128xf32, #tpu.memory_space<vmem>>) dst(%dma_wait3A_114 : memref<80x128xf32, #tpu.memory_space<vmem_shared>>)
      tpu.yield
    }) : () -> ()
    %add3A_60 = arith.constant 240 : i32
    %add3A_61 = arith.addi %mul3A_4, %add3A_60 : i32
    "tpu.region"() ({
      %run_scoped3A = tpu.sem_alloc : memref<!tpu.dma_semaphore, #tpu.memory_space<semaphore_mem>>
      %dma_start3A = arith.constant 0 : i32
      %dma_start3A_109 = tpu.memref_slice %arg15[%add3A_61, %dma_start3A] : memref<10240x128xf32, #tpu.memory_space<vmem_shared>> -> memref<80x128xf32, #tpu.memory_space<vmem_shared>>
      %dma_start3A_110 = arith.constant 0 : i32
      %dma_start3A_111 = tpu.memref_slice %arg15[%add3A_61, %dma_start3A_110] : memref<10240x128xf32, #tpu.memory_space<vmem_shared>> -> memref<80x128xf32, #tpu.memory_space<vmem_shared>>
      tpu.enqueue_dma source(%arg13 : memref<80x128xf32, #tpu.memory_space<vmem>>) target(%dma_start3A_111 : memref<80x128xf32, #tpu.memory_space<vmem_shared>>) target_semaphore(%run_scoped3A : memref<!tpu.dma_semaphore, #tpu.memory_space<semaphore_mem>>)
      %dma_wait3A = arith.constant 0 : i32
      %dma_wait3A_112 = tpu.memref_slice %arg15[%add3A_61, %dma_wait3A] : memref<10240x128xf32, #tpu.memory_space<vmem_shared>> -> memref<80x128xf32, #tpu.memory_space<vmem_shared>>
      %dma_wait3A_113 = arith.constant 0 : i32
      %dma_wait3A_114 = tpu.memref_slice %arg15[%add3A_61, %dma_wait3A_113] : memref<10240x128xf32, #tpu.memory_space<vmem_shared>> -> memref<80x128xf32, #tpu.memory_space<vmem_shared>>
      tpu.wait_dma2 semaphore(%run_scoped3A : memref<!tpu.dma_semaphore, #tpu.memory_space<semaphore_mem>>) src(%arg13 : memref<80x128xf32, #tpu.memory_space<vmem>>) dst(%dma_wait3A_114 : memref<80x128xf32, #tpu.memory_space<vmem_shared>>)
      tpu.yield
    }) : () -> ()
    %add3A_62 = arith.constant 320 : i32
    %add3A_63 = arith.addi %mul3A_4, %add3A_62 : i32
    "tpu.region"() ({
      %run_scoped3A = tpu.sem_alloc : memref<!tpu.dma_semaphore, #tpu.memory_space<semaphore_mem>>
      %dma_start3A = arith.constant 0 : i32
      %dma_start3A_109 = tpu.memref_slice %arg15[%add3A_63, %dma_start3A] : memref<10240x128xf32, #tpu.memory_space<vmem_shared>> -> memref<80x128xf32, #tpu.memory_space<vmem_shared>>
      %dma_start3A_110 = arith.constant 0 : i32
      %dma_start3A_111 = tpu.memref_slice %arg15[%add3A_63, %dma_start3A_110] : memref<10240x128xf32, #tpu.memory_space<vmem_shared>> -> memref<80x128xf32, #tpu.memory_space<vmem_shared>>
      tpu.enqueue_dma source(%arg13 : memref<80x128xf32, #tpu.memory_space<vmem>>) target(%dma_start3A_111 : memref<80x128xf32, #tpu.memory_space<vmem_shared>>) target_semaphore(%run_scoped3A : memref<!tpu.dma_semaphore, #tpu.memory_space<semaphore_mem>>)
      %dma_wait3A = arith.constant 0 : i32
      %dma_wait3A_112 = tpu.memref_slice %arg15[%add3A_63, %dma_wait3A] : memref<10240x128xf32, #tpu.memory_space<vmem_shared>> -> memref<80x128xf32, #tpu.memory_space<vmem_shared>>
      %dma_wait3A_113 = arith.constant 0 : i32
      %dma_wait3A_114 = tpu.memref_slice %arg15[%add3A_63, %dma_wait3A_113] : memref<10240x128xf32, #tpu.memory_space<vmem_shared>> -> memref<80x128xf32, #tpu.memory_space<vmem_shared>>
      tpu.wait_dma2 semaphore(%run_scoped3A : memref<!tpu.dma_semaphore, #tpu.memory_space<semaphore_mem>>) src(%arg13 : memref<80x128xf32, #tpu.memory_space<vmem>>) dst(%dma_wait3A_114 : memref<80x128xf32, #tpu.memory_space<vmem_shared>>)
      tpu.yield
    }) : () -> ()
    %add3A_64 = arith.constant 400 : i32
    %add3A_65 = arith.addi %mul3A_4, %add3A_64 : i32
    "tpu.region"() ({
      %run_scoped3A = tpu.sem_alloc : memref<!tpu.dma_semaphore, #tpu.memory_space<semaphore_mem>>
      %dma_start3A = arith.constant 0 : i32
      %dma_start3A_109 = tpu.memref_slice %arg15[%add3A_65, %dma_start3A] : memref<10240x128xf32, #tpu.memory_space<vmem_shared>> -> memref<80x128xf32, #tpu.memory_space<vmem_shared>>
      %dma_start3A_110 = arith.constant 0 : i32
      %dma_start3A_111 = tpu.memref_slice %arg15[%add3A_65, %dma_start3A_110] : memref<10240x128xf32, #tpu.memory_space<vmem_shared>> -> memref<80x128xf32, #tpu.memory_space<vmem_shared>>
      tpu.enqueue_dma source(%arg13 : memref<80x128xf32, #tpu.memory_space<vmem>>) target(%dma_start3A_111 : memref<80x128xf32, #tpu.memory_space<vmem_shared>>) target_semaphore(%run_scoped3A : memref<!tpu.dma_semaphore, #tpu.memory_space<semaphore_mem>>)
      %dma_wait3A = arith.constant 0 : i32
      %dma_wait3A_112 = tpu.memref_slice %arg15[%add3A_65, %dma_wait3A] : memref<10240x128xf32, #tpu.memory_space<vmem_shared>> -> memref<80x128xf32, #tpu.memory_space<vmem_shared>>
      %dma_wait3A_113 = arith.constant 0 : i32
      %dma_wait3A_114 = tpu.memref_slice %arg15[%add3A_65, %dma_wait3A_113] : memref<10240x128xf32, #tpu.memory_space<vmem_shared>> -> memref<80x128xf32, #tpu.memory_space<vmem_shared>>
      tpu.wait_dma2 semaphore(%run_scoped3A : memref<!tpu.dma_semaphore, #tpu.memory_space<semaphore_mem>>) src(%arg13 : memref<80x128xf32, #tpu.memory_space<vmem>>) dst(%dma_wait3A_114 : memref<80x128xf32, #tpu.memory_space<vmem_shared>>)
      tpu.yield
    }) : () -> ()
    %add3A_66 = arith.constant 480 : i32
    %add3A_67 = arith.addi %mul3A_4, %add3A_66 : i32
    "tpu.region"() ({
      %run_scoped3A = tpu.sem_alloc : memref<!tpu.dma_semaphore, #tpu.memory_space<semaphore_mem>>
      %dma_start3A = arith.constant 0 : i32
      %dma_start3A_109 = tpu.memref_slice %arg15[%add3A_67, %dma_start3A] : memref<10240x128xf32, #tpu.memory_space<vmem_shared>> -> memref<80x128xf32, #tpu.memory_space<vmem_shared>>
      %dma_start3A_110 = arith.constant 0 : i32
      %dma_start3A_111 = tpu.memref_slice %arg15[%add3A_67, %dma_start3A_110] : memref<10240x128xf32, #tpu.memory_space<vmem_shared>> -> memref<80x128xf32, #tpu.memory_space<vmem_shared>>
      tpu.enqueue_dma source(%arg13 : memref<80x128xf32, #tpu.memory_space<vmem>>) target(%dma_start3A_111 : memref<80x128xf32, #tpu.memory_space<vmem_shared>>) target_semaphore(%run_scoped3A : memref<!tpu.dma_semaphore, #tpu.memory_space<semaphore_mem>>)
      %dma_wait3A = arith.constant 0 : i32
      %dma_wait3A_112 = tpu.memref_slice %arg15[%add3A_67, %dma_wait3A] : memref<10240x128xf32, #tpu.memory_space<vmem_shared>> -> memref<80x128xf32, #tpu.memory_space<vmem_shared>>
      %dma_wait3A_113 = arith.constant 0 : i32
      %dma_wait3A_114 = tpu.memref_slice %arg15[%add3A_67, %dma_wait3A_113] : memref<10240x128xf32, #tpu.memory_space<vmem_shared>> -> memref<80x128xf32, #tpu.memory_space<vmem_shared>>
      tpu.wait_dma2 semaphore(%run_scoped3A : memref<!tpu.dma_semaphore, #tpu.memory_space<semaphore_mem>>) src(%arg13 : memref<80x128xf32, #tpu.memory_space<vmem>>) dst(%dma_wait3A_114 : memref<80x128xf32, #tpu.memory_space<vmem_shared>>)
      tpu.yield
    }) : () -> ()
    %add3A_68 = arith.constant 560 : i32
    %add3A_69 = arith.addi %mul3A_4, %add3A_68 : i32
    "tpu.region"() ({
      %run_scoped3A = tpu.sem_alloc : memref<!tpu.dma_semaphore, #tpu.memory_space<semaphore_mem>>
      %dma_start3A = arith.constant 0 : i32
      %dma_start3A_109 = tpu.memref_slice %arg15[%add3A_69, %dma_start3A] : memref<10240x128xf32, #tpu.memory_space<vmem_shared>> -> memref<80x128xf32, #tpu.memory_space<vmem_shared>>
      %dma_start3A_110 = arith.constant 0 : i32
      %dma_start3A_111 = tpu.memref_slice %arg15[%add3A_69, %dma_start3A_110] : memref<10240x128xf32, #tpu.memory_space<vmem_shared>> -> memref<80x128xf32, #tpu.memory_space<vmem_shared>>
      tpu.enqueue_dma source(%arg13 : memref<80x128xf32, #tpu.memory_space<vmem>>) target(%dma_start3A_111 : memref<80x128xf32, #tpu.memory_space<vmem_shared>>) target_semaphore(%run_scoped3A : memref<!tpu.dma_semaphore, #tpu.memory_space<semaphore_mem>>)
      %dma_wait3A = arith.constant 0 : i32
      %dma_wait3A_112 = tpu.memref_slice %arg15[%add3A_69, %dma_wait3A] : memref<10240x128xf32, #tpu.memory_space<vmem_shared>> -> memref<80x128xf32, #tpu.memory_space<vmem_shared>>
      %dma_wait3A_113 = arith.constant 0 : i32
      %dma_wait3A_114 = tpu.memref_slice %arg15[%add3A_69, %dma_wait3A_113] : memref<10240x128xf32, #tpu.memory_space<vmem_shared>> -> memref<80x128xf32, #tpu.memory_space<vmem_shared>>
      tpu.wait_dma2 semaphore(%run_scoped3A : memref<!tpu.dma_semaphore, #tpu.memory_space<semaphore_mem>>) src(%arg13 : memref<80x128xf32, #tpu.memory_space<vmem>>) dst(%dma_wait3A_114 : memref<80x128xf32, #tpu.memory_space<vmem_shared>>)
      tpu.yield
    }) : () -> ()
    %barrier3A = arith.constant 0 : index
    tpu.barrier barrier_id(%barrier3A)
    %scan3A_70 = arith.constant 0 : i32
    %scan3A_71 = arith.constant 0 : i32
    %scan3A_72 = arith.constant 125 : i32
    %scan3A_73 = arith.addi %scan3A_71, %scan3A_72 : i32
    %scan3A_74 = arith.constant 1 : i32
    scf.for %scan3A_109 = %scan3A_71 to %scan3A_73 step %scan3A_74  : i32 {
      %mul3A_110 = arith.constant 80 : i32
      %mul3A_111 = arith.muli %scan3A_109, %mul3A_110 : i32
      %add3A_112 = arith.addi %mul3A_2, %mul3A_111 : i32
      "tpu.region"() ({
        %run_scoped3A = tpu.sem_alloc : memref<!tpu.dma_semaphore, #tpu.memory_space<semaphore_mem>>
        %dma_start3A_137 = tpu.memref_slice %arg2[%add3A_112] : memref<320000xi32, #tpu.memory_space<hbm>> -> memref<80xi32, #tpu.memory_space<hbm>>
        %dma_start3A_138 = tpu.memref_slice %arg2[%add3A_112] : memref<320000xi32, #tpu.memory_space<hbm>> -> memref<80xi32, #tpu.memory_space<hbm>>
        tpu.enqueue_dma source(%dma_start3A_138 : memref<80xi32, #tpu.memory_space<hbm>>) target(%arg8 : memref<80xi32, #tpu.memory_space<vmem>>) target_semaphore(%run_scoped3A : memref<!tpu.dma_semaphore, #tpu.memory_space<semaphore_mem>>)
        %dma_wait3A_139 = tpu.memref_slice %arg2[%add3A_112] : memref<320000xi32, #tpu.memory_space<hbm>> -> memref<80xi32, #tpu.memory_space<hbm>>
        %dma_wait3A_140 = tpu.memref_slice %arg2[%add3A_112] : memref<320000xi32, #tpu.memory_space<hbm>> -> memref<80xi32, #tpu.memory_space<hbm>>
        tpu.wait_dma2 semaphore(%run_scoped3A : memref<!tpu.dma_semaphore, #tpu.memory_space<semaphore_mem>>) src(%dma_wait3A_140 : memref<80xi32, #tpu.memory_space<hbm>>) dst(%arg8 : memref<80xi32, #tpu.memory_space<vmem>>)
        tpu.yield
      }) : () -> ()
      "tpu.region"() ({
        %run_scoped3A = tpu.sem_alloc : memref<!tpu.dma_semaphore, #tpu.memory_space<semaphore_mem>>
        %dma_start3A_137 = tpu.memref_slice %arg3[%add3A_112] : memref<320000xi32, #tpu.memory_space<hbm>> -> memref<80xi32, #tpu.memory_space<hbm>>
        %dma_start3A_138 = tpu.memref_slice %arg3[%add3A_112] : memref<320000xi32, #tpu.memory_space<hbm>> -> memref<80xi32, #tpu.memory_space<hbm>>
        tpu.enqueue_dma source(%dma_start3A_138 : memref<80xi32, #tpu.memory_space<hbm>>) target(%arg9 : memref<80xi32, #tpu.memory_space<vmem>>) target_semaphore(%run_scoped3A : memref<!tpu.dma_semaphore, #tpu.memory_space<semaphore_mem>>)
        %dma_wait3A_139 = tpu.memref_slice %arg3[%add3A_112] : memref<320000xi32, #tpu.memory_space<hbm>> -> memref<80xi32, #tpu.memory_space<hbm>>
        %dma_wait3A_140 = tpu.memref_slice %arg3[%add3A_112] : memref<320000xi32, #tpu.memory_space<hbm>> -> memref<80xi32, #tpu.memory_space<hbm>>
        tpu.wait_dma2 semaphore(%run_scoped3A : memref<!tpu.dma_semaphore, #tpu.memory_space<semaphore_mem>>) src(%dma_wait3A_140 : memref<80xi32, #tpu.memory_space<hbm>>) dst(%arg9 : memref<80xi32, #tpu.memory_space<vmem>>)
        tpu.yield
      }) : () -> ()
      %mul3A_113 = arith.constant 4 : i32
      %mul3A_114 = arith.muli %add3A_112, %mul3A_113 : i32
      "tpu.region"() ({
        %run_scoped3A = tpu.sem_alloc : memref<!tpu.dma_semaphore, #tpu.memory_space<semaphore_mem>>
        %dma_start3A_137 = tpu.memref_slice %arg4[%mul3A_114] : memref<1280000xf32, #tpu.memory_space<hbm>> -> memref<320xf32, #tpu.memory_space<hbm>>
        %dma_start3A_138 = tpu.memref_slice %arg4[%mul3A_114] : memref<1280000xf32, #tpu.memory_space<hbm>> -> memref<320xf32, #tpu.memory_space<hbm>>
        tpu.enqueue_dma source(%dma_start3A_138 : memref<320xf32, #tpu.memory_space<hbm>>) target(%arg10 : memref<320xf32, #tpu.memory_space<vmem>>) target_semaphore(%run_scoped3A : memref<!tpu.dma_semaphore, #tpu.memory_space<semaphore_mem>>)
        %dma_wait3A_139 = tpu.memref_slice %arg4[%mul3A_114] : memref<1280000xf32, #tpu.memory_space<hbm>> -> memref<320xf32, #tpu.memory_space<hbm>>
        %dma_wait3A_140 = tpu.memref_slice %arg4[%mul3A_114] : memref<1280000xf32, #tpu.memory_space<hbm>> -> memref<320xf32, #tpu.memory_space<hbm>>
        tpu.wait_dma2 semaphore(%run_scoped3A : memref<!tpu.dma_semaphore, #tpu.memory_space<semaphore_mem>>) src(%dma_wait3A_140 : memref<320xf32, #tpu.memory_space<hbm>>) dst(%arg10 : memref<320xf32, #tpu.memory_space<vmem>>)
        tpu.yield
      }) : () -> ()
      %dma_start3A = arith.constant 0 : i32
      %dma_start3A_115 = arith.constant 0 : i32
      %dma_start3A_116 = tpu.memref_slice %arg6[%dma_start3A, %dma_start3A_115] : memref<10000x128xf32, #tpu.memory_space<hbm>> -> memref<10000x128xf32, #tpu.memory_space<hbm>>
      tpu.enqueue_indirect_dma source(%dma_start3A_116 : memref<10000x128xf32, #tpu.memory_space<hbm>>) target(%arg12 : memref<80x128xf32, #tpu.memory_space<vmem>>) offsets(%arg8 : memref<80xi32, #tpu.memory_space<vmem>>) semaphore(%arg16 : memref<!tpu.dma_semaphore, #tpu.memory_space<semaphore_mem>>)
      %dma_start3A_117 = arith.constant 0 : i32
      %dma_start3A_118 = arith.constant 0 : i32
      %dma_start3A_119 = tpu.memref_slice %arg5[%dma_start3A_117, %dma_start3A_118] : memref<10240x16xf32, #tpu.memory_space<hbm>> -> memref<10240x16xf32, #tpu.memory_space<hbm>>
      tpu.enqueue_indirect_dma source(%dma_start3A_119 : memref<10240x16xf32, #tpu.memory_space<hbm>>) target(%arg14 : memref<80x16xf32, #tpu.memory_space<vmem>>) offsets(%arg9 : memref<80xi32, #tpu.memory_space<vmem>>) semaphore(%arg17 : memref<!tpu.dma_semaphore, #tpu.memory_space<semaphore_mem>>)
      %dma_wait3A = arith.constant 0 : i32
      %dma_wait3A_120 = arith.constant 0 : i32
      %dma_wait3A_121 = tpu.memref_slice %arg5[%dma_wait3A, %dma_wait3A_120] : memref<10240x16xf32, #tpu.memory_space<hbm>> -> memref<10240x16xf32, #tpu.memory_space<hbm>>
      tpu.wait_indirect_dma semaphore(%arg17 : memref<!tpu.dma_semaphore, #tpu.memory_space<semaphore_mem>>) src(%dma_wait3A_121 : memref<10240x16xf32, #tpu.memory_space<hbm>>) dst(%arg14 : memref<80x16xf32, #tpu.memory_space<vmem>>)
      %scan3A_122 = arith.constant 0 : i32
      %scan3A_123 = arith.constant 0 : i32
      %scan3A_124 = arith.constant 20 : i32
      %scan3A_125 = arith.addi %scan3A_123, %scan3A_124 : i32
      %scan3A_126 = arith.constant 1 : i32
      scf.for %scan3A_137 = %scan3A_123 to %scan3A_125 step %scan3A_126  : i32 {
        %mul3A_138 = arith.constant 16 : i32
        %mul3A_139 = arith.muli %scan3A_137, %mul3A_138 : i32
        %get3A = arith.index_cast %mul3A_139 : i32 to index
        %get3A_140 = tpu.vector_load %arg10[%get3A] {strides = array<i32>} : memref<320xf32, #tpu.memory_space<vmem>>, vector<16xf32>,
        %mul3A_141 = arith.constant 4 : i32
        %mul3A_142 = arith.muli %scan3A_137, %mul3A_141 : i32
        %add3A_143 = vector.broadcast %mul3A_142 : i32 to vector<16xi32>
        %add3A_144 = arith.addi %add3A_143, %select_n3A : vector<16xi32>
        %gather3A = tpu.vector_load_idx %arg14[%add3A_144, %select_n3A_47] : memref<80x16xf32, #tpu.memory_space<vmem>>[vector<16xi32>, vector<16xi32>], vector<16xf32>,
        %sub3A_145 = arith.subf %get3A_140, %gather3A : vector<16xf32>
        %exp3A = math.exp %sub3A_145 : vector<16xf32>
        %mul3A_146 = arith.constant 16 : i32
        %mul3A_147 = arith.muli %scan3A_137, %mul3A_146 : i32
        %swap3A = arith.index_cast %mul3A_147 : i32 to index
        %swap3A_148 = tpu.vector_load %arg11[%swap3A] {strides = array<i32>} : memref<320xf32, #tpu.memory_space<vmem>>, vector<16xf32>,
        tpu.vector_store %arg11[%swap3A], %exp3A {strides = array<i32>} : memref<320xf32, #tpu.memory_space<vmem>>, vector<16xf32>,
      }
      %scan3A_127 = arith.constant 20 : i32
      %dma_wait3A_128 = arith.constant 0 : i32
      %dma_wait3A_129 = arith.constant 0 : i32
      %dma_wait3A_130 = tpu.memref_slice %arg6[%dma_wait3A_128, %dma_wait3A_129] : memref<10000x128xf32, #tpu.memory_space<hbm>> -> memref<10000x128xf32, #tpu.memory_space<hbm>>
      tpu.wait_indirect_dma semaphore(%arg16 : memref<!tpu.dma_semaphore, #tpu.memory_space<semaphore_mem>>) src(%dma_wait3A_130 : memref<10000x128xf32, #tpu.memory_space<hbm>>) dst(%arg12 : memref<80x128xf32, #tpu.memory_space<vmem>>)
      %scan3A_131 = arith.constant 0 : i32
      %scan3A_132 = arith.constant 0 : i32
      %scan3A_133 = arith.constant 80 : i32
      %scan3A_134 = arith.addi %scan3A_132, %scan3A_133 : i32
      %scan3A_135 = arith.constant 1 : i32
      scf.for %scan3A_137 = %scan3A_132 to %scan3A_134 step %scan3A_135  : i32 {
        %broadcast_in_dim3A_138 = arith.constant 0 : i32
        %broadcast_in_dim3A_139 = vector.broadcast %broadcast_in_dim3A_138 : i32 to vector<16xi32>
        %mul3A_140 = arith.constant 4 : i32
        %mul3A_141 = arith.muli %scan3A_137, %mul3A_140 : i32
        %add3A_142 = arith.constant 0 : i32
        %add3A_143 = arith.addi %mul3A_141, %add3A_142 : i32
        %add3A_144 = vector.broadcast %add3A_143 : i32 to vector<16xi32>
        %add3A_145 = arith.addi %broadcast_in_dim3A_139, %add3A_144 : vector<16xi32>
        %gather3A = tpu.vector_load_idx %arg11[%add3A_145] : memref<320xf32, #tpu.memory_space<vmem>>[vector<16xi32>], vector<16xf32>,
        %get3A = arith.index_cast %scan3A_137 : i32 to index
        %get3A_146 = arith.constant 0 : index
        %get3A_147 = tpu.vector_load %arg12[%get3A, %get3A_146] {strides = array<i32>} : memref<80x128xf32, #tpu.memory_space<vmem>>, vector<16xf32>,
        %mul3A_148 = arith.mulf %gather3A, %get3A_147 : vector<16xf32>
        %swap3A = arith.index_cast %scan3A_137 : i32 to index
        %swap3A_149 = arith.constant 0 : index
        %swap3A_150 = tpu.vector_load %arg13[%swap3A, %swap3A_149] {strides = array<i32>} : memref<80x128xf32, #tpu.memory_space<vmem>>, vector<16xf32>,
        tpu.vector_store %arg13[%swap3A, %swap3A_149], %mul3A_148 {strides = array<i32>} : memref<80x128xf32, #tpu.memory_space<vmem>>, vector<16xf32>,
        %broadcast_in_dim3A_151 = arith.constant 0 : i32
        %broadcast_in_dim3A_152 = vector.broadcast %broadcast_in_dim3A_151 : i32 to vector<16xi32>
        %mul3A_153 = arith.constant 4 : i32
        %mul3A_154 = arith.muli %scan3A_137, %mul3A_153 : i32
        %add3A_155 = arith.constant 0 : i32
        %add3A_156 = arith.addi %mul3A_154, %add3A_155 : i32
        %add3A_157 = vector.broadcast %add3A_156 : i32 to vector<16xi32>
        %add3A_158 = arith.addi %broadcast_in_dim3A_152, %add3A_157 : vector<16xi32>
        %gather3A_159 = tpu.vector_load_idx %arg11[%add3A_158] : memref<320xf32, #tpu.memory_space<vmem>>[vector<16xi32>], vector<16xf32>,
        %get3A_160 = arith.index_cast %scan3A_137 : i32 to index
        %get3A_161 = arith.constant 16 : index
        %get3A_162 = tpu.vector_load %arg12[%get3A_160, %get3A_161] {strides = array<i32>} : memref<80x128xf32, #tpu.memory_space<vmem>>, vector<16xf32>,
        %mul3A_163 = arith.mulf %gather3A_159, %get3A_162 : vector<16xf32>
        %swap3A_164 = arith.index_cast %scan3A_137 : i32 to index
        %swap3A_165 = arith.constant 16 : index
        %swap3A_166 = tpu.vector_load %arg13[%swap3A_164, %swap3A_165] {strides = array<i32>} : memref<80x128xf32, #tpu.memory_space<vmem>>, vector<16xf32>,
        tpu.vector_store %arg13[%swap3A_164, %swap3A_165], %mul3A_163 {strides = array<i32>} : memref<80x128xf32, #tpu.memory_space<vmem>>, vector<16xf32>,
        %broadcast_in_dim3A_167 = arith.constant 0 : i32
        %broadcast_in_dim3A_168 = vector.broadcast %broadcast_in_dim3A_167 : i32 to vector<16xi32>
        %mul3A_169 = arith.constant 4 : i32
        %mul3A_170 = arith.muli %scan3A_137, %mul3A_169 : i32
        %add3A_171 = arith.constant 1 : i32
        %add3A_172 = arith.addi %mul3A_170, %add3A_171 : i32
        %add3A_173 = vector.broadcast %add3A_172 : i32 to vector<16xi32>
        %add3A_174 = arith.addi %broadcast_in_dim3A_168, %add3A_173 : vector<16xi32>
        %gather3A_175 = tpu.vector_load_idx %arg11[%add3A_174] : memref<320xf32, #tpu.memory_space<vmem>>[vector<16xi32>], vector<16xf32>,
        %get3A_176 = arith.index_cast %scan3A_137 : i32 to index
        %get3A_177 = arith.constant 32 : index
        %get3A_178 = tpu.vector_load %arg12[%get3A_176, %get3A_177] {strides = array<i32>} : memref<80x128xf32, #tpu.memory_space<vmem>>, vector<16xf32>,
        %mul3A_179 = arith.mulf %gather3A_175, %get3A_178 : vector<16xf32>
        %swap3A_180 = arith.index_cast %scan3A_137 : i32 to index
        %swap3A_181 = arith.constant 32 : index
        %swap3A_182 = tpu.vector_load %arg13[%swap3A_180, %swap3A_181] {strides = array<i32>} : memref<80x128xf32, #tpu.memory_space<vmem>>, vector<16xf32>,
        tpu.vector_store %arg13[%swap3A_180, %swap3A_181], %mul3A_179 {strides = array<i32>} : memref<80x128xf32, #tpu.memory_space<vmem>>, vector<16xf32>,
        %broadcast_in_dim3A_183 = arith.constant 0 : i32
        %broadcast_in_dim3A_184 = vector.broadcast %broadcast_in_dim3A_183 : i32 to vector<16xi32>
        %mul3A_185 = arith.constant 4 : i32
        %mul3A_186 = arith.muli %scan3A_137, %mul3A_185 : i32
        %add3A_187 = arith.constant 1 : i32
        %add3A_188 = arith.addi %mul3A_186, %add3A_187 : i32
        %add3A_189 = vector.broadcast %add3A_188 : i32 to vector<16xi32>
        %add3A_190 = arith.addi %broadcast_in_dim3A_184, %add3A_189 : vector<16xi32>
        %gather3A_191 = tpu.vector_load_idx %arg11[%add3A_190] : memref<320xf32, #tpu.memory_space<vmem>>[vector<16xi32>], vector<16xf32>,
        %get3A_192 = arith.index_cast %scan3A_137 : i32 to index
        %get3A_193 = arith.constant 48 : index
        %get3A_194 = tpu.vector_load %arg12[%get3A_192, %get3A_193] {strides = array<i32>} : memref<80x128xf32, #tpu.memory_space<vmem>>, vector<16xf32>,
        %mul3A_195 = arith.mulf %gather3A_191, %get3A_194 : vector<16xf32>
        %swap3A_196 = arith.index_cast %scan3A_137 : i32 to index
        %swap3A_197 = arith.constant 48 : index
        %swap3A_198 = tpu.vector_load %arg13[%swap3A_196, %swap3A_197] {strides = array<i32>} : memref<80x128xf32, #tpu.memory_space<vmem>>, vector<16xf32>,
        tpu.vector_store %arg13[%swap3A_196, %swap3A_197], %mul3A_195 {strides = array<i32>} : memref<80x128xf32, #tpu.memory_space<vmem>>, vector<16xf32>,
        %broadcast_in_dim3A_199 = arith.constant 0 : i32
        %broadcast_in_dim3A_200 = vector.broadcast %broadcast_in_dim3A_199 : i32 to vector<16xi32>
        %mul3A_201 = arith.constant 4 : i32
        %mul3A_202 = arith.muli %scan3A_137, %mul3A_201 : i32
        %add3A_203 = arith.constant 2 : i32
        %add3A_204 = arith.addi %mul3A_202, %add3A_203 : i32
        %add3A_205 = vector.broadcast %add3A_204 : i32 to vector<16xi32>
        %add3A_206 = arith.addi %broadcast_in_dim3A_200, %add3A_205 : vector<16xi32>
        %gather3A_207 = tpu.vector_load_idx %arg11[%add3A_206] : memref<320xf32, #tpu.memory_space<vmem>>[vector<16xi32>], vector<16xf32>,
        %get3A_208 = arith.index_cast %scan3A_137 : i32 to index
        %get3A_209 = arith.constant 64 : index
        %get3A_210 = tpu.vector_load %arg12[%get3A_208, %get3A_209] {strides = array<i32>} : memref<80x128xf32, #tpu.memory_space<vmem>>, vector<16xf32>,
        %mul3A_211 = arith.mulf %gather3A_207, %get3A_210 : vector<16xf32>
        %swap3A_212 = arith.index_cast %scan3A_137 : i32 to index
        %swap3A_213 = arith.constant 64 : index
        %swap3A_214 = tpu.vector_load %arg13[%swap3A_212, %swap3A_213] {strides = array<i32>} : memref<80x128xf32, #tpu.memory_space<vmem>>, vector<16xf32>,
        tpu.vector_store %arg13[%swap3A_212, %swap3A_213], %mul3A_211 {strides = array<i32>} : memref<80x128xf32, #tpu.memory_space<vmem>>, vector<16xf32>,
        %broadcast_in_dim3A_215 = arith.constant 0 : i32
        %broadcast_in_dim3A_216 = vector.broadcast %broadcast_in_dim3A_215 : i32 to vector<16xi32>
        %mul3A_217 = arith.constant 4 : i32
        %mul3A_218 = arith.muli %scan3A_137, %mul3A_217 : i32
        %add3A_219 = arith.constant 2 : i32
        %add3A_220 = arith.addi %mul3A_218, %add3A_219 : i32
        %add3A_221 = vector.broadcast %add3A_220 : i32 to vector<16xi32>
        %add3A_222 = arith.addi %broadcast_in_dim3A_216, %add3A_221 : vector<16xi32>
        %gather3A_223 = tpu.vector_load_idx %arg11[%add3A_222] : memref<320xf32, #tpu.memory_space<vmem>>[vector<16xi32>], vector<16xf32>,
        %get3A_224 = arith.index_cast %scan3A_137 : i32 to index
        %get3A_225 = arith.constant 80 : index
        %get3A_226 = tpu.vector_load %arg12[%get3A_224, %get3A_225] {strides = array<i32>} : memref<80x128xf32, #tpu.memory_space<vmem>>, vector<16xf32>,
        %mul3A_227 = arith.mulf %gather3A_223, %get3A_226 : vector<16xf32>
        %swap3A_228 = arith.index_cast %scan3A_137 : i32 to index
        %swap3A_229 = arith.constant 80 : index
        %swap3A_230 = tpu.vector_load %arg13[%swap3A_228, %swap3A_229] {strides = array<i32>} : memref<80x128xf32, #tpu.memory_space<vmem>>, vector<16xf32>,
        tpu.vector_store %arg13[%swap3A_228, %swap3A_229], %mul3A_227 {strides = array<i32>} : memref<80x128xf32, #tpu.memory_space<vmem>>, vector<16xf32>,
        %broadcast_in_dim3A_231 = arith.constant 0 : i32
        %broadcast_in_dim3A_232 = vector.broadcast %broadcast_in_dim3A_231 : i32 to vector<16xi32>
        %mul3A_233 = arith.constant 4 : i32
        %mul3A_234 = arith.muli %scan3A_137, %mul3A_233 : i32
        %add3A_235 = arith.constant 3 : i32
        %add3A_236 = arith.addi %mul3A_234, %add3A_235 : i32
        %add3A_237 = vector.broadcast %add3A_236 : i32 to vector<16xi32>
        %add3A_238 = arith.addi %broadcast_in_dim3A_232, %add3A_237 : vector<16xi32>
        %gather3A_239 = tpu.vector_load_idx %arg11[%add3A_238] : memref<320xf32, #tpu.memory_space<vmem>>[vector<16xi32>], vector<16xf32>,
        %get3A_240 = arith.index_cast %scan3A_137 : i32 to index
        %get3A_241 = arith.constant 96 : index
        %get3A_242 = tpu.vector_load %arg12[%get3A_240, %get3A_241] {strides = array<i32>} : memref<80x128xf32, #tpu.memory_space<vmem>>, vector<16xf32>,
        %mul3A_243 = arith.mulf %gather3A_239, %get3A_242 : vector<16xf32>
        %swap3A_244 = arith.index_cast %scan3A_137 : i32 to index
        %swap3A_245 = arith.constant 96 : index
        %swap3A_246 = tpu.vector_load %arg13[%swap3A_244, %swap3A_245] {strides = array<i32>} : memref<80x128xf32, #tpu.memory_space<vmem>>, vector<16xf32>,
        tpu.vector_store %arg13[%swap3A_244, %swap3A_245], %mul3A_243 {strides = array<i32>} : memref<80x128xf32, #tpu.memory_space<vmem>>, vector<16xf32>,
        %broadcast_in_dim3A_247 = arith.constant 0 : i32
        %broadcast_in_dim3A_248 = vector.broadcast %broadcast_in_dim3A_247 : i32 to vector<16xi32>
        %mul3A_249 = arith.constant 4 : i32
        %mul3A_250 = arith.muli %scan3A_137, %mul3A_249 : i32
        %add3A_251 = arith.constant 3 : i32
        %add3A_252 = arith.addi %mul3A_250, %add3A_251 : i32
        %add3A_253 = vector.broadcast %add3A_252 : i32 to vector<16xi32>
        %add3A_254 = arith.addi %broadcast_in_dim3A_248, %add3A_253 : vector<16xi32>
        %gather3A_255 = tpu.vector_load_idx %arg11[%add3A_254] : memref<320xf32, #tpu.memory_space<vmem>>[vector<16xi32>], vector<16xf32>,
        %get3A_256 = arith.index_cast %scan3A_137 : i32 to index
        %get3A_257 = arith.constant 112 : index
        %get3A_258 = tpu.vector_load %arg12[%get3A_256, %get3A_257] {strides = array<i32>} : memref<80x128xf32, #tpu.memory_space<vmem>>, vector<16xf32>,
        %mul3A_259 = arith.mulf %gather3A_255, %get3A_258 : vector<16xf32>
        %swap3A_260 = arith.index_cast %scan3A_137 : i32 to index
        %swap3A_261 = arith.constant 112 : index
        %swap3A_262 = tpu.vector_load %arg13[%swap3A_260, %swap3A_261] {strides = array<i32>} : memref<80x128xf32, #tpu.memory_space<vmem>>, vector<16xf32>,
        tpu.vector_store %arg13[%swap3A_260, %swap3A_261], %mul3A_259 {strides = array<i32>} : memref<80x128xf32, #tpu.memory_space<vmem>>, vector<16xf32>,
      }
      %scan3A_136 = arith.constant 80 : i32
      "tpu.region"() ({
        %run_scoped3A = tpu.sem_alloc : memref<!tpu.dma_semaphore, #tpu.memory_space<semaphore_mem>>
        %dma_start3A_137 = arith.constant 0 : i32
        %dma_start3A_138 = arith.constant 0 : i32
        %dma_start3A_139 = tpu.memref_slice %arg15[%dma_start3A_137, %dma_start3A_138] : memref<10240x128xf32, #tpu.memory_space<vmem_shared>> -> memref<10240x128xf32, #tpu.memory_space<vmem_shared>>
        tpu.enqueue_indirect_dma source(%arg13 : memref<80x128xf32, #tpu.memory_space<vmem>>) target(%dma_start3A_139 : memref<10240x128xf32, #tpu.memory_space<vmem_shared>>) offsets(%arg9 : memref<80xi32, #tpu.memory_space<vmem>>) semaphore(%run_scoped3A : memref<!tpu.dma_semaphore, #tpu.memory_space<semaphore_mem>>) {add = true}
        %dma_wait3A_140 = arith.constant 0 : i32
        %dma_wait3A_141 = arith.constant 0 : i32
        %dma_wait3A_142 = tpu.memref_slice %arg15[%dma_wait3A_140, %dma_wait3A_141] : memref<10240x128xf32, #tpu.memory_space<vmem_shared>> -> memref<10240x128xf32, #tpu.memory_space<vmem_shared>>
        tpu.wait_indirect_dma semaphore(%run_scoped3A : memref<!tpu.dma_semaphore, #tpu.memory_space<semaphore_mem>>) src(%arg13 : memref<80x128xf32, #tpu.memory_space<vmem>>) dst(%dma_wait3A_142 : memref<10240x128xf32, #tpu.memory_space<vmem_shared>>)
        tpu.yield
      }) : () -> ()
    }
    %scan3A_75 = arith.constant 125 : i32
    %barrier3A_76 = arith.constant 0 : index
    tpu.barrier barrier_id(%barrier3A_76)
    %add3A_77 = arith.constant 0 : i32
    %add3A_78 = arith.addi %mul3A_4, %add3A_77 : i32
    %add3A_79 = arith.constant 0 : i32
    %add3A_80 = arith.addi %mul3A_4, %add3A_79 : i32
    "tpu.region"() ({
      %run_scoped3A = tpu.sem_alloc : memref<!tpu.dma_semaphore, #tpu.memory_space<semaphore_mem>>
      %dma_start3A = arith.constant 0 : i32
      %dma_start3A_109 = tpu.memref_slice %arg7[%arg0, %add3A_80, %dma_start3A] : memref<2x10240x128xf32, #tpu.memory_space<hbm>> -> memref<1x80x128xf32, #tpu.memory_space<hbm>>
      %dma_start3A_110 = tpu.memref_squeeze %dma_start3A_109 : memref<1x80x128xf32, #tpu.memory_space<hbm>> -> memref<80x128xf32, #tpu.memory_space<hbm>>
      %dma_start3A_111 = arith.constant 0 : i32
      %dma_start3A_112 = tpu.memref_slice %arg15[%add3A_78, %dma_start3A_111] : memref<10240x128xf32, #tpu.memory_space<vmem_shared>> -> memref<80x128xf32, #tpu.memory_space<vmem_shared>>
      tpu.enqueue_dma source(%dma_start3A_112 : memref<80x128xf32, #tpu.memory_space<vmem_shared>>) target(%dma_start3A_110 : memref<80x128xf32, #tpu.memory_space<hbm>>) target_semaphore(%run_scoped3A : memref<!tpu.dma_semaphore, #tpu.memory_space<semaphore_mem>>)
      %dma_wait3A = arith.constant 0 : i32
      %dma_wait3A_113 = tpu.memref_slice %arg7[%arg0, %add3A_80, %dma_wait3A] : memref<2x10240x128xf32, #tpu.memory_space<hbm>> -> memref<1x80x128xf32, #tpu.memory_space<hbm>>
      %dma_wait3A_114 = tpu.memref_squeeze %dma_wait3A_113 : memref<1x80x128xf32, #tpu.memory_space<hbm>> -> memref<80x128xf32, #tpu.memory_space<hbm>>
      %dma_wait3A_115 = arith.constant 0 : i32
      %dma_wait3A_116 = tpu.memref_slice %arg15[%add3A_78, %dma_wait3A_115] : memref<10240x128xf32, #tpu.memory_space<vmem_shared>> -> memref<80x128xf32, #tpu.memory_space<vmem_shared>>
      tpu.wait_dma2 semaphore(%run_scoped3A : memref<!tpu.dma_semaphore, #tpu.memory_space<semaphore_mem>>) src(%dma_wait3A_116 : memref<80x128xf32, #tpu.memory_space<vmem_shared>>) dst(%dma_wait3A_114 : memref<80x128xf32, #tpu.memory_space<hbm>>)
      tpu.yield
    }) : () -> ()
    %add3A_81 = arith.constant 80 : i32
    %add3A_82 = arith.addi %mul3A_4, %add3A_81 : i32
    %add3A_83 = arith.constant 80 : i32
    %add3A_84 = arith.addi %mul3A_4, %add3A_83 : i32
    "tpu.region"() ({
      %run_scoped3A = tpu.sem_alloc : memref<!tpu.dma_semaphore, #tpu.memory_space<semaphore_mem>>
      %dma_start3A = arith.constant 0 : i32
      %dma_start3A_109 = tpu.memref_slice %arg7[%arg0, %add3A_84, %dma_start3A] : memref<2x10240x128xf32, #tpu.memory_space<hbm>> -> memref<1x80x128xf32, #tpu.memory_space<hbm>>
      %dma_start3A_110 = tpu.memref_squeeze %dma_start3A_109 : memref<1x80x128xf32, #tpu.memory_space<hbm>> -> memref<80x128xf32, #tpu.memory_space<hbm>>
      %dma_start3A_111 = arith.constant 0 : i32
      %dma_start3A_112 = tpu.memref_slice %arg15[%add3A_82, %dma_start3A_111] : memref<10240x128xf32, #tpu.memory_space<vmem_shared>> -> memref<80x128xf32, #tpu.memory_space<vmem_shared>>
      tpu.enqueue_dma source(%dma_start3A_112 : memref<80x128xf32, #tpu.memory_space<vmem_shared>>) target(%dma_start3A_110 : memref<80x128xf32, #tpu.memory_space<hbm>>) target_semaphore(%run_scoped3A : memref<!tpu.dma_semaphore, #tpu.memory_space<semaphore_mem>>)
      %dma_wait3A = arith.constant 0 : i32
      %dma_wait3A_113 = tpu.memref_slice %arg7[%arg0, %add3A_84, %dma_wait3A] : memref<2x10240x128xf32, #tpu.memory_space<hbm>> -> memref<1x80x128xf32, #tpu.memory_space<hbm>>
      %dma_wait3A_114 = tpu.memref_squeeze %dma_wait3A_113 : memref<1x80x128xf32, #tpu.memory_space<hbm>> -> memref<80x128xf32, #tpu.memory_space<hbm>>
      %dma_wait3A_115 = arith.constant 0 : i32
      %dma_wait3A_116 = tpu.memref_slice %arg15[%add3A_82, %dma_wait3A_115] : memref<10240x128xf32, #tpu.memory_space<vmem_shared>> -> memref<80x128xf32, #tpu.memory_space<vmem_shared>>
      tpu.wait_dma2 semaphore(%run_scoped3A : memref<!tpu.dma_semaphore, #tpu.memory_space<semaphore_mem>>) src(%dma_wait3A_116 : memref<80x128xf32, #tpu.memory_space<vmem_shared>>) dst(%dma_wait3A_114 : memref<80x128xf32, #tpu.memory_space<hbm>>)
      tpu.yield
    }) : () -> ()
    %add3A_85 = arith.constant 160 : i32
    %add3A_86 = arith.addi %mul3A_4, %add3A_85 : i32
    %add3A_87 = arith.constant 160 : i32
    %add3A_88 = arith.addi %mul3A_4, %add3A_87 : i32
    "tpu.region"() ({
      %run_scoped3A = tpu.sem_alloc : memref<!tpu.dma_semaphore, #tpu.memory_space<semaphore_mem>>
      %dma_start3A = arith.constant 0 : i32
      %dma_start3A_109 = tpu.memref_slice %arg7[%arg0, %add3A_88, %dma_start3A] : memref<2x10240x128xf32, #tpu.memory_space<hbm>> -> memref<1x80x128xf32, #tpu.memory_space<hbm>>
      %dma_start3A_110 = tpu.memref_squeeze %dma_start3A_109 : memref<1x80x128xf32, #tpu.memory_space<hbm>> -> memref<80x128xf32, #tpu.memory_space<hbm>>
      %dma_start3A_111 = arith.constant 0 : i32
      %dma_start3A_112 = tpu.memref_slice %arg15[%add3A_86, %dma_start3A_111] : memref<10240x128xf32, #tpu.memory_space<vmem_shared>> -> memref<80x128xf32, #tpu.memory_space<vmem_shared>>
      tpu.enqueue_dma source(%dma_start3A_112 : memref<80x128xf32, #tpu.memory_space<vmem_shared>>) target(%dma_start3A_110 : memref<80x128xf32, #tpu.memory_space<hbm>>) target_semaphore(%run_scoped3A : memref<!tpu.dma_semaphore, #tpu.memory_space<semaphore_mem>>)
      %dma_wait3A = arith.constant 0 : i32
      %dma_wait3A_113 = tpu.memref_slice %arg7[%arg0, %add3A_88, %dma_wait3A] : memref<2x10240x128xf32, #tpu.memory_space<hbm>> -> memref<1x80x128xf32, #tpu.memory_space<hbm>>
      %dma_wait3A_114 = tpu.memref_squeeze %dma_wait3A_113 : memref<1x80x128xf32, #tpu.memory_space<hbm>> -> memref<80x128xf32, #tpu.memory_space<hbm>>
      %dma_wait3A_115 = arith.constant 0 : i32
      %dma_wait3A_116 = tpu.memref_slice %arg15[%add3A_86, %dma_wait3A_115] : memref<10240x128xf32, #tpu.memory_space<vmem_shared>> -> memref<80x128xf32, #tpu.memory_space<vmem_shared>>
      tpu.wait_dma2 semaphore(%run_scoped3A : memref<!tpu.dma_semaphore, #tpu.memory_space<semaphore_mem>>) src(%dma_wait3A_116 : memref<80x128xf32, #tpu.memory_space<vmem_shared>>) dst(%dma_wait3A_114 : memref<80x128xf32, #tpu.memory_space<hbm>>)
      tpu.yield
    }) : () -> ()
    %add3A_89 = arith.constant 240 : i32
    %add3A_90 = arith.addi %mul3A_4, %add3A_89 : i32
    %add3A_91 = arith.constant 240 : i32
    %add3A_92 = arith.addi %mul3A_4, %add3A_91 : i32
    "tpu.region"() ({
      %run_scoped3A = tpu.sem_alloc : memref<!tpu.dma_semaphore, #tpu.memory_space<semaphore_mem>>
      %dma_start3A = arith.constant 0 : i32
      %dma_start3A_109 = tpu.memref_slice %arg7[%arg0, %add3A_92, %dma_start3A] : memref<2x10240x128xf32, #tpu.memory_space<hbm>> -> memref<1x80x128xf32, #tpu.memory_space<hbm>>
      %dma_start3A_110 = tpu.memref_squeeze %dma_start3A_109 : memref<1x80x128xf32, #tpu.memory_space<hbm>> -> memref<80x128xf32, #tpu.memory_space<hbm>>
      %dma_start3A_111 = arith.constant 0 : i32
      %dma_start3A_112 = tpu.memref_slice %arg15[%add3A_90, %dma_start3A_111] : memref<10240x128xf32, #tpu.memory_space<vmem_shared>> -> memref<80x128xf32, #tpu.memory_space<vmem_shared>>
      tpu.enqueue_dma source(%dma_start3A_112 : memref<80x128xf32, #tpu.memory_space<vmem_shared>>) target(%dma_start3A_110 : memref<80x128xf32, #tpu.memory_space<hbm>>) target_semaphore(%run_scoped3A : memref<!tpu.dma_semaphore, #tpu.memory_space<semaphore_mem>>)
      %dma_wait3A = arith.constant 0 : i32
      %dma_wait3A_113 = tpu.memref_slice %arg7[%arg0, %add3A_92, %dma_wait3A] : memref<2x10240x128xf32, #tpu.memory_space<hbm>> -> memref<1x80x128xf32, #tpu.memory_space<hbm>>
      %dma_wait3A_114 = tpu.memref_squeeze %dma_wait3A_113 : memref<1x80x128xf32, #tpu.memory_space<hbm>> -> memref<80x128xf32, #tpu.memory_space<hbm>>
      %dma_wait3A_115 = arith.constant 0 : i32
      %dma_wait3A_116 = tpu.memref_slice %arg15[%add3A_90, %dma_wait3A_115] : memref<10240x128xf32, #tpu.memory_space<vmem_shared>> -> memref<80x128xf32, #tpu.memory_space<vmem_shared>>
      tpu.wait_dma2 semaphore(%run_scoped3A : memref<!tpu.dma_semaphore, #tpu.memory_space<semaphore_mem>>) src(%dma_wait3A_116 : memref<80x128xf32, #tpu.memory_space<vmem_shared>>) dst(%dma_wait3A_114 : memref<80x128xf32, #tpu.memory_space<hbm>>)
      tpu.yield
    }) : () -> ()
    %add3A_93 = arith.constant 320 : i32
    %add3A_94 = arith.addi %mul3A_4, %add3A_93 : i32
    %add3A_95 = arith.constant 320 : i32
    %add3A_96 = arith.addi %mul3A_4, %add3A_95 : i32
    "tpu.region"() ({
      %run_scoped3A = tpu.sem_alloc : memref<!tpu.dma_semaphore, #tpu.memory_space<semaphore_mem>>
      %dma_start3A = arith.constant 0 : i32
      %dma_start3A_109 = tpu.memref_slice %arg7[%arg0, %add3A_96, %dma_start3A] : memref<2x10240x128xf32, #tpu.memory_space<hbm>> -> memref<1x80x128xf32, #tpu.memory_space<hbm>>
      %dma_start3A_110 = tpu.memref_squeeze %dma_start3A_109 : memref<1x80x128xf32, #tpu.memory_space<hbm>> -> memref<80x128xf32, #tpu.memory_space<hbm>>
      %dma_start3A_111 = arith.constant 0 : i32
      %dma_start3A_112 = tpu.memref_slice %arg15[%add3A_94, %dma_start3A_111] : memref<10240x128xf32, #tpu.memory_space<vmem_shared>> -> memref<80x128xf32, #tpu.memory_space<vmem_shared>>
      tpu.enqueue_dma source(%dma_start3A_112 : memref<80x128xf32, #tpu.memory_space<vmem_shared>>) target(%dma_start3A_110 : memref<80x128xf32, #tpu.memory_space<hbm>>) target_semaphore(%run_scoped3A : memref<!tpu.dma_semaphore, #tpu.memory_space<semaphore_mem>>)
      %dma_wait3A = arith.constant 0 : i32
      %dma_wait3A_113 = tpu.memref_slice %arg7[%arg0, %add3A_96, %dma_wait3A] : memref<2x10240x128xf32, #tpu.memory_space<hbm>> -> memref<1x80x128xf32, #tpu.memory_space<hbm>>
      %dma_wait3A_114 = tpu.memref_squeeze %dma_wait3A_113 : memref<1x80x128xf32, #tpu.memory_space<hbm>> -> memref<80x128xf32, #tpu.memory_space<hbm>>
      %dma_wait3A_115 = arith.constant 0 : i32
      %dma_wait3A_116 = tpu.memref_slice %arg15[%add3A_94, %dma_wait3A_115] : memref<10240x128xf32, #tpu.memory_space<vmem_shared>> -> memref<80x128xf32, #tpu.memory_space<vmem_shared>>
      tpu.wait_dma2 semaphore(%run_scoped3A : memref<!tpu.dma_semaphore, #tpu.memory_space<semaphore_mem>>) src(%dma_wait3A_116 : memref<80x128xf32, #tpu.memory_space<vmem_shared>>) dst(%dma_wait3A_114 : memref<80x128xf32, #tpu.memory_space<hbm>>)
      tpu.yield
    }) : () -> ()
    %add3A_97 = arith.constant 400 : i32
    %add3A_98 = arith.addi %mul3A_4, %add3A_97 : i32
    %add3A_99 = arith.constant 400 : i32
    %add3A_100 = arith.addi %mul3A_4, %add3A_99 : i32
    "tpu.region"() ({
      %run_scoped3A = tpu.sem_alloc : memref<!tpu.dma_semaphore, #tpu.memory_space<semaphore_mem>>
      %dma_start3A = arith.constant 0 : i32
      %dma_start3A_109 = tpu.memref_slice %arg7[%arg0, %add3A_100, %dma_start3A] : memref<2x10240x128xf32, #tpu.memory_space<hbm>> -> memref<1x80x128xf32, #tpu.memory_space<hbm>>
      %dma_start3A_110 = tpu.memref_squeeze %dma_start3A_109 : memref<1x80x128xf32, #tpu.memory_space<hbm>> -> memref<80x128xf32, #tpu.memory_space<hbm>>
      %dma_start3A_111 = arith.constant 0 : i32
      %dma_start3A_112 = tpu.memref_slice %arg15[%add3A_98, %dma_start3A_111] : memref<10240x128xf32, #tpu.memory_space<vmem_shared>> -> memref<80x128xf32, #tpu.memory_space<vmem_shared>>
      tpu.enqueue_dma source(%dma_start3A_112 : memref<80x128xf32, #tpu.memory_space<vmem_shared>>) target(%dma_start3A_110 : memref<80x128xf32, #tpu.memory_space<hbm>>) target_semaphore(%run_scoped3A : memref<!tpu.dma_semaphore, #tpu.memory_space<semaphore_mem>>)
      %dma_wait3A = arith.constant 0 : i32
      %dma_wait3A_113 = tpu.memref_slice %arg7[%arg0, %add3A_100, %dma_wait3A] : memref<2x10240x128xf32, #tpu.memory_space<hbm>> -> memref<1x80x128xf32, #tpu.memory_space<hbm>>
      %dma_wait3A_114 = tpu.memref_squeeze %dma_wait3A_113 : memref<1x80x128xf32, #tpu.memory_space<hbm>> -> memref<80x128xf32, #tpu.memory_space<hbm>>
      %dma_wait3A_115 = arith.constant 0 : i32
      %dma_wait3A_116 = tpu.memref_slice %arg15[%add3A_98, %dma_wait3A_115] : memref<10240x128xf32, #tpu.memory_space<vmem_shared>> -> memref<80x128xf32, #tpu.memory_space<vmem_shared>>
      tpu.wait_dma2 semaphore(%run_scoped3A : memref<!tpu.dma_semaphore, #tpu.memory_space<semaphore_mem>>) src(%dma_wait3A_116 : memref<80x128xf32, #tpu.memory_space<vmem_shared>>) dst(%dma_wait3A_114 : memref<80x128xf32, #tpu.memory_space<hbm>>)
      tpu.yield
    }) : () -> ()
    %add3A_101 = arith.constant 480 : i32
    %add3A_102 = arith.addi %mul3A_4, %add3A_101 : i32
    %add3A_103 = arith.constant 480 : i32
    %add3A_104 = arith.addi %mul3A_4, %add3A_103 : i32
    "tpu.region"() ({
      %run_scoped3A = tpu.sem_alloc : memref<!tpu.dma_semaphore, #tpu.memory_space<semaphore_mem>>
      %dma_start3A = arith.constant 0 : i32
      %dma_start3A_109 = tpu.memref_slice %arg7[%arg0, %add3A_104, %dma_start3A] : memref<2x10240x128xf32, #tpu.memory_space<hbm>> -> memref<1x80x128xf32, #tpu.memory_space<hbm>>
      %dma_start3A_110 = tpu.memref_squeeze %dma_start3A_109 : memref<1x80x128xf32, #tpu.memory_space<hbm>> -> memref<80x128xf32, #tpu.memory_space<hbm>>
      %dma_start3A_111 = arith.constant 0 : i32
      %dma_start3A_112 = tpu.memref_slice %arg15[%add3A_102, %dma_start3A_111] : memref<10240x128xf32, #tpu.memory_space<vmem_shared>> -> memref<80x128xf32, #tpu.memory_space<vmem_shared>>
      tpu.enqueue_dma source(%dma_start3A_112 : memref<80x128xf32, #tpu.memory_space<vmem_shared>>) target(%dma_start3A_110 : memref<80x128xf32, #tpu.memory_space<hbm>>) target_semaphore(%run_scoped3A : memref<!tpu.dma_semaphore, #tpu.memory_space<semaphore_mem>>)
      %dma_wait3A = arith.constant 0 : i32
      %dma_wait3A_113 = tpu.memref_slice %arg7[%arg0, %add3A_104, %dma_wait3A] : memref<2x10240x128xf32, #tpu.memory_space<hbm>> -> memref<1x80x128xf32, #tpu.memory_space<hbm>>
      %dma_wait3A_114 = tpu.memref_squeeze %dma_wait3A_113 : memref<1x80x128xf32, #tpu.memory_space<hbm>> -> memref<80x128xf32, #tpu.memory_space<hbm>>
      %dma_wait3A_115 = arith.constant 0 : i32
      %dma_wait3A_116 = tpu.memref_slice %arg15[%add3A_102, %dma_wait3A_115] : memref<10240x128xf32, #tpu.memory_space<vmem_shared>> -> memref<80x128xf32, #tpu.memory_space<vmem_shared>>
      tpu.wait_dma2 semaphore(%run_scoped3A : memref<!tpu.dma_semaphore, #tpu.memory_space<semaphore_mem>>) src(%dma_wait3A_116 : memref<80x128xf32, #tpu.memory_space<vmem_shared>>) dst(%dma_wait3A_114 : memref<80x128xf32, #tpu.memory_space<hbm>>)
      tpu.yield
    }) : () -> ()
    %add3A_105 = arith.constant 560 : i32
    %add3A_106 = arith.addi %mul3A_4, %add3A_105 : i32
    %add3A_107 = arith.constant 560 : i32
    %add3A_108 = arith.addi %mul3A_4, %add3A_107 : i32
    "tpu.region"() ({
      %run_scoped3A = tpu.sem_alloc : memref<!tpu.dma_semaphore, #tpu.memory_space<semaphore_mem>>
      %dma_start3A = arith.constant 0 : i32
      %dma_start3A_109 = tpu.memref_slice %arg7[%arg0, %add3A_108, %dma_start3A] : memref<2x10240x128xf32, #tpu.memory_space<hbm>> -> memref<1x80x128xf32, #tpu.memory_space<hbm>>
      %dma_start3A_110 = tpu.memref_squeeze %dma_start3A_109 : memref<1x80x128xf32, #tpu.memory_space<hbm>> -> memref<80x128xf32, #tpu.memory_space<hbm>>
      %dma_start3A_111 = arith.constant 0 : i32
      %dma_start3A_112 = tpu.memref_slice %arg15[%add3A_106, %dma_start3A_111] : memref<10240x128xf32, #tpu.memory_space<vmem_shared>> -> memref<80x128xf32, #tpu.memory_space<vmem_shared>>
      tpu.enqueue_dma source(%dma_start3A_112 : memref<80x128xf32, #tpu.memory_space<vmem_shared>>) target(%dma_start3A_110 : memref<80x128xf32, #tpu.memory_space<hbm>>) target_semaphore(%run_scoped3A : memref<!tpu.dma_semaphore, #tpu.memory_space<semaphore_mem>>)
      %dma_wait3A = arith.constant 0 : i32
      %dma_wait3A_113 = tpu.memref_slice %arg7[%arg0, %add3A_108, %dma_wait3A] : memref<2x10240x128xf32, #tpu.memory_space<hbm>> -> memref<1x80x128xf32, #tpu.memory_space<hbm>>
      %dma_wait3A_114 = tpu.memref_squeeze %dma_wait3A_113 : memref<1x80x128xf32, #tpu.memory_space<hbm>> -> memref<80x128xf32, #tpu.memory_space<hbm>>
      %dma_wait3A_115 = arith.constant 0 : i32
      %dma_wait3A_116 = tpu.memref_slice %arg15[%add3A_106, %dma_wait3A_115] : memref<10240x128xf32, #tpu.memory_space<vmem_shared>> -> memref<80x128xf32, #tpu.memory_space<vmem_shared>>
      tpu.wait_dma2 semaphore(%run_scoped3A : memref<!tpu.dma_semaphore, #tpu.memory_space<semaphore_mem>>) src(%dma_wait3A_116 : memref<80x128xf32, #tpu.memory_space<vmem_shared>>) dst(%dma_wait3A_114 : memref<80x128xf32, #tpu.memory_space<hbm>>)
      tpu.yield
    }) : () -> ()
    return
  }
}

#map = affine_map<(d0, d1) -> (0)>
#map1 = affine_map<(d0, d1) -> (0, 0, 0)>
module attributes {stable_mosaic.version = 14 : i64} {
  func.func @_seg_max(%arg0: i32, %arg1: i32, %arg2: memref<320000xi32, #tpu.memory_space<hbm>>, %arg3: memref<1280000xf32, #tpu.memory_space<hbm>>, %arg4: memref<32x2560x16xf32, #tpu.memory_space<hbm>>, %arg5: memref<80xi32, #tpu.memory_space<vmem>>, %arg6: memref<320xf32, #tpu.memory_space<vmem>>, %arg7: memref<2560x16xf32, #tpu.memory_space<vmem>>) attributes {dimension_semantics = [#tpu.dimension_semantics<core_parallel>, #tpu.dimension_semantics<subcore_parallel>], iteration_bounds = array<i64: 2, 16>, scalar_prefetch = 0 : i64, scratch_operands = 3 : i64, tpu.core_type = #tpu.core_type<sc_vector_subcore>, window_params = [{transform_indices = #map}, {transform_indices = #map}, {transform_indices = #map1}]} {
    %mul3A = arith.constant 2 : i32
    %mul3A_0 = arith.muli %arg1, %mul3A : i32
    %add3A = arith.addi %mul3A_0, %arg0 : i32
    %mul3A_1 = arith.constant 10000 : i32
    %mul3A_2 = arith.muli %add3A, %mul3A_1 : i32
    %broadcast_in_dim3A = arith.constant -3.000000e+38 : f32
    %broadcast_in_dim3A_3 = vector.broadcast %broadcast_in_dim3A : f32 to vector<16xf32>
    %scan3A = arith.constant 0 : i32
    %scan3A_4 = arith.constant 0 : i32
    %scan3A_5 = arith.constant 2560 : i32
    %scan3A_6 = arith.addi %scan3A_4, %scan3A_5 : i32
    %scan3A_7 = arith.constant 1 : i32
    scf.for %scan3A_19 = %scan3A_4 to %scan3A_6 step %scan3A_7  : i32 {
      %swap3A = arith.index_cast %scan3A_19 : i32 to index
      %swap3A_20 = arith.constant 0 : index
      %swap3A_21 = tpu.vector_load %arg7[%swap3A, %swap3A_20] {strides = array<i32>} : memref<2560x16xf32, #tpu.memory_space<vmem>>, vector<16xf32>,
      tpu.vector_store %arg7[%swap3A, %swap3A_20], %broadcast_in_dim3A_3 {strides = array<i32>} : memref<2560x16xf32, #tpu.memory_space<vmem>>, vector<16xf32>,
    }
    %scan3A_8 = arith.constant 2560 : i32
    %iota3A = tpu.iota {dimensions = array<i32: 0>} : vector<16xi32>
    %min3A = arith.constant 3 : i32
    %min3A_9 = vector.broadcast %min3A : i32 to vector<16xi32>
    %min3A_10 = arith.minsi %iota3A, %min3A_9 : vector<16xi32>
    %broadcast_in_dim3A_11 = arith.constant 0 : i32
    %broadcast_in_dim3A_12 = vector.broadcast %broadcast_in_dim3A_11 : i32 to vector<16xi32>
    %scan3A_13 = arith.constant 0 : i32
    %scan3A_14 = arith.constant 0 : i32
    %scan3A_15 = arith.constant 125 : i32
    %scan3A_16 = arith.addi %scan3A_14, %scan3A_15 : i32
    %scan3A_17 = arith.constant 1 : i32
    scf.for %scan3A_19 = %scan3A_14 to %scan3A_16 step %scan3A_17  : i32 {
      %mul3A_20 = arith.constant 80 : i32
      %mul3A_21 = arith.muli %scan3A_19, %mul3A_20 : i32
      %add3A_22 = arith.addi %mul3A_2, %mul3A_21 : i32
      "tpu.region"() ({
        %run_scoped3A = tpu.sem_alloc : memref<!tpu.dma_semaphore, #tpu.memory_space<semaphore_mem>>
        %dma_start3A = tpu.memref_slice %arg2[%add3A_22] : memref<320000xi32, #tpu.memory_space<hbm>> -> memref<80xi32, #tpu.memory_space<hbm>>
        %dma_start3A_31 = tpu.memref_slice %arg2[%add3A_22] : memref<320000xi32, #tpu.memory_space<hbm>> -> memref<80xi32, #tpu.memory_space<hbm>>
        tpu.enqueue_dma source(%dma_start3A_31 : memref<80xi32, #tpu.memory_space<hbm>>) target(%arg5 : memref<80xi32, #tpu.memory_space<vmem>>) target_semaphore(%run_scoped3A : memref<!tpu.dma_semaphore, #tpu.memory_space<semaphore_mem>>)
        %dma_wait3A = tpu.memref_slice %arg2[%add3A_22] : memref<320000xi32, #tpu.memory_space<hbm>> -> memref<80xi32, #tpu.memory_space<hbm>>
        %dma_wait3A_32 = tpu.memref_slice %arg2[%add3A_22] : memref<320000xi32, #tpu.memory_space<hbm>> -> memref<80xi32, #tpu.memory_space<hbm>>
        tpu.wait_dma2 semaphore(%run_scoped3A : memref<!tpu.dma_semaphore, #tpu.memory_space<semaphore_mem>>) src(%dma_wait3A_32 : memref<80xi32, #tpu.memory_space<hbm>>) dst(%arg5 : memref<80xi32, #tpu.memory_space<vmem>>)
        tpu.yield
      }) : () -> ()
      %mul3A_23 = arith.constant 4 : i32
      %mul3A_24 = arith.muli %add3A_22, %mul3A_23 : i32
      "tpu.region"() ({
        %run_scoped3A = tpu.sem_alloc : memref<!tpu.dma_semaphore, #tpu.memory_space<semaphore_mem>>
        %dma_start3A = tpu.memref_slice %arg3[%mul3A_24] : memref<1280000xf32, #tpu.memory_space<hbm>> -> memref<320xf32, #tpu.memory_space<hbm>>
        %dma_start3A_31 = tpu.memref_slice %arg3[%mul3A_24] : memref<1280000xf32, #tpu.memory_space<hbm>> -> memref<320xf32, #tpu.memory_space<hbm>>
        tpu.enqueue_dma source(%dma_start3A_31 : memref<320xf32, #tpu.memory_space<hbm>>) target(%arg6 : memref<320xf32, #tpu.memory_space<vmem>>) target_semaphore(%run_scoped3A : memref<!tpu.dma_semaphore, #tpu.memory_space<semaphore_mem>>)
        %dma_wait3A = tpu.memref_slice %arg3[%mul3A_24] : memref<1280000xf32, #tpu.memory_space<hbm>> -> memref<320xf32, #tpu.memory_space<hbm>>
        %dma_wait3A_32 = tpu.memref_slice %arg3[%mul3A_24] : memref<1280000xf32, #tpu.memory_space<hbm>> -> memref<320xf32, #tpu.memory_space<hbm>>
        tpu.wait_dma2 semaphore(%run_scoped3A : memref<!tpu.dma_semaphore, #tpu.memory_space<semaphore_mem>>) src(%dma_wait3A_32 : memref<320xf32, #tpu.memory_space<hbm>>) dst(%arg6 : memref<320xf32, #tpu.memory_space<vmem>>)
        tpu.yield
      }) : () -> ()
      %scan3A_25 = arith.constant 0 : i32
      %scan3A_26 = arith.constant 0 : i32
      %scan3A_27 = arith.constant 80 : i32
      %scan3A_28 = arith.addi %scan3A_26, %scan3A_27 : i32
      %scan3A_29 = arith.constant 1 : i32
      scf.for %scan3A_31 = %scan3A_26 to %scan3A_28 step %scan3A_29  : i32 {
        %mul3A_32 = arith.constant 4 : i32
        %mul3A_33 = arith.muli %scan3A_31, %mul3A_32 : i32
        %add3A_34 = vector.broadcast %mul3A_33 : i32 to vector<16xi32>
        %add3A_35 = arith.addi %add3A_34, %min3A_10 : vector<16xi32>
        %gather3A = tpu.vector_load_idx %arg6[%add3A_35] : memref<320xf32, #tpu.memory_space<vmem>>[vector<16xi32>], vector<16xf32>,
        %add3A_36 = vector.broadcast %scan3A_31 : i32 to vector<16xi32>
        %add3A_37 = arith.addi %broadcast_in_dim3A_12, %add3A_36 : vector<16xi32>
        %gather3A_38 = tpu.vector_load_idx %arg5[%add3A_37] : memref<80xi32, #tpu.memory_space<vmem>>[vector<16xi32>], vector<16xi32>,
        %jit3A = arith.constant 4 : i32
        %div3A = vector.broadcast %jit3A : i32 to vector<16xi32>
        %div3A_39 = arith.divsi %gather3A_38, %div3A : vector<16xi32>
        %sign3A = arith.constant 0 : i32
        %sign3A_40 = vector.broadcast %sign3A : i32 to vector<16xi32>
        %sign3A_41 = arith.cmpi sgt, %gather3A_38, %sign3A_40 : vector<16xi32>
        %sign3A_42 = arith.extui %sign3A_41 : vector<16xi1> to vector<16xi32>
        %sign3A_43 = arith.constant 0 : i32
        %sign3A_44 = vector.broadcast %sign3A_43 : i32 to vector<16xi32>
        %sign3A_45 = arith.cmpi slt, %gather3A_38, %sign3A_44 : vector<16xi32>
        %sign3A_46 = arith.extui %sign3A_45 : vector<16xi1> to vector<16xi32>
        %sign3A_47 = arith.subi %sign3A_42, %sign3A_46 : vector<16xi32>
        %sign3A_48 = arith.constant 0 : i32
        %sign3A_49 = arith.cmpi sgt, %jit3A, %sign3A_48 : i32
        %sign3A_50 = arith.extui %sign3A_49 : i1 to i32
        %sign3A_51 = arith.constant 0 : i32
        %sign3A_52 = arith.cmpi slt, %jit3A, %sign3A_51 : i32
        %sign3A_53 = arith.extui %sign3A_52 : i1 to i32
        %sign3A_54 = arith.subi %sign3A_50, %sign3A_53 : i32
        %ne3A = vector.broadcast %sign3A_54 : i32 to vector<16xi32>
        %ne3A_55 = arith.cmpi ne, %sign3A_47, %ne3A : vector<16xi32>
        %rem3A = vector.broadcast %jit3A : i32 to vector<16xi32>
        %rem3A_56 = arith.remsi %gather3A_38, %rem3A : vector<16xi32>
        %ne3A_57 = arith.constant 0 : i32
        %ne3A_58 = vector.broadcast %ne3A_57 : i32 to vector<16xi32>
        %ne3A_59 = arith.cmpi ne, %rem3A_56, %ne3A_58 : vector<16xi32>
        %and3A = arith.andi %ne3A_55, %ne3A_59 : vector<16xi1>
        %sub3A = arith.constant 1 : i32
        %sub3A_60 = vector.broadcast %sub3A : i32 to vector<16xi32>
        %sub3A_61 = arith.subi %div3A_39, %sub3A_60 : vector<16xi32>
        %select_n3A = arith.select %and3A, %sub3A_61, %div3A_39 : vector<16xi1>, vector<16xi32>
        %jit3A_62 = arith.constant 4 : i32
        %eq3A = arith.constant 0 : i32
        %eq3A_63 = arith.cmpi eq, %jit3A_62, %eq3A : i32
        %jit3A_64 = arith.constant 1 : i32
        %select_n3A_65 = arith.select %eq3A_63, %jit3A_64, %jit3A_62 : i32
        %rem3A_66 = vector.broadcast %select_n3A_65 : i32 to vector<16xi32>
        %rem3A_67 = arith.remsi %gather3A_38, %rem3A_66 : vector<16xi32>
        %ne3A_68 = arith.constant 0 : i32
        %ne3A_69 = vector.broadcast %ne3A_68 : i32 to vector<16xi32>
        %ne3A_70 = arith.cmpi ne, %rem3A_67, %ne3A_69 : vector<16xi32>
        %lt3A = arith.constant 0 : i32
        %lt3A_71 = vector.broadcast %lt3A : i32 to vector<16xi32>
        %lt3A_72 = arith.cmpi slt, %rem3A_67, %lt3A_71 : vector<16xi32>
        %lt3A_73 = arith.constant 0 : i32
        %lt3A_74 = arith.cmpi slt, %select_n3A_65, %lt3A_73 : i32
        %ne3A_75 = vector.broadcast %lt3A_74 : i1 to vector<16xi1>
        %ne3A_76 = vector.broadcast %ne3A_75 : vector<16xi1> to vector<16xi1>
        %ne3A_77 = arith.xori %lt3A_72, %ne3A_76 : vector<16xi1>
        %and3A_78 = arith.andi %ne3A_77, %ne3A_70 : vector<16xi1>
        %add3A_79 = vector.broadcast %select_n3A_65 : i32 to vector<16xi32>
        %add3A_80 = arith.addi %rem3A_67, %add3A_79 : vector<16xi32>
        %select_n3A_81 = arith.select %and3A_78, %add3A_80, %rem3A_67 : vector<16xi1>, vector<16xi32>
        %mul3A_82 = arith.constant 4 : i32
        %mul3A_83 = vector.broadcast %mul3A_82 : i32 to vector<16xi32>
        %mul3A_84 = arith.muli %select_n3A_81, %mul3A_83 : vector<16xi32>
        %add3A_85 = arith.addi %mul3A_84, %min3A_10 : vector<16xi32>
        %gather3A_86 = tpu.vector_load_idx %arg7[%select_n3A, %add3A_85] : memref<2560x16xf32, #tpu.memory_space<vmem>>[vector<16xi32>, vector<16xi32>], vector<16xf32>,
        %max3A = arith.maximumf %gather3A_86, %gather3A : vector<16xf32>
        %lt3A_87 = arith.constant 4 : i32
        %lt3A_88 = vector.broadcast %lt3A_87 : i32 to vector<16xi32>
        %lt3A_89 = arith.cmpi slt, %iota3A, %lt3A_88 : vector<16xi32>
        tpu.vector_store_idx %arg7[%select_n3A, %add3A_85], %max3A masked %lt3A_89 : memref<2560x16xf32, #tpu.memory_space<vmem>>[vector<16xi32>, vector<16xi32>], vector<16xf32>, vector<16xi1>
      }
      %scan3A_30 = arith.constant 80 : i32
    }
    %scan3A_18 = arith.constant 125 : i32
    "tpu.region"() ({
      %run_scoped3A = tpu.sem_alloc : memref<!tpu.dma_semaphore, #tpu.memory_space<semaphore_mem>>
      %dma_start3A = arith.constant 0 : i32
      %dma_start3A_19 = arith.constant 0 : i32
      %dma_start3A_20 = tpu.memref_slice %arg4[%add3A, %dma_start3A, %dma_start3A_19] : memref<32x2560x16xf32, #tpu.memory_space<hbm>> -> memref<1x2560x16xf32, #tpu.memory_space<hbm>>
      %dma_start3A_21 = tpu.memref_squeeze %dma_start3A_20 : memref<1x2560x16xf32, #tpu.memory_space<hbm>> -> memref<2560x16xf32, #tpu.memory_space<hbm>>
      %dma_start3A_22 = arith.constant 0 : i32
      %dma_start3A_23 = arith.constant 0 : i32
      %dma_start3A_24 = tpu.memref_slice %arg4[%add3A, %dma_start3A_22, %dma_start3A_23] : memref<32x2560x16xf32, #tpu.memory_space<hbm>> -> memref<1x2560x16xf32, #tpu.memory_space<hbm>>
      %dma_start3A_25 = tpu.memref_squeeze %dma_start3A_24 : memref<1x2560x16xf32, #tpu.memory_space<hbm>> -> memref<2560x16xf32, #tpu.memory_space<hbm>>
      tpu.enqueue_dma source(%arg7 : memref<2560x16xf32, #tpu.memory_space<vmem>>) target(%dma_start3A_25 : memref<2560x16xf32, #tpu.memory_space<hbm>>) target_semaphore(%run_scoped3A : memref<!tpu.dma_semaphore, #tpu.memory_space<semaphore_mem>>)
      %dma_wait3A = arith.constant 0 : i32
      %dma_wait3A_26 = arith.constant 0 : i32
      %dma_wait3A_27 = tpu.memref_slice %arg4[%add3A, %dma_wait3A, %dma_wait3A_26] : memref<32x2560x16xf32, #tpu.memory_space<hbm>> -> memref<1x2560x16xf32, #tpu.memory_space<hbm>>
      %dma_wait3A_28 = tpu.memref_squeeze %dma_wait3A_27 : memref<1x2560x16xf32, #tpu.memory_space<hbm>> -> memref<2560x16xf32, #tpu.memory_space<hbm>>
      %dma_wait3A_29 = arith.constant 0 : i32
      %dma_wait3A_30 = arith.constant 0 : i32
      %dma_wait3A_31 = tpu.memref_slice %arg4[%add3A, %dma_wait3A_29, %dma_wait3A_30] : memref<32x2560x16xf32, #tpu.memory_space<hbm>> -> memref<1x2560x16xf32, #tpu.memory_space<hbm>>
      %dma_wait3A_32 = tpu.memref_squeeze %dma_wait3A_31 : memref<1x2560x16xf32, #tpu.memory_space<hbm>> -> memref<2560x16xf32, #tpu.memory_space<hbm>>
      tpu.wait_dma2 semaphore(%run_scoped3A : memref<!tpu.dma_semaphore, #tpu.memory_space<semaphore_mem>>) src(%arg7 : memref<2560x16xf32, #tpu.memory_space<vmem>>) dst(%dma_wait3A_32 : memref<2560x16xf32, #tpu.memory_space<hbm>>)
      tpu.yield
    }) : () -> ()
    return
  }
}

module attributes {stable_mosaic.version = 14 : i64} {
  func.func @_logits_body(%arg0: i32, %arg1: memref<512x128xf32, #tpu.memory_space<vmem>>, %arg2: memref<512x128xf32, #tpu.memory_space<vmem>>, %arg3: memref<128x512xf32, #tpu.memory_space<vmem>>, %arg4: memref<128x512xf32, #tpu.memory_space<vmem>>, %arg5: memref<1x512xf32, #tpu.memory_space<vmem>>, %arg6: memref<512x4xf32, #tpu.memory_space<vmem>>, %arg7: memref<512x4xf32, #tpu.memory_space<vmem>>, %arg8: memref<8x128xf32, #tpu.memory_space<vmem>>) attributes {dimension_semantics = [#tpu.dimension_semantics<arbitrary>], iteration_bounds = array<i64: 625>, scalar_prefetch = 0 : i64, scratch_operands = 0 : i64, tpu.core_type = #tpu.core_type<tc>, window_params = [{transform_indices = @transform_0, window_bounds = array<i64: 512, 128>}, {transform_indices = @transform_1, window_bounds = array<i64: 512, 128>}, {pipeline_mode = #tpu.pipeline_mode<synchronous>, transform_indices = @transform_2, window_bounds = array<i64: 128, 512>}, {pipeline_mode = #tpu.pipeline_mode<synchronous>, transform_indices = @transform_3, window_bounds = array<i64: 128, 512>}, {pipeline_mode = #tpu.pipeline_mode<synchronous>, transform_indices = @transform_4, window_bounds = array<i64: 1, 512>}, {pipeline_mode = #tpu.pipeline_mode<synchronous>, transform_indices = @transform_5, window_bounds = array<i64: 512, 4>}, {transform_indices = @transform_6, window_bounds = array<i64: 512, 4>}, {pipeline_mode = #tpu.pipeline_mode<synchronous>, transform_indices = @transform_7, window_bounds = array<i64: 8, 128>}]} {
    %get3A = arith.constant 0 : index
    %get3A_0 = arith.constant 0 : index
    %get3A_1 = vector.load %arg1[%get3A, %get3A_0] : memref<512x128xf32, #tpu.memory_space<vmem>>, vector<512x128xf32>
    %get3A_2 = arith.constant 0 : index
    %get3A_3 = arith.constant 0 : index
    %get3A_4 = vector.load %arg3[%get3A_2, %get3A_3] : memref<128x512xf32, #tpu.memory_space<vmem>>, vector<128x512xf32>
    %dot_general3A = arith.constant dense<0.000000e+00> : vector<512x512xf32>
    %dot_general3A_5 = tpu.matmul %get3A_1, %get3A_4, %dot_general3A {dimension_numbers = #tpu.dot_dimension_numbers<[1], [0], [0], [1], [0, 0, 1, 1], [], []>, transpose_lhs_hint = false} : vector<512x128xf32>, vector<128x512xf32>, vector<512x512xf32> -> vector<512x512xf32>
    %get3A_6 = arith.constant 0 : index
    %get3A_7 = arith.constant 0 : index
    %get3A_8 = vector.load %arg2[%get3A_6, %get3A_7] : memref<512x128xf32, #tpu.memory_space<vmem>>, vector<512x128xf32>
    %get3A_9 = arith.constant 0 : index
    %get3A_10 = arith.constant 0 : index
    %get3A_11 = vector.load %arg4[%get3A_9, %get3A_10] : memref<128x512xf32, #tpu.memory_space<vmem>>, vector<128x512xf32>
    %dot_general3A_12 = arith.constant dense<0.000000e+00> : vector<512x512xf32>
    %dot_general3A_13 = tpu.matmul %get3A_8, %get3A_11, %dot_general3A_12 {dimension_numbers = #tpu.dot_dimension_numbers<[1], [0], [0], [1], [0, 0, 1, 1], [], []>, transpose_lhs_hint = false} : vector<512x128xf32>, vector<128x512xf32>, vector<512x512xf32> -> vector<512x512xf32>
    %add3A = arith.addf %dot_general3A_5, %dot_general3A_13 : vector<512x512xf32>
    %get3A_14 = arith.constant 0 : index
    %get3A_15 = arith.constant 0 : index
    %get3A_16 = vector.load %arg5[%get3A_14, %get3A_15] : memref<1x512xf32, #tpu.memory_space<vmem>>, vector<1x512xf32>
    %add3A_17 = vector.broadcast %get3A_16 : vector<1x512xf32> to vector<512x512xf32>
    %add3A_18 = arith.addf %add3A, %add3A_17 : vector<512x512xf32>
    %mul3A = arith.constant 0.707106769 : f32
    %mul3A_19 = vector.broadcast %mul3A : f32 to vector<512x512xf32>
    %mul3A_20 = arith.mulf %add3A_18, %mul3A_19 : vector<512x512xf32>
    %abs3A = math.absf %mul3A_20 : vector<512x512xf32>
    %mul3A_21 = arith.constant 0.327591091 : f32
    %mul3A_22 = vector.broadcast %mul3A_21 : f32 to vector<512x512xf32>
    %mul3A_23 = arith.mulf %mul3A_22, %abs3A : vector<512x512xf32>
    %add3A_24 = arith.constant 1.000000e+00 : f32
    %add3A_25 = vector.broadcast %add3A_24 : f32 to vector<512x512xf32>
    %add3A_26 = arith.addf %add3A_25, %mul3A_23 : vector<512x512xf32>
    %div3A = arith.constant 1.000000e+00 : f32
    %div3A_27 = vector.broadcast %div3A : f32 to vector<512x512xf32>
    %div3A_28 = arith.divf %div3A_27, %add3A_26 : vector<512x512xf32>
    %mul3A_29 = arith.constant 1.06140542 : f32
    %mul3A_30 = vector.broadcast %mul3A_29 : f32 to vector<512x512xf32>
    %mul3A_31 = arith.mulf %div3A_28, %mul3A_30 : vector<512x512xf32>
    %add3A_32 = arith.constant -1.45315206 : f32
    %add3A_33 = vector.broadcast %add3A_32 : f32 to vector<512x512xf32>
    %add3A_34 = arith.addf %add3A_33, %mul3A_31 : vector<512x512xf32>
    %mul3A_35 = arith.mulf %div3A_28, %add3A_34 : vector<512x512xf32>
    %add3A_36 = arith.constant 1.42141378 : f32
    %add3A_37 = vector.broadcast %add3A_36 : f32 to vector<512x512xf32>
    %add3A_38 = arith.addf %add3A_37, %mul3A_35 : vector<512x512xf32>
    %mul3A_39 = arith.mulf %div3A_28, %add3A_38 : vector<512x512xf32>
    %add3A_40 = arith.constant -0.284496725 : f32
    %add3A_41 = vector.broadcast %add3A_40 : f32 to vector<512x512xf32>
    %add3A_42 = arith.addf %add3A_41, %mul3A_39 : vector<512x512xf32>
    %mul3A_43 = arith.mulf %div3A_28, %add3A_42 : vector<512x512xf32>
    %add3A_44 = arith.constant 0.254829586 : f32
    %add3A_45 = vector.broadcast %add3A_44 : f32 to vector<512x512xf32>
    %add3A_46 = arith.addf %add3A_45, %mul3A_43 : vector<512x512xf32>
    %mul3A_47 = arith.mulf %div3A_28, %add3A_46 : vector<512x512xf32>
    %neg3A = arith.constant 0.000000e+00 : f32
    %neg3A_48 = vector.broadcast %neg3A : f32 to vector<512x512xf32>
    %neg3A_49 = arith.subf %neg3A_48, %abs3A : vector<512x512xf32>
    %mul3A_50 = arith.mulf %neg3A_49, %abs3A : vector<512x512xf32>
    %exp3A = math.exp %mul3A_50 : vector<512x512xf32>
    %mul3A_51 = arith.mulf %mul3A_47, %exp3A : vector<512x512xf32>
    %sub3A = arith.constant 1.000000e+00 : f32
    %sub3A_52 = vector.broadcast %sub3A : f32 to vector<512x512xf32>
    %sub3A_53 = arith.subf %sub3A_52, %mul3A_51 : vector<512x512xf32>
    %lt3A = arith.constant 0.000000e+00 : f32
    %lt3A_54 = vector.broadcast %lt3A : f32 to vector<512x512xf32>
    %lt3A_55 = arith.cmpf olt, %mul3A_20, %lt3A_54 : vector<512x512xf32>
    %neg3A_56 = arith.constant 0.000000e+00 : f32
    %neg3A_57 = vector.broadcast %neg3A_56 : f32 to vector<512x512xf32>
    %neg3A_58 = arith.subf %neg3A_57, %sub3A_53 : vector<512x512xf32>
    %select_n3A = arith.select %lt3A_55, %neg3A_58, %sub3A_53 : vector<512x512xi1>, vector<512x512xf32>
    %mul3A_59 = arith.constant 5.000000e-01 : f32
    %mul3A_60 = vector.broadcast %mul3A_59 : f32 to vector<512x512xf32>
    %mul3A_61 = arith.mulf %add3A_18, %mul3A_60 : vector<512x512xf32>
    %add3A_62 = arith.constant 1.000000e+00 : f32
    %add3A_63 = vector.broadcast %add3A_62 : f32 to vector<512x512xf32>
    %add3A_64 = arith.addf %add3A_63, %select_n3A : vector<512x512xf32>
    %mul3A_65 = arith.mulf %mul3A_61, %add3A_64 : vector<512x512xf32>
    %get3A_66 = arith.constant 0 : index
    %get3A_67 = arith.constant 0 : index
    %get3A_68 = vector.load %arg6[%get3A_66, %get3A_67] : memref<512x4xf32, #tpu.memory_space<vmem>>, vector<512x4xf32>
    %dot_general3A_69 = arith.constant dense<0.000000e+00> : vector<512x4xf32>
    %dot_general3A_70 = tpu.matmul %mul3A_65, %get3A_68, %dot_general3A_69 {dimension_numbers = #tpu.dot_dimension_numbers<[1], [0], [0], [1], [0, 0, 1, 1], [], []>, transpose_lhs_hint = false} : vector<512x512xf32>, vector<512x4xf32>, vector<512x4xf32> -> vector<512x4xf32>
    %swap3A = arith.constant 0 : index
    %swap3A_71 = arith.constant 0 : index
    %swap3A_72 = vector.load %arg7[%swap3A, %swap3A_71] : memref<512x4xf32, #tpu.memory_space<vmem>>, vector<512x4xf32>
    tpu.vector_store %arg7[%swap3A, %swap3A_71], %dot_general3A_70 {strides = array<i32>} : memref<512x4xf32, #tpu.memory_space<vmem>>, vector<512x4xf32>,
    %reduce_max3A = vector.shape_cast %dot_general3A_70 : vector<512x4xf32> to vector<1x512x4xf32>
    %reduce_max3A_73 = arith.constant dense<0xFF800000> : vector<1xf32>
    %reduce_max3A_74 = vector.multi_reduction <maximumf>, %reduce_max3A, %reduce_max3A_73 [1, 2] : vector<1x512x4xf32> to vector<1xf32>
    %reduce_max3A_75 = vector.shape_cast %reduce_max3A_74 : vector<1xf32> to vector<1x1x1xf32>
    %reduce_max3A_76 = vector.extract %reduce_max3A_75[0, 0, 0] : f32 from vector<1x1x1xf32>
    %broadcast_in_dim3A = vector.broadcast %reduce_max3A_76 : f32 to vector<8x128xf32>
    %eq3A = arith.constant 0 : i32
    %eq3A_77 = arith.cmpi eq, %arg0, %eq3A : i32
    %convert_element_type3A = arith.extui %eq3A_77 : i1 to i32
    %cond3A = arith.constant 0 : i32
    %cond3A_78 = arith.cmpi ne, %convert_element_type3A, %cond3A : i32
    scf.if %cond3A_78 {
      %swap3A_88 = arith.constant 0 : index
      %swap3A_89 = arith.constant 0 : index
      %swap3A_90 = vector.load %arg8[%swap3A_88, %swap3A_89] : memref<8x128xf32, #tpu.memory_space<vmem>>, vector<8x128xf32>
      tpu.vector_store %arg8[%swap3A_88, %swap3A_89], %broadcast_in_dim3A {strides = array<i32>} : memref<8x128xf32, #tpu.memory_space<vmem>>, vector<8x128xf32>,
    } else {
    }
    %gt3A = arith.constant 0 : i32
    %gt3A_79 = arith.cmpi sgt, %arg0, %gt3A : i32
    %convert_element_type3A_80 = arith.extui %gt3A_79 : i1 to i32
    %cond3A_81 = arith.constant 0 : i32
    %cond3A_82 = arith.cmpi ne, %convert_element_type3A_80, %cond3A_81 : i32
    scf.if %cond3A_82 {
      %get3A_88 = arith.constant 0 : index
      %get3A_89 = arith.constant 0 : index
      %get3A_90 = vector.load %arg8[%get3A_88, %get3A_89] : memref<8x128xf32, #tpu.memory_space<vmem>>, vector<8x128xf32>
      %max3A = arith.maximumf %get3A_90, %broadcast_in_dim3A : vector<8x128xf32>
      %swap3A_91 = arith.constant 0 : index
      %swap3A_92 = arith.constant 0 : index
      %swap3A_93 = vector.load %arg8[%swap3A_91, %swap3A_92] : memref<8x128xf32, #tpu.memory_space<vmem>>, vector<8x128xf32>
      tpu.vector_store %arg8[%swap3A_91, %swap3A_92], %max3A {strides = array<i32>} : memref<8x128xf32, #tpu.memory_space<vmem>>, vector<8x128xf32>,
    } else {
    }
    %eq3A_83 = arith.constant 624 : i32
    %eq3A_84 = arith.cmpi eq, %arg0, %eq3A_83 : i32
    %convert_element_type3A_85 = arith.extui %eq3A_84 : i1 to i32
    %cond3A_86 = arith.constant 0 : i32
    %cond3A_87 = arith.cmpi ne, %convert_element_type3A_85, %cond3A_86 : i32
    scf.if %cond3A_87 {
      %get3A_88 = arith.constant 0 : index
      %get3A_89 = arith.constant 0 : index
      %get3A_90 = vector.load %arg8[%get3A_88, %get3A_89] : memref<8x128xf32, #tpu.memory_space<vmem>>, vector<8x128xf32>
      %reduce_max3A_91 = vector.shape_cast %get3A_90 : vector<8x128xf32> to vector<1x8x128xf32>
      %reduce_max3A_92 = arith.constant dense<0xFF800000> : vector<1xf32>
      %reduce_max3A_93 = vector.multi_reduction <maximumf>, %reduce_max3A_91, %reduce_max3A_92 [1, 2] : vector<1x8x128xf32> to vector<1xf32>
      %reduce_max3A_94 = vector.shape_cast %reduce_max3A_93 : vector<1xf32> to vector<1x1x1xf32>
      %reduce_max3A_95 = vector.extract %reduce_max3A_94[0, 0, 0] : f32 from vector<1x1x1xf32>
      %broadcast_in_dim3A_96 = vector.broadcast %reduce_max3A_95 : f32 to vector<8x128xf32>
      %swap3A_97 = arith.constant 0 : index
      %swap3A_98 = arith.constant 0 : index
      %swap3A_99 = vector.load %arg8[%swap3A_97, %swap3A_98] : memref<8x128xf32, #tpu.memory_space<vmem>>, vector<8x128xf32>
      tpu.vector_store %arg8[%swap3A_97, %swap3A_98], %broadcast_in_dim3A_96 {strides = array<i32>} : memref<8x128xf32, #tpu.memory_space<vmem>>, vector<8x128xf32>,
    } else {
    }
    return
  }
  func.func @transform_0(%arg0: i32) -> (i32, i32) {
    %c0_i32 = arith.constant 0 : i32
    %c0_i32_0 = arith.constant 0 : i32
    return %arg0, %c0_i32 : i32, i32
  }
  func.func @transform_1(%arg0: i32) -> (i32, i32) {
    %c0_i32 = arith.constant 0 : i32
    %c0_i32_0 = arith.constant 0 : i32
    return %arg0, %c0_i32 : i32, i32
  }
  func.func @transform_2(%arg0: i32) -> (i32, i32) {
    %c0_i32 = arith.constant 0 : i32
    %c0_i32_0 = arith.constant 0 : i32
    %c0_i32_1 = arith.constant 0 : i32
    return %c0_i32, %c0_i32_0 : i32, i32
  }
  func.func @transform_3(%arg0: i32) -> (i32, i32) {
    %c0_i32 = arith.constant 0 : i32
    %c0_i32_0 = arith.constant 0 : i32
    %c0_i32_1 = arith.constant 0 : i32
    return %c0_i32, %c0_i32_0 : i32, i32
  }
  func.func @transform_4(%arg0: i32) -> (i32, i32) {
    %c0_i32 = arith.constant 0 : i32
    %c0_i32_0 = arith.constant 0 : i32
    %c0_i32_1 = arith.constant 0 : i32
    return %c0_i32, %c0_i32_0 : i32, i32
  }
  func.func @transform_5(%arg0: i32) -> (i32, i32) {
    %c0_i32 = arith.constant 0 : i32
    %c0_i32_0 = arith.constant 0 : i32
    %c0_i32_1 = arith.constant 0 : i32
    return %c0_i32, %c0_i32_0 : i32, i32
  }
  func.func @transform_6(%arg0: i32) -> (i32, i32) {
    %c0_i32 = arith.constant 0 : i32
    %c0_i32_0 = arith.constant 0 : i32
    return %arg0, %c0_i32 : i32, i32
  }
  func.func @transform_7(%arg0: i32) -> (i32, i32) {
    %c0_i32 = arith.constant 0 : i32
    %c0_i32_0 = arith.constant 0 : i32
    %c0_i32_1 = arith.constant 0 : i32
    return %c0_i32, %c0_i32_0 : i32, i32
  }
}

module attributes {stable_mosaic.version = 14 : i64} {
  func.func @_cmb_body(%arg0: i32, %arg1: memref<32x400x4xf32, #tpu.memory_space<vmem>>, %arg2: memref<400x16xf32, #tpu.memory_space<vmem>>) attributes {dimension_semantics = [#tpu.dimension_semantics<arbitrary>], iteration_bounds = array<i64: 25>, scalar_prefetch = 0 : i64, scratch_operands = 0 : i64, tpu.core_type = #tpu.core_type<tc>, window_params = [{transform_indices = @transform_0, window_bounds = array<i64: 32, 400, 4>}, {transform_indices = @transform_1, window_bounds = array<i64: 400, 16>}]} {
    %get3A = arith.constant 0 : index
    %get3A_0 = arith.constant 0 : index
    %get3A_1 = arith.constant 0 : index
    %get3A_2 = vector.load %arg1[%get3A, %get3A_0, %get3A_1] : memref<32x400x4xf32, #tpu.memory_space<vmem>>, vector<32x400x4xf32>
    %reduce_max3A = arith.constant dense<0xFF800000> : vector<400x4xf32>
    %reduce_max3A_3 = vector.multi_reduction <maximumf>, %get3A_2, %reduce_max3A [0] : vector<32x400x4xf32> to vector<400x4xf32>
    %broadcast_in_dim3A = arith.constant -3.000000e+38 : f32
    %broadcast_in_dim3A_4 = vector.broadcast %broadcast_in_dim3A : f32 to vector<400x12xf32>
    %concatenate3A = tpu.concatenate %reduce_max3A_3, %broadcast_in_dim3A_4 in 1 : vector<400x4xf32>, vector<400x12xf32> -> vector<400x16xf32>
    %swap3A = arith.constant 0 : index
    %swap3A_5 = arith.constant 0 : index
    %swap3A_6 = vector.load %arg2[%swap3A, %swap3A_5] : memref<400x16xf32, #tpu.memory_space<vmem>>, vector<400x16xf32>
    tpu.vector_store %arg2[%swap3A, %swap3A_5], %concatenate3A {strides = array<i32>} : memref<400x16xf32, #tpu.memory_space<vmem>>, vector<400x16xf32>,
    return
  }
  func.func @transform_0(%arg0: i32) -> (i32, i32, i32) {
    %c0_i32 = arith.constant 0 : i32
    %c0_i32_0 = arith.constant 0 : i32
    %c0_i32_1 = arith.constant 0 : i32
    return %c0_i32, %arg0, %c0_i32_0 : i32, i32, i32
  }
  func.func @transform_1(%arg0: i32) -> (i32, i32) {
    %c0_i32 = arith.constant 0 : i32
    %c0_i32_0 = arith.constant 0 : i32
    return %arg0, %c0_i32 : i32, i32
  }
}

module attributes {stable_mosaic.version = 14 : i64} {
  func.func @_node_mm_body(%arg0: i32, %arg1: memref<400x128xf32, #tpu.memory_space<vmem>>, %arg2: memref<128x128xf32, #tpu.memory_space<vmem>>, %arg3: memref<1x128xf32, #tpu.memory_space<vmem>>, %arg4: memref<400x128xf32, #tpu.memory_space<vmem>>) attributes {dimension_semantics = [#tpu.dimension_semantics<arbitrary>], iteration_bounds = array<i64: 25>, scalar_prefetch = 0 : i64, scratch_operands = 0 : i64, tpu.core_type = #tpu.core_type<tc>, window_params = [{transform_indices = @transform_0, window_bounds = array<i64: 400, 128>}, {pipeline_mode = #tpu.pipeline_mode<synchronous>, transform_indices = @transform_1, window_bounds = array<i64: 128, 128>}, {pipeline_mode = #tpu.pipeline_mode<synchronous>, transform_indices = @transform_2, window_bounds = array<i64: 1, 128>}, {transform_indices = @transform_3, window_bounds = array<i64: 400, 128>}]} {
    %get3A = arith.constant 0 : index
    %get3A_0 = arith.constant 0 : index
    %get3A_1 = vector.load %arg1[%get3A, %get3A_0] : memref<400x128xf32, #tpu.memory_space<vmem>>, vector<400x128xf32>
    %get3A_2 = arith.constant 0 : index
    %get3A_3 = arith.constant 0 : index
    %get3A_4 = vector.load %arg2[%get3A_2, %get3A_3] : memref<128x128xf32, #tpu.memory_space<vmem>>, vector<128x128xf32>
    %dot_general3A = arith.constant dense<0.000000e+00> : vector<400x128xf32>
    %dot_general3A_5 = tpu.matmul %get3A_1, %get3A_4, %dot_general3A {dimension_numbers = #tpu.dot_dimension_numbers<[1], [0], [0], [1], [0, 0, 1, 1], [], []>, transpose_lhs_hint = false} : vector<400x128xf32>, vector<128x128xf32>, vector<400x128xf32> -> vector<400x128xf32>
    %get3A_6 = arith.constant 0 : index
    %get3A_7 = arith.constant 0 : index
    %get3A_8 = vector.load %arg3[%get3A_6, %get3A_7] : memref<1x128xf32, #tpu.memory_space<vmem>>, vector<1x128xf32>
    %add3A = vector.broadcast %get3A_8 : vector<1x128xf32> to vector<400x128xf32>
    %add3A_9 = arith.addf %dot_general3A_5, %add3A : vector<400x128xf32>
    %swap3A = arith.constant 0 : index
    %swap3A_10 = arith.constant 0 : index
    %swap3A_11 = vector.load %arg4[%swap3A, %swap3A_10] : memref<400x128xf32, #tpu.memory_space<vmem>>, vector<400x128xf32>
    tpu.vector_store %arg4[%swap3A, %swap3A_10], %add3A_9 {strides = array<i32>} : memref<400x128xf32, #tpu.memory_space<vmem>>, vector<400x128xf32>,
    return
  }
  func.func @transform_0(%arg0: i32) -> (i32, i32) {
    %c0_i32 = arith.constant 0 : i32
    %c0_i32_0 = arith.constant 0 : i32
    return %arg0, %c0_i32 : i32, i32
  }
  func.func @transform_1(%arg0: i32) -> (i32, i32) {
    %c0_i32 = arith.constant 0 : i32
    %c0_i32_0 = arith.constant 0 : i32
    %c0_i32_1 = arith.constant 0 : i32
    return %c0_i32, %c0_i32_0 : i32, i32
  }
  func.func @transform_2(%arg0: i32) -> (i32, i32) {
    %c0_i32 = arith.constant 0 : i32
    %c0_i32_0 = arith.constant 0 : i32
    %c0_i32_1 = arith.constant 0 : i32
    return %c0_i32, %c0_i32_0 : i32, i32
  }
  func.func @transform_3(%arg0: i32) -> (i32, i32) {
    %c0_i32 = arith.constant 0 : i32
    %c0_i32_0 = arith.constant 0 : i32
    return %arg0, %c0_i32 : i32, i32
  }
}

module attributes {stable_mosaic.version = 14 : i64} {
  func.func @_final_body(%arg0: i32, %arg1: memref<2x400x128xf32, #tpu.memory_space<vmem>>, %arg2: memref<32x400x4xf32, #tpu.memory_space<vmem>>, %arg3: memref<4x128xf32, #tpu.memory_space<vmem>>, %arg4: memref<128x128xf32, #tpu.memory_space<vmem>>, %arg5: memref<1x128xf32, #tpu.memory_space<vmem>>, %arg6: memref<400x128xf32, #tpu.memory_space<vmem>>) attributes {dimension_semantics = [#tpu.dimension_semantics<arbitrary>], iteration_bounds = array<i64: 25>, scalar_prefetch = 0 : i64, scratch_operands = 0 : i64, tpu.core_type = #tpu.core_type<tc>, window_params = [{transform_indices = @transform_0, window_bounds = array<i64: 2, 400, 128>}, {transform_indices = @transform_1, window_bounds = array<i64: 32, 400, 4>}, {pipeline_mode = #tpu.pipeline_mode<synchronous>, transform_indices = @transform_2, window_bounds = array<i64: 4, 128>}, {pipeline_mode = #tpu.pipeline_mode<synchronous>, transform_indices = @transform_3, window_bounds = array<i64: 128, 128>}, {pipeline_mode = #tpu.pipeline_mode<synchronous>, transform_indices = @transform_4, window_bounds = array<i64: 1, 128>}, {transform_indices = @transform_5, window_bounds = array<i64: 400, 128>}]} {
    %get3A = arith.constant 0 : index
    %get3A_0 = arith.constant 0 : index
    %get3A_1 = arith.constant 0 : index
    %get3A_2 = vector.load %arg1[%get3A, %get3A_0, %get3A_1] : memref<2x400x128xf32, #tpu.memory_space<vmem>>, vector<1x400x128xf32>
    %get3A_3 = vector.shape_cast %get3A_2 : vector<1x400x128xf32> to vector<400x128xf32>
    %get3A_4 = arith.constant 1 : index
    %get3A_5 = arith.constant 0 : index
    %get3A_6 = arith.constant 0 : index
    %get3A_7 = vector.load %arg1[%get3A_4, %get3A_5, %get3A_6] : memref<2x400x128xf32, #tpu.memory_space<vmem>>, vector<1x400x128xf32>
    %get3A_8 = vector.shape_cast %get3A_7 : vector<1x400x128xf32> to vector<400x128xf32>
    %add3A = arith.addf %get3A_3, %get3A_8 : vector<400x128xf32>
    %get3A_9 = arith.constant 0 : index
    %get3A_10 = arith.constant 0 : index
    %get3A_11 = arith.constant 0 : index
    %get3A_12 = vector.load %arg2[%get3A_9, %get3A_10, %get3A_11] : memref<32x400x4xf32, #tpu.memory_space<vmem>>, vector<32x400x4xf32>
    %reduce_sum3A = arith.constant dense<0.000000e+00> : vector<400x4xf32>
    %reduce_sum3A_13 = vector.multi_reduction <add>, %get3A_12, %reduce_sum3A [0] : vector<32x400x4xf32> to vector<400x4xf32>
    %gt3A = arith.constant 0.000000e+00 : f32
    %gt3A_14 = vector.broadcast %gt3A : f32 to vector<400x4xf32>
    %gt3A_15 = arith.cmpf ogt, %reduce_sum3A_13, %gt3A_14 : vector<400x4xf32>
    %div3A = arith.constant 1.000000e+00 : f32
    %div3A_16 = vector.broadcast %div3A : f32 to vector<400x4xf32>
    %div3A_17 = arith.divf %div3A_16, %reduce_sum3A_13 : vector<400x4xf32>
    %jit3A = arith.constant 0.000000e+00 : f32
    %broadcast_in_dim3A = vector.broadcast %jit3A : f32 to vector<400x4xf32>
    %select_n3A = arith.select %gt3A_15, %div3A_17, %broadcast_in_dim3A : vector<400x4xi1>, vector<400x4xf32>
    %get3A_18 = arith.constant 0 : index
    %get3A_19 = arith.constant 0 : index
    %get3A_20 = vector.load %arg3[%get3A_18, %get3A_19] : memref<4x128xf32, #tpu.memory_space<vmem>>, vector<4x128xf32>
    %dot_general3A = arith.constant dense<0.000000e+00> : vector<400x128xf32>
    %dot_general3A_21 = tpu.matmul %select_n3A, %get3A_20, %dot_general3A {dimension_numbers = #tpu.dot_dimension_numbers<[1], [0], [0], [1], [0, 0, 1, 1], [], []>, transpose_lhs_hint = false} : vector<400x4xf32>, vector<4x128xf32>, vector<400x128xf32> -> vector<400x128xf32>
    %mul3A = arith.mulf %add3A, %dot_general3A_21 : vector<400x128xf32>
    %get3A_22 = arith.constant 0 : index
    %get3A_23 = arith.constant 0 : index
    %get3A_24 = vector.load %arg4[%get3A_22, %get3A_23] : memref<128x128xf32, #tpu.memory_space<vmem>>, vector<128x128xf32>
    %dot_general3A_25 = arith.constant dense<0.000000e+00> : vector<400x128xf32>
    %dot_general3A_26 = tpu.matmul %mul3A, %get3A_24, %dot_general3A_25 {dimension_numbers = #tpu.dot_dimension_numbers<[1], [0], [0], [1], [0, 0, 1, 1], [], []>, transpose_lhs_hint = false} : vector<400x128xf32>, vector<128x128xf32>, vector<400x128xf32> -> vector<400x128xf32>
    %get3A_27 = arith.constant 0 : index
    %get3A_28 = arith.constant 0 : index
    %get3A_29 = vector.load %arg5[%get3A_27, %get3A_28] : memref<1x128xf32, #tpu.memory_space<vmem>>, vector<1x128xf32>
    %add3A_30 = vector.broadcast %get3A_29 : vector<1x128xf32> to vector<400x128xf32>
    %add3A_31 = arith.addf %dot_general3A_26, %add3A_30 : vector<400x128xf32>
    %swap3A = arith.constant 0 : index
    %swap3A_32 = arith.constant 0 : index
    %swap3A_33 = vector.load %arg6[%swap3A, %swap3A_32] : memref<400x128xf32, #tpu.memory_space<vmem>>, vector<400x128xf32>
    tpu.vector_store %arg6[%swap3A, %swap3A_32], %add3A_31 {strides = array<i32>} : memref<400x128xf32, #tpu.memory_space<vmem>>, vector<400x128xf32>,
    return
  }
  func.func @transform_0(%arg0: i32) -> (i32, i32, i32) {
    %c0_i32 = arith.constant 0 : i32
    %c0_i32_0 = arith.constant 0 : i32
    %c0_i32_1 = arith.constant 0 : i32
    return %c0_i32, %arg0, %c0_i32_0 : i32, i32, i32
  }
  func.func @transform_1(%arg0: i32) -> (i32, i32, i32) {
    %c0_i32 = arith.constant 0 : i32
    %c0_i32_0 = arith.constant 0 : i32
    %c0_i32_1 = arith.constant 0 : i32
    return %c0_i32, %arg0, %c0_i32_0 : i32, i32, i32
  }
  func.func @transform_2(%arg0: i32) -> (i32, i32) {
    %c0_i32 = arith.constant 0 : i32
    %c0_i32_0 = arith.constant 0 : i32
    %c0_i32_1 = arith.constant 0 : i32
    return %c0_i32, %c0_i32_0 : i32, i32
  }
  func.func @transform_3(%arg0: i32) -> (i32, i32) {
    %c0_i32 = arith.constant 0 : i32
    %c0_i32_0 = arith.constant 0 : i32
    %c0_i32_1 = arith.constant 0 : i32
    return %c0_i32, %c0_i32_0 : i32, i32
  }
  func.func @transform_4(%arg0: i32) -> (i32, i32) {
    %c0_i32 = arith.constant 0 : i32
    %c0_i32_0 = arith.constant 0 : i32
    %c0_i32_1 = arith.constant 0 : i32
    return %c0_i32, %c0_i32_0 : i32, i32
  }
  func.func @transform_5(%arg0: i32) -> (i32, i32) {
    %c0_i32 = arith.constant 0 : i32
    %c0_i32_0 = arith.constant 0 : i32
    return %arg0, %c0_i32 : i32, i32
  }
}

</mosaic_0001>

<sc_bundles>
// kernel: kernel.10.cloned.1.call-start
scs
__scs_entry_jumppad:
0x0: {  	(pc) =	sbr.rel $0x88, $3  }
0x1: {  	(tag) =	ssettag $0x0;
	lr =	simm.s32 $0x1  }
0x2: {  	[smem:$0x3F95] =	sst lr;
	_ =	strace $0xD0000000  }
0x3: {  	_ = 	snop  }
0x4: {  	_ = 	snop  }
0x5: {  	_ = 	snop  }
0x6: {  	_ = 	snop  }
0x7: {  	_ = 	snop  }
__scs_overlays_trampoline_lowered:
0x8: {  	[smem:$0x3FA4] =	sst s0  }
0x9: {  	[smem:$0x3FA5] =	sst s1  }
0xa: {  	[smem:$0x3FA6] =	sst s2  }
0xb: {  	[smem:$0x3FA7] =	sst s3  }
0xc: {  	[smem:$0x3FA8] =	sst s4  }
0xd: {  	[smem:$0x3FA9] =	sst s5  }
0xe: {  	[smem:$0x3FAA] =	sst s6  }
0xf: {  	[smem:$0x3FAB] =	sst s7  }
0x10: {  	[smem:$0x3FAC] =	sst s8  }
0x11: {  	[smem:$0x3FAD] =	sst s9;
	s0 =	simm.s32 @!p0 $0x0  }
0x12: {  	s1 =	sld [smem:$0x3F93];
	s0 =	simm.s32 @p0 $0x1  }
0x13: {  	[smem:$0x3FAE] =	sst s0;
	s0 =	simm.s32 @!p1 $0x0  }
0x14: {  	s2 =	sld [smem:$0x3F92];
	s0 =	simm.s32 @p1 $0x1  }
0x15: {  	[smem:$0x3FAF] =	sst s0;
	s0 =	simm.s32 @!p2 $0x0  }
0x16: {  	s3 =	sld [smem:$0x3FDB];
	s0 =	simm.s32 @p2 $0x1  }
0x17: {  	s4 =	simm.s32 $0x1BF5;
	[smem:$0x3FB1] =	sst s0  }
0x18: {  	s0 =	sld [smem:$0x3F94];
	_ =	swait.ge [sflag:s4], $0x0  }
0x19: {  	s7 =	sld [smem:$0x3F95]  }
0x1a: {  	s8 =	sadd.s32 $0xFFFFE003, lr  }
0x1b: {  	s9 =	sadd.s32 $0xFFFFFEF7, lr;
	s5 =	simm.s32 $0xFFFFFFFF;
	p2 =	slt.u32 s8, $0xFFFFF086  }
0x1c: {  	p1 =	slt.u32 s9, $0xF7A;
	s5 =	simm.s32 @!p2 $0x0  }
0x1d: {  	s5 =	simm.s32 @p1 $0x1;
	p0 =	seq.s32 s7, s2  }
0x1e: {  	s7 =	smul.u32 @!p0 $0xF7A, s2;
	p2 =	seq.s32 @!p0 s5, $0x0  }
0x1f: {  	s9 =	smul.u32 $0xF7A, s1;
	s8 =	simm.s32 @!p0 $0x1BF5;
	p2 =	por !p2, p0  }
0x20: {  	[sflag:s8] =	ssyncset.s32 @!p0 $0xFFFFF086;
	s6 =	sadd.s32 @!p0 s3, s7;
	s7 =	simm.s32 @!p0 $0x108  }
0x21: {  	s3 =	sadd.s32 s3, s9;
	s6 =	sadd.s32 @!p0 $0x88, s6;
	s7 =	simm.s32 @p2 $0x1082  }
0x22: {  	[simem:s7], [sflag:s8] =	dma.local @!p0 [hbm:s6], $0xF7A  }
0x23: {  	s9 =	sor.u32 $0xD0000000, s2;
	s6 =	simm.s32 $0x108;
	_ =	swait.ge @!p0 [sflag:s8], $0x0  }
0x24: {  	s3 =	sadd.s32 $0x88, s3;
	s6 =	simm.s32 @!p1 $0x1082;
	[sflag:s4] =	ssyncset.s32 $0xFFFFF086  }
0x25: {  	[simem:s6], [sflag:s4] =	dma.local [hbm:s3], $0xF7A  }
0x26: {  	[smem:$0x3F95] =	sst s1;
	(tag) =	ssettag s2;
	_ =	strace s9  }
0x27: {  	s1 =	sld [smem:$0x3FA5]  }
0x28: {  	s2 =	sld [smem:$0x3FA6]  }
0x29: {  	s4 =	sld [smem:$0x3FA8]  }
0x2a: {  	p0 =	seq.s32 s5, $0x0;
	s5 =	sld [smem:$0x3FA9]  }
0x2b: {  	s6 =	sld [smem:$0x3FAA]  }
0x2c: {  	s7 =	sld [smem:$0x3FAB]  }
0x2d: {  	s3 =	simm.s32 $0x108;
	s8 =	sld [smem:$0x3FAC]  }
0x2e: {  	s3 =	simm.s32 @!p0 $0x1082;
	s9 =	sld [smem:$0x3FAD]  }
0x2f: {  	lr =	sadd.s32 s0, s3;
	s0 =	sld [smem:$0x3FA4]  }
0x30: {  	s3 =	sld [smem:$0x3FA7]  }
0x31: {  	[smem:$0x3FB0] =	sst s10  }
0x32: {  	s10 =	sld [smem:$0x3FAE];
	_ =	sdelay $0x3  }
0x33: {  	p0 =	seq.s32 s10, $0x1;
	s10 =	sld [smem:$0x3FB0];
	_ =	sdelay $0x3  }
0x34: {  	[smem:$0x3FB0] =	sst s10  }
0x35: {  	s10 =	sld [smem:$0x3FAF];
	_ =	sdelay $0x3  }
0x36: {  	p1 =	seq.s32 s10, $0x1;
	s10 =	sld [smem:$0x3FB0];
	_ =	sdelay $0x3  }
0x37: {  	[smem:$0x3FB0] =	sst s10  }
0x38: {  	s10 =	sld [smem:$0x3FB1]  }
0x39: {  	_ = 	snop;
	(pc) =	sbr.ind lr, $3  }
0x3a: {  	_ = 	snop  }
0x3b: {  	_ = 	snop  }
0x3c: {  	p2 =	seq.s32 s10, $0x1;
	s10 =	sld [smem:$0x3FB0]  }
0x3d: {  	_ =	shalt  }
0x3e: {  	_ =	shalt  }
0x3f: {  	_ =	shalt  }
0x40: {  	_ =	shalt  }
0x41: {  	_ =	shalt  }
0x42: {  	_ =	shalt  }
0x43: {  	_ =	shalt  }
0x44: {  	_ =	shalt  }
0x45: {  	_ =	shalt  }
0x46: {  	_ =	shalt  }
0x47: {  	_ =	shalt  }
0x48: {  	_ =	shalt  }
0x49: {  	_ =	shalt  }
0x4a: {  	_ =	shalt  }
0x4b: {  	_ =	shalt  }
0x4c: {  	_ =	shalt  }
0x4d: {  	_ =	shalt  }
0x4e: {  	_ =	shalt  }
0x4f: {  	_ =	shalt  }
0x50: {  	_ =	shalt  }
0x51: {  	_ =	shalt  }
0x52: {  	_ =	shalt  }
0x53: {  	_ =	shalt  }
0x54: {  	_ =	shalt  }
0x55: {  	_ =	shalt  }
0x56: {  	_ =	shalt  }
0x57: {  	_ =	shalt  }
0x58: {  	_ =	shalt  }
0x59: {  	_ =	shalt  }
0x5a: {  	_ =	shalt  }
0x5b: {  	_ =	shalt  }
0x5c: {  	_ =	shalt  }
0x5d: {  	_ =	shalt  }
0x5e: {  	_ =	shalt  }
0x5f: {  	_ =	shalt  }
0x60: {  	_ =	shalt  }
0x61: {  	_ =	shalt  }
0x62: {  	_ =	shalt  }
0x63: {  	_ =	shalt  }
0x64: {  	_ =	shalt  }
0x65: {  	_ =	shalt  }
0x66: {  	_ =	shalt  }
0x67: {  	_ =	shalt  }
0x68: {  	_ =	shalt  }
0x69: {  	_ =	shalt  }
0x6a: {  	_ =	shalt  }
0x6b: {  	_ =	shalt  }
0x6c: {  	_ =	shalt  }
0x6d: {  	_ =	shalt  }
0x6e: {  	_ =	shalt  }
0x6f: {  	_ =	shalt  }
0x70: {  	_ =	shalt  }
0x71: {  	_ =	shalt  }
0x72: {  	_ =	shalt  }
0x73: {  	_ =	shalt  }
0x74: {  	_ =	shalt  }
0x75: {  	_ =	shalt  }
0x76: {  	_ =	shalt  }
0x77: {  	_ =	shalt  }
0x78: {  	_ =	shalt  }
0x79: {  	_ =	shalt  }
0x7a: {  	_ =	shalt  }
0x7b: {  	_ =	shalt  }
0x7c: {  	_ =	shalt  }
0x7d: {  	_ =	shalt  }
0x7e: {  	_ =	shalt  }
0x7f: {  	_ =	shalt  }
0x80: {  	_ =	shalt  }
0x81: {  	_ =	shalt  }
0x82: {  	_ =	shalt  }
0x83: {  	_ =	shalt  }
0x84: {  	_ =	shalt  }
0x85: {  	_ =	shalt  }
0x86: {  	_ =	shalt  }
0x87: {  	_ =	shalt  }
.Lfunc_end0:
.L_simem_size_0:
called_computation_lowered:
.L_overlay_start_0:
0x88: {  	s2 =	sld [smem:$0x3FD9]  }
0x89: {  	s3 =	sld [smem:$0x3FFE];
	_ =	sdelay $0x1  }
0x8a: {  	s1 =	srdreg.scid  }
0x8b: {  	s0 =	sand.u32 $0x1, s1  }
0x8c: {  	s17 =	sshll.u32 s0, $0xA;
	s2 =	sadd.s32 s3, s2  }
0x8d: {  	s2 =	sadd.s32 s2, s17  }
0x8e: {  	[smem:$0x3FBC] =	sst s2  }
0x8f: {  	_ = 	snop  }
0x90: {  	s2 =	sld [smem:$0x3FC9]  }
0x91: {  	s18 =	sld [smem:$0x3FC8];
	(tm) =	ssettm $0x1  }
0x92: {  	s4 =	sld [smem:$0x3FFB];
	_ =	sdelay $0x3  }
0x93: {  	_ =	strace s4  }
0x94: {  	s4 =	sld [smem:$0x3FFC];
	_ =	sdelay $0x3  }
0x95: {  	_ =	strace s4  }
0x96: {  	s4 =	sld [smem:$0x3FFD];
	_ =	sdelay $0x3  }
0x97: {  	_ =	strace s4  }
0x98: {  	_ =	strace $0x8FFFFFFF  }
0x99: {  	s19 =	sld [smem:$0x3FDB];
	_ =	sdelay $0x1  }
0x9a: {  	s5 =	simm.s32 $_scs_section_size  }
0x9b: {  	s6 =	simm.s32 $_size__tile_overlayer_lowered;
	s7 =	simm.s32 $_tile_overlayer_lowered  }
0x9c: {  	s22 =	simm.s32 $0x1BFF;
	s21 =	sshll.u32 s7, $0x1;
	s4 =	sadd.s32 s5, s19  }
0x9d: {  	s8 =	simm.s32 $0x0;
	s20 =	sshll.u32 s6, $0x1;
	s6 =	sadd.s32 s21, s4  }
0x9e: {  	[timem:s8], [sflag:s22] =	dma.local [hbm:s6], s20  }
0x9f: {  	_ =	swait.ge [sflag:s22], s20  }
0xa0: {  	s5 =	ssub.s32 $0x0, s20;
	[sflag:s22] =	ssyncset.done $0x0  }
0xa1: {  	[sflag:s22] =	ssyncadd.s32 s5;
	_ =	sdelay $0x1  }
0xa2: {  	s23 =	simm.s32 $0x1B8B  }
0xa3: {  	_ =	swait.ge [sflag:s23], $0x1  }
0xa4: {  	[sflag:s23] =	ssyncset.done $0x0  }
0xa5: {  	s25 =	simm.s32 $0x1B8E;
	s24 =	sld [smem:$0x3FFE];
	[sflag:s23] =	ssyncadd.s32 $0xFFFFFFFF  }
0xa6: {  	s26 =	simm.s32 $execute0_lowered;
	[smem:$0x3FD2] =	sst s25  }
0xa7: {  	s6 =	sshll.u32 s26, $0x1;
	_ =	strace $0x80000046;
	[dreg:$0x1] =	wrdreg $0xFFFFFFFF  }
0xa8: {  	s28 =	simm.s32 $_size_execute0_lowered;
	s4 =	sadd.s32 s4, s6;
	[dreg:$0x0] =	wrdreg $0x0  }
0xa9: {  	s6 =	sshll.u32 s28, $0x1;
	[dreg:$0x2] =	wrdreg s4  }
0xaa: {  	[dreg:$0x3] =	wrdreg s6  }
0xab: {  	[dreg:$0x4] =	wrdreg $0xC0  }
0xac: {  	_ =	task [dreg:s8], $0x5FFFF  }
0xad: {  	[dreg:$0x1] =	wrdreg $0xFFFFFFFF  }
0xae: {  	[dreg:$0x0] =	wrdreg $0x60  }
0xaf: {  	[dreg:$0x2] =	wrdreg s24  }
0xb0: {  	[dreg:$0x3] =	wrdreg s2  }
0xb1: {  	[dreg:$0x4] =	wrdreg s18  }
0xb2: {  	[dreg:$0x5] =	wrdreg $0x9  }
0xb3: {  	_ =	task.clear_ibuf [dreg:s8], $0x6FFFF;
	_ =	strace $0x90000046  }
0xb4: {  	s29 =	simm.s32 $0x9;
	_ =	strace $0x80000048  }
0xb5: {  	_ =	swait.ge [sflag:s29], $0x1  }
0xb6: {  	[sflag:s29] =	ssyncadd.s32 $0xFFFFFFFF  }
0xb7: {  	_ =	strace $0x90000048  }
0xb8: {  	_ =	sfence  }
0xb9: {  	s30 =	sld [smem:$0x0];
	_ =	sdelay $0x2  }
0xba: {  	s31 =	sshll.u32 s1, $0xD;
	s1 =	sshrl.u32 s1, $0x2  }
0xbb: {  	s3 =	sand.u32 $0x4000, s31;
	s1 =	sadd.s32 s1, s30  }
0xbc: {  	s0 =	sor.u32 s3, s0;
	s1 =	sshll.u32 s1, $0x11  }
0xbd: {  	s0 =	sor.u32 s1, s0  }
0xbe: {  	s0 =	sadd.s32 $0x8F2B, s0  }
0xbf: {  	[sflag:s0] =	ssyncadd.remote.s32 $0x1  }
0xc0: {  	_ =	sfence.sel $0xFFFF  }
0xc1: {  	[dreg:$0x0] =	wrdreg $0xFFFFFFFF;
	(pc) =	sbr.abs _section_cstart, $3  }
0xc2: {  	[dreg:$0x1] =	wrdreg $0xFFFFFFFF  }
0xc3: {  	_ =	task.clear_ibuf [dreg:s8], $0x2FFFF;
	_ =	strace $0x9FFFFFFF  }
0xc4: {  	(tm) =	ssettm $0x7FFFFFFF  }
0xc5: {  	_ =	shalt  }
tec
execute0_lowered:
.L_overlay_start_1:
0x0: {  	(tag) =	ssettag $0x1  }
0x1: {  	s5 =	rddreg [dreg:$0x0]  }
0x2: {  	s2 =	rddreg [dreg:$0x1]  }
0x3: {  	s3 =	rddreg [dreg:$0x2]  }
0x4: {  	s0 =	rddreg [dreg:$0x3]  }
0x5: {  	s6 =	srdreg.scid;
	s1 =	stileid.u32;
	s4 =	simm.s32 $0x0  }
0x6: {  	s12 =	simm.s32 $0xA0;
	s13 =	simm.s32 $0x28A0;
	s7 =	smul.u32 $0x4E20, s1  }
0x7: {  	s14 =	simm.s32 $0x1;
	s6 =	sand.u32 $0x1, s6;
	s9 =	smul.u32 $0x4E200, s1  }
0x8: {  	s15 =	simm.s32 $0x2;
	s16 =	simm.s32 $0x0;
	s8 =	smul.u32 $0x2710, s6  }
0x9: {  	[smem:$0x7FF] =	sst s4;
	s29 =	ssub.s32 $0x2, s6;
	s6 =	smul.u32 $0x27100, s6  }
0xa: {  	_ =	strace $0x80000047;
	s9 =	sadd.s32 s9, s5;
	s10 =	sshrl.u32 s29, $0x1  }
0xb: {  	s7 =	sadd.s32 s8, s7;
	s30 =	ssub.s32 s29, s10;
	s31 =	sadd.s32 s6, s9  }
0xc: {  	s10 =	simm.s32 $0x3;
	s7 =	sshrl.u32 s7, $0x3;
	s6 =	sadd.s32 $0x4F8C00, s31  }
0xd: {  	s11 =	sadd.s32 s7, s5;
	s5 =	smax.u32 s30, $0x1;
	s7 =	sadd.s32 $0x16C00, s31  }
0xe: {  	s8 =	sadd.s32 $0x3000, s11;
	s9 =	sadd.s32 $0xCE00, s11;
	s11 =	simm.s32 $0x50  }
.LBB2_1:
0xf: {  	s17 =	sadd.s32 $0x0, s9  }
0x10: {  	[tilespmem:s4], [sflag:$0x3] =	stream.linear.gather [hbm4b:s17+s4], $0x50, $0x38;
	[tilespmem:$0x50A0] =	vst v63  }
0x11: {  	_ =	swait.ge [sflag:s10], $0x50  }
0x12: {  	[sflag:s10] =	ssyncset.done $0x0  }
0x13: {  	s31 =	sadd.s32 $0x0, s8;
	[sflag:s10] =	ssyncadd.s32 $0xFFFFFFB0  }
0x14: {  	[tilespmem:s11], [sflag:$0x3] =	stream.linear.gather [hbm4b:s31+s4], $0x50, $0x38;
	[tilespmem:$0x50A0] =	vst v63  }
0x15: {  	_ =	swait.ge [sflag:s10], $0x50  }
0x16: {  	[sflag:s10] =	ssyncset.done $0x0  }
0x17: {  	[sflag:s10] =	ssyncadd.s32 $0xFFFFFFB0  }
0x18: {  	[tilespmem:s12], [sflag:$0x1] =	stream.indirect.gather [hbm4b:s2+s11], $0x80, s4, s11, $0xb8;
	[tilespmem:$0x50A0] =	vst v63  }
0x19: {  	_ = 	snop  }
0x1a: {  	[tilespmem:s13], [sflag:$0x2] =	stream.indirect.gather [hbm4b:s3+s11], $0x80, s11, s11, $0xb8;
	[tilespmem:$0x50A0] =	vst v63  }
0x1b: {  	_ =	swait.ge [sflag:s14], $0x2800  }
0x1c: {  	[sflag:s14] =	ssyncset.done $0x0  }
0x1d: {  	[sflag:s14] =	ssyncadd.s32 $0xFFFFD800  }
0x1e: {  	_ =	swait.ge [sflag:s15], $0x2800  }
0x1f: {  	[sflag:s15] =	ssyncset.done $0x0  }
0x20: {  	[sflag:s15] =	ssyncadd.s32 $0xFFFFD800  }
0x21: {  	[hbm4b:s7+s4] =	stream.linear.scatter [tilespmem:s12], [sflag:$0x3], $0x2800, $0x38;
	[tilespmem:$0x50A0] =	vst v63  }
0x22: {  	_ =	swait.ge [sflag:s10], $0x2800  }
0x23: {  	[sflag:s10] =	ssyncset.done $0x0  }
0x24: {  	[sflag:s10] =	ssyncadd.s32 $0xFFFFD800  }
0x25: {  	[hbm4b:s6+s4] =	stream.linear.scatter [tilespmem:s13], [sflag:$0x3], $0x2800, $0x38;
	[tilespmem:$0x50A0] =	vst v63  }
0x26: {  	s19 =	simm.s32 $0xA;
	s20 =	simm.s32 $0x14;
	_ =	swait.ge [sflag:s10], $0x2800  }
0x27: {  	s18 =	sadd.s32 $0x500, s7;
	s17 =	sadd.s32 $0x500, s6;
	[sflag:s10] =	ssyncset.done $0x0  }
.LBB2_2:
0x28: {  	s21 =	sadd.s32 s19, s9  }
0x29: {  	[sflag:s10] =	ssyncadd.s32 $0xFFFFD800;
	s22 =	smov.u32 s20;
	s23 =	sadd.s32 $0xA, s20  }
0x2a: {  	[tilespmem:s4], [sflag:$0x3] =	stream.linear.gather [hbm4b:s21+s4], $0x50, $0x38;
	[tilespmem:$0x50A0] =	vst v63  }
0x2b: {  	p0 =	sne.s32 s20, $0x4D8;
	_ =	swait.ge [sflag:s10], $0x50  }
0x2c: {  	[sflag:s10] =	ssyncset.done $0x0  }
0x2d: {  	s20 =	sadd.s32 s19, s8;
	s19 =	smov.u32 s22;
	[sflag:s10] =	ssyncadd.s32 $0xFFFFFFB0  }
0x2e: {  	[tilespmem:s11], [sflag:$0x3] =	stream.linear.gather [hbm4b:s20+s4], $0x50, $0x38;
	[tilespmem:$0x50A0] =	vst v63  }
0x2f: {  	_ =	swait.ge [sflag:s10], $0x50  }
0x30: {  	[sflag:s10] =	ssyncset.done $0x0  }
0x31: {  	[sflag:s10] =	ssyncadd.s32 $0xFFFFFFB0  }
0x32: {  	[tilespmem:s12], [sflag:$0x1] =	stream.indirect.gather [hbm4b:s2+s11], $0x80, s4, s11, $0xb8;
	[tilespmem:$0x50A0] =	vst v63  }
0x33: {  	_ = 	snop  }
0x34: {  	[tilespmem:s13], [sflag:$0x2] =	stream.indirect.gather [hbm4b:s3+s11], $0x80, s11, s11, $0xb8;
	[tilespmem:$0x50A0] =	vst v63  }
0x35: {  	_ =	swait.ge [sflag:s14], $0x2800  }
0x36: {  	[sflag:s14] =	ssyncset.done $0x0  }
0x37: {  	[sflag:s14] =	ssyncadd.s32 $0xFFFFD800  }
0x38: {  	_ =	swait.ge [sflag:s15], $0x2800  }
0x39: {  	[sflag:s15] =	ssyncset.done $0x0  }
0x3a: {  	[sflag:s15] =	ssyncadd.s32 $0xFFFFD800  }
0x3b: {  	[hbm4b:s18+s4] =	stream.linear.scatter [tilespmem:s12], [sflag:$0x3], $0x2800, $0x38;
	[tilespmem:$0x50A0] =	vst v63  }
0x3c: {  	_ =	swait.ge [sflag:s10], $0x2800  }
.Ltmp0:
0x3d: {  	[sflag:s10] =	ssyncset.done $0x0;
	(pc) =	sbr.rel @p0 .LBB2_2-.Ltmp0, $4  }
0x3e: {  	[sflag:s10] =	ssyncadd.s32 $0xFFFFD800  }
0x3f: {  	[hbm4b:s17+s4] =	stream.linear.scatter [tilespmem:s13], [sflag:$0x3], $0x2800, $0x38;
	[tilespmem:$0x50A0] =	vst v63  }
0x40: {  	s20 =	smov.u32 s23;
	_ =	swait.ge [sflag:s10], $0x2800  }
0x41: {  	s18 =	sadd.s32 $0x500, s18;
	s17 =	sadd.s32 $0x500, s17;
	[sflag:s10] =	ssyncset.done $0x0  }
0x42: {  	s20 =	sadd.s32 s19, s9;
	[sflag:s10] =	ssyncadd.s32 $0xFFFFD800  }
0x43: {  	[tilespmem:s4], [sflag:$0x3] =	stream.linear.gather [hbm4b:s20+s4], $0x50, $0x38;
	[tilespmem:$0x50A0] =	vst v63  }
0x44: {  	_ =	swait.ge [sflag:s10], $0x50  }
0x45: {  	[sflag:s10] =	ssyncset.done $0x0  }
0x46: {  	s31 =	sadd.s32 s19, s8;
	[sflag:s10] =	ssyncadd.s32 $0xFFFFFFB0  }
0x47: {  	[tilespmem:s11], [sflag:$0x3] =	stream.linear.gather [hbm4b:s31+s4], $0x50, $0x38;
	[tilespmem:$0x50A0] =	vst v63  }
0x48: {  	_ =	swait.ge [sflag:s10], $0x50  }
0x49: {  	[sflag:s10] =	ssyncset.done $0x0  }
0x4a: {  	[sflag:s10] =	ssyncadd.s32 $0xFFFFFFB0  }
0x4b: {  	[tilespmem:s12], [sflag:$0x1] =	stream.indirect.gather [hbm4b:s2+s11], $0x80, s4, s11, $0xb8;
	[tilespmem:$0x50A0] =	vst v63  }
0x4c: {  	_ = 	snop  }
0x4d: {  	[tilespmem:s13], [sflag:$0x2] =	stream.indirect.gather [hbm4b:s3+s11], $0x80, s11, s11, $0xb8;
	[tilespmem:$0x50A0] =	vst v63  }
0x4e: {  	_ =	swait.ge [sflag:s14], $0x2800  }
0x4f: {  	[sflag:s14] =	ssyncset.done $0x0  }
0x50: {  	[sflag:s14] =	ssyncadd.s32 $0xFFFFD800  }
0x51: {  	_ =	swait.ge [sflag:s15], $0x2800  }
0x52: {  	[sflag:s15] =	ssyncset.done $0x0  }
0x53: {  	[sflag:s15] =	ssyncadd.s32 $0xFFFFD800  }
0x54: {  	[hbm4b:s18+s4] =	stream.linear.scatter [tilespmem:s12], [sflag:$0x3], $0x2800, $0x38;
	[tilespmem:$0x50A0] =	vst v63  }
0x55: {  	s16 =	sadd.s32 $0x1, s16;
	_ =	swait.ge [sflag:s10], $0x2800  }
0x56: {  	p0 =	sne.s32 s16, s5;
	[sflag:s10] =	ssyncset.done $0x0  }
.Ltmp1:
0x57: {  	[sflag:s10] =	ssyncadd.s32 $0xFFFFD800;
	(pc) =	sbr.rel @p0 .LBB2_1-.Ltmp1, $4  }
0x58: {  	[hbm4b:s17+s4] =	stream.linear.scatter [tilespmem:s13], [sflag:$0x3], $0x2800, $0x38;
	[tilespmem:$0x50A0] =	vst v63  }
0x59: {  	_ =	swait.ge [sflag:s10], $0x2800  }
0x5a: {  	[sflag:s10] =	ssyncset.done $0x0  }
0x5b: {  	[sflag:s10] =	ssyncadd.s32 $0xFFFFD800  }
0x5c: {  	_ =	sfence.sel $0x180000  }
0x5d: {  	[bflag:$0x0] =	sbarrier.arrive $0xFFFF  }
0x5e: {  	p0 =	sne.s32 s1, $0x0;
	_ =	strace $0x90000047  }
0x5f: {  	s0 =	sadd.s32 @!p0 $0x100000, s0;
	[bflag:$0x2] =	sbarrier.arrive $0xFFFF  }
0x60: {  	[sflag:s0] =	ssyncadd.tile.s32 @!p0 $0x1;
	_ =	shalt  }
.Lfunc_end2:
_tile_overlayer_lowered:
.L_overlay_start_2:
0x61: {  	(tag) =	ssettag $0x2  }
0x62: {  	s0 =	rddreg [dreg:$0x0];
	s2 =	stileid.u32  }
0x63: {  	s1 =	rddreg [dreg:$0x1];
	p0 =	sne.s32 s2, $0x0  }
0x64: {  	s3 =	rddreg [dreg:$0x2];
	[bflag:$0x3] =	sbarrier.arrive $0xFFFF;
	s2 =	simm.s32 @!p0 $0x1C03  }
0x65: {  	[timem:s3], [sflag:s2] =	dma.local @!p0 [hbm:s0], s1  }
0x66: {  	s0 =	simm.s32 @!p0 $0x3  }
0x67: {  	_ =	swait.ge @!p0 [sflag:s0], s1  }
0x68: {  	s1 =	ssub.s32 @!p0 $0x0, s1;
	[sflag:s0] =	ssyncset.done @!p0 $0x0  }
0x69: {  	[sflag:s0] =	ssyncadd.s32 @!p0 s1  }
0x6a: {  	[bflag:$0x3] =	sbarrier.arrive $0xFFFF  }
0x6b: {  	_ =	shalt  }

// kernel: kernel.13.cloned.1.call-start
scs
__scs_entry_jumppad:
0x0: {  	(pc) =	sbr.rel $0x88, $3  }
0x1: {  	(tag) =	ssettag $0x0;
	lr =	simm.s32 $0x1  }
0x2: {  	[smem:$0x3F95] =	sst lr;
	_ =	strace $0xD0000000  }
0x3: {  	_ = 	snop  }
0x4: {  	_ = 	snop  }
0x5: {  	_ = 	snop  }
0x6: {  	_ = 	snop  }
0x7: {  	_ = 	snop  }
__scs_overlays_trampoline_lowered:
0x8: {  	[smem:$0x3FA4] =	sst s0  }
0x9: {  	[smem:$0x3FA5] =	sst s1  }
0xa: {  	[smem:$0x3FA6] =	sst s2  }
0xb: {  	[smem:$0x3FA7] =	sst s3  }
0xc: {  	[smem:$0x3FA8] =	sst s4  }
0xd: {  	[smem:$0x3FA9] =	sst s5  }
0xe: {  	[smem:$0x3FAA] =	sst s6  }
0xf: {  	[smem:$0x3FAB] =	sst s7  }
0x10: {  	[smem:$0x3FAC] =	sst s8  }
0x11: {  	[smem:$0x3FAD] =	sst s9;
	s0 =	simm.s32 @!p0 $0x0  }
0x12: {  	s1 =	sld [smem:$0x3F93];
	s0 =	simm.s32 @p0 $0x1  }
0x13: {  	[smem:$0x3FAE] =	sst s0;
	s0 =	simm.s32 @!p1 $0x0  }
0x14: {  	s2 =	sld [smem:$0x3F92];
	s0 =	simm.s32 @p1 $0x1  }
0x15: {  	[smem:$0x3FAF] =	sst s0;
	s0 =	simm.s32 @!p2 $0x0  }
0x16: {  	s3 =	sld [smem:$0x3FDB];
	s0 =	simm.s32 @p2 $0x1  }
0x17: {  	s4 =	simm.s32 $0x1BF5;
	[smem:$0x3FB1] =	sst s0  }
0x18: {  	s0 =	sld [smem:$0x3F94];
	_ =	swait.ge [sflag:s4], $0x0  }
0x19: {  	s7 =	sld [smem:$0x3F95]  }
0x1a: {  	s8 =	sadd.s32 $0xFFFFE003, lr  }
0x1b: {  	s9 =	sadd.s32 $0xFFFFFEF7, lr;
	s5 =	simm.s32 $0xFFFFFFFF;
	p2 =	slt.u32 s8, $0xFFFFF086  }
0x1c: {  	p1 =	slt.u32 s9, $0xF7A;
	s5 =	simm.s32 @!p2 $0x0  }
0x1d: {  	s5 =	simm.s32 @p1 $0x1;
	p0 =	seq.s32 s7, s2  }
0x1e: {  	s7 =	smul.u32 @!p0 $0xF7A, s2;
	p2 =	seq.s32 @!p0 s5, $0x0  }
0x1f: {  	s9 =	smul.u32 $0xF7A, s1;
	s8 =	simm.s32 @!p0 $0x1BF5;
	p2 =	por !p2, p0  }
0x20: {  	[sflag:s8] =	ssyncset.s32 @!p0 $0xFFFFF086;
	s6 =	sadd.s32 @!p0 s3, s7;
	s7 =	simm.s32 @!p0 $0x108  }
0x21: {  	s3 =	sadd.s32 s3, s9;
	s6 =	sadd.s32 @!p0 $0x88, s6;
	s7 =	simm.s32 @p2 $0x1082  }
0x22: {  	[simem:s7], [sflag:s8] =	dma.local @!p0 [hbm:s6], $0xF7A  }
0x23: {  	s9 =	sor.u32 $0xD0000000, s2;
	s6 =	simm.s32 $0x108;
	_ =	swait.ge @!p0 [sflag:s8], $0x0  }
0x24: {  	s3 =	sadd.s32 $0x88, s3;
	s6 =	simm.s32 @!p1 $0x1082;
	[sflag:s4] =	ssyncset.s32 $0xFFFFF086  }
0x25: {  	[simem:s6], [sflag:s4] =	dma.local [hbm:s3], $0xF7A  }
0x26: {  	[smem:$0x3F95] =	sst s1;
	(tag) =	ssettag s2;
	_ =	strace s9  }
0x27: {  	s1 =	sld [smem:$0x3FA5]  }
0x28: {  	s2 =	sld [smem:$0x3FA6]  }
0x29: {  	s4 =	sld [smem:$0x3FA8]  }
0x2a: {  	p0 =	seq.s32 s5, $0x0;
	s5 =	sld [smem:$0x3FA9]  }
0x2b: {  	s6 =	sld [smem:$0x3FAA]  }
0x2c: {  	s7 =	sld [smem:$0x3FAB]  }
0x2d: {  	s3 =	simm.s32 $0x108;
	s8 =	sld [smem:$0x3FAC]  }
0x2e: {  	s3 =	simm.s32 @!p0 $0x1082;
	s9 =	sld [smem:$0x3FAD]  }
0x2f: {  	lr =	sadd.s32 s0, s3;
	s0 =	sld [smem:$0x3FA4]  }
0x30: {  	s3 =	sld [smem:$0x3FA7]  }
0x31: {  	[smem:$0x3FB0] =	sst s10  }
0x32: {  	s10 =	sld [smem:$0x3FAE];
	_ =	sdelay $0x3  }
0x33: {  	p0 =	seq.s32 s10, $0x1;
	s10 =	sld [smem:$0x3FB0];
	_ =	sdelay $0x3  }
0x34: {  	[smem:$0x3FB0] =	sst s10  }
0x35: {  	s10 =	sld [smem:$0x3FAF];
	_ =	sdelay $0x3  }
0x36: {  	p1 =	seq.s32 s10, $0x1;
	s10 =	sld [smem:$0x3FB0];
	_ =	sdelay $0x3  }
0x37: {  	[smem:$0x3FB0] =	sst s10  }
0x38: {  	s10 =	sld [smem:$0x3FB1]  }
0x39: {  	_ = 	snop;
	(pc) =	sbr.ind lr, $3  }
0x3a: {  	_ = 	snop  }
0x3b: {  	_ = 	snop  }
0x3c: {  	p2 =	seq.s32 s10, $0x1;
	s10 =	sld [smem:$0x3FB0]  }
0x3d: {  	_ =	shalt  }
0x3e: {  	_ =	shalt  }
0x3f: {  	_ =	shalt  }
0x40: {  	_ =	shalt  }
0x41: {  	_ =	shalt  }
0x42: {  	_ =	shalt  }
0x43: {  	_ =	shalt  }
0x44: {  	_ =	shalt  }
0x45: {  	_ =	shalt  }
0x46: {  	_ =	shalt  }
0x47: {  	_ =	shalt  }
0x48: {  	_ =	shalt  }
0x49: {  	_ =	shalt  }
0x4a: {  	_ =	shalt  }
0x4b: {  	_ =	shalt  }
0x4c: {  	_ =	shalt  }
0x4d: {  	_ =	shalt  }
0x4e: {  	_ =	shalt  }
0x4f: {  	_ =	shalt  }
0x50: {  	_ =	shalt  }
0x51: {  	_ =	shalt  }
0x52: {  	_ =	shalt  }
0x53: {  	_ =	shalt  }
0x54: {  	_ =	shalt  }
0x55: {  	_ =	shalt  }
0x56: {  	_ =	shalt  }
0x57: {  	_ =	shalt  }
0x58: {  	_ =	shalt  }
0x59: {  	_ =	shalt  }
0x5a: {  	_ =	shalt  }
0x5b: {  	_ =	shalt  }
0x5c: {  	_ =	shalt  }
0x5d: {  	_ =	shalt  }
0x5e: {  	_ =	shalt  }
0x5f: {  	_ =	shalt  }
0x60: {  	_ =	shalt  }
0x61: {  	_ =	shalt  }
0x62: {  	_ =	shalt  }
0x63: {  	_ =	shalt  }
0x64: {  	_ =	shalt  }
0x65: {  	_ =	shalt  }
0x66: {  	_ =	shalt  }
0x67: {  	_ =	shalt  }
0x68: {  	_ =	shalt  }
0x69: {  	_ =	shalt  }
0x6a: {  	_ =	shalt  }
0x6b: {  	_ =	shalt  }
0x6c: {  	_ =	shalt  }
0x6d: {  	_ =	shalt  }
0x6e: {  	_ =	shalt  }
0x6f: {  	_ =	shalt  }
0x70: {  	_ =	shalt  }
0x71: {  	_ =	shalt  }
0x72: {  	_ =	shalt  }
0x73: {  	_ =	shalt  }
0x74: {  	_ =	shalt  }
0x75: {  	_ =	shalt  }
0x76: {  	_ =	shalt  }
0x77: {  	_ =	shalt  }
0x78: {  	_ =	shalt  }
0x79: {  	_ =	shalt  }
0x7a: {  	_ =	shalt  }
0x7b: {  	_ =	shalt  }
0x7c: {  	_ =	shalt  }
0x7d: {  	_ =	shalt  }
0x7e: {  	_ =	shalt  }
0x7f: {  	_ =	shalt  }
0x80: {  	_ =	shalt  }
0x81: {  	_ =	shalt  }
0x82: {  	_ =	shalt  }
0x83: {  	_ =	shalt  }
0x84: {  	_ =	shalt  }
0x85: {  	_ =	shalt  }
0x86: {  	_ =	shalt  }
0x87: {  	_ =	shalt  }
.Lfunc_end0:
.L_simem_size_0:
called_computation.1_lowered:
.L_overlay_start_0:
0x88: {  	s2 =	sld [smem:$0x3FD9]  }
0x89: {  	s3 =	sld [smem:$0x3FFE];
	_ =	sdelay $0x1  }
0x8a: {  	s1 =	srdreg.scid  }
0x8b: {  	s0 =	sand.u32 $0x1, s1  }
0x8c: {  	s17 =	sshll.u32 s0, $0xA;
	s2 =	sadd.s32 s3, s2  }
0x8d: {  	s2 =	sadd.s32 s2, s17  }
0x8e: {  	[smem:$0x3FBC] =	sst s2  }
0x8f: {  	_ = 	snop  }
0x90: {  	s2 =	sld [smem:$0x3FD0];
	(tm) =	ssettm $0x1  }
0x91: {  	s18 =	sld [smem:$0x3FFB];
	_ =	sdelay $0x3  }
0x92: {  	_ =	strace s18  }
0x93: {  	s3 =	sld [smem:$0x3FFC];
	_ =	sdelay $0x3  }
0x94: {  	_ =	strace s3  }
0x95: {  	s3 =	sld [smem:$0x3FFD];
	_ =	sdelay $0x3  }
0x96: {  	_ =	strace s3  }
0x97: {  	_ =	strace $0x8FFFFFFF  }
0x98: {  	s19 =	sld [smem:$0x3FDB];
	_ =	sdelay $0x1  }
0x99: {  	s4 =	simm.s32 $_scs_section_size  }
0x9a: {  	s5 =	simm.s32 $_size__tile_overlayer_lowered;
	s6 =	simm.s32 $_tile_overlayer_lowered  }
0x9b: {  	s22 =	simm.s32 $0x1BFF;
	s21 =	sshll.u32 s6, $0x1;
	s3 =	sadd.s32 s4, s19  }
0x9c: {  	s7 =	simm.s32 $0x0;
	s20 =	sshll.u32 s5, $0x1;
	s5 =	sadd.s32 s21, s3  }
0x9d: {  	[timem:s7], [sflag:s22] =	dma.local [hbm:s5], s20  }
0x9e: {  	_ =	swait.ge [sflag:s22], s20  }
0x9f: {  	s4 =	ssub.s32 $0x0, s20;
	[sflag:s22] =	ssyncset.done $0x0  }
0xa0: {  	[sflag:s22] =	ssyncadd.s32 s4;
	_ =	sdelay $0x1  }
0xa1: {  	s23 =	simm.s32 $0x1B8B  }
0xa2: {  	_ =	swait.ge [sflag:s23], $0x1  }
0xa3: {  	[sflag:s23] =	ssyncset.done $0x0  }
0xa4: {  	s25 =	simm.s32 $0x1B8E;
	s24 =	sld [smem:$0x3FFE];
	[sflag:s23] =	ssyncadd.s32 $0xFFFFFFFF  }
0xa5: {  	s26 =	simm.s32 $execute0_lowered;
	[smem:$0x3FD2] =	sst s25  }
0xa6: {  	s5 =	sshll.u32 s26, $0x1;
	_ =	strace $0x80000049;
	[dreg:$0x1] =	wrdreg $0xFFFFFFFF  }
0xa7: {  	s28 =	simm.s32 $_size_execute0_lowered;
	s3 =	sadd.s32 s3, s5;
	[dreg:$0x0] =	wrdreg $0x0  }
0xa8: {  	s5 =	sshll.u32 s28, $0x1;
	[dreg:$0x2] =	wrdreg s3  }
0xa9: {  	[dreg:$0x3] =	wrdreg s5  }
0xaa: {  	[dreg:$0x4] =	wrdreg $0xC0  }
0xab: {  	_ =	task [dreg:s7], $0x5FFFF  }
0xac: {  	[dreg:$0x1] =	wrdreg $0xFFFFFFFF  }
0xad: {  	[dreg:$0x0] =	wrdreg $0x60  }
0xae: {  	[dreg:$0x2] =	wrdreg s24  }
0xaf: {  	[dreg:$0x3] =	wrdreg s2  }
0xb0: {  	[dreg:$0x4] =	wrdreg $0x9  }
0xb1: {  	_ =	task.clear_ibuf [dreg:s7], $0x5FFFF;
	_ =	strace $0x90000049  }
0xb2: {  	s29 =	simm.s32 $0x9;
	_ =	strace $0x8000004B  }
0xb3: {  	_ =	swait.ge [sflag:s29], $0x1  }
0xb4: {  	[sflag:s29] =	ssyncadd.s32 $0xFFFFFFFF  }
0xb5: {  	_ =	strace $0x9000004B  }
0xb6: {  	_ =	sfence  }
0xb7: {  	s30 =	sld [smem:$0x0];
	_ =	sdelay $0x2  }
0xb8: {  	s31 =	sshll.u32 s1, $0xD;
	s1 =	sshrl.u32 s1, $0x2  }
0xb9: {  	s3 =	sand.u32 $0x4000, s31;
	s1 =	sadd.s32 s1, s30  }
0xba: {  	s0 =	sor.u32 s3, s0;
	s1 =	sshll.u32 s1, $0x11  }
0xbb: {  	s0 =	sor.u32 s1, s0  }
0xbc: {  	s0 =	sadd.s32 $0x8F2B, s0  }
0xbd: {  	[sflag:s0] =	ssyncadd.remote.s32 $0x1  }
0xbe: {  	_ =	sfence.sel $0xFFFF  }
0xbf: {  	[dreg:$0x0] =	wrdreg $0xFFFFFFFF;
	(pc) =	sbr.abs _section_cstart, $3  }
0xc0: {  	[dreg:$0x1] =	wrdreg $0xFFFFFFFF  }
0xc1: {  	_ =	task.clear_ibuf [dreg:s7], $0x2FFFF;
	_ =	strace $0x9FFFFFFF  }
0xc2: {  	(tm) =	ssettm $0x7FFFFFFF  }
0xc3: {  	_ =	shalt  }
tec
execute0_lowered:
.L_overlay_start_1:
0x0: {  	(tag) =	ssettag $0x1  }
0x1: {  	s5 =	rddreg [dreg:$0x0]  }
0x2: {  	s1 =	srdreg.scid;
	s0 =	stileid.u32  }
0x3: {  	s2 =	rddreg [dreg:$0x1];
	s3 =	simm.s32 $0x0;
	s10 =	simm.s32 $0x190  }
0x4: {  	s11 =	simm.s32 $0x0;
	s4 =	sand.u32 $0x1, s1;
	s6 =	sshll.u32 s0, $0x1  }
0x5: {  	s1 =	rddreg [dreg:$0x2];
	s6 =	sor.u32 s4, s6;
	s8 =	ssub.s32 $0x2, s4  }
0x6: {  	v0 =	vimm.s32 $0x3020100;
	[smem:$0x7FF] =	sst s3;
	s7 =	smul.u32 $0x1400, s6;
	s9 =	sshrl.u32 s8, $0x1  }
0x7: {  	v1 =	vunpack.c.0.s8.s32 v0;
	_ =	strace $0x8000004A;
	s4 =	sadd.s32 $0x3000, s5;
	s8 =	ssub.s32 s8, s9  }
0x8: {  	vm0 =	vcmask $0xF00;
	s9 =	simm.s32 $0x50;
	s7 =	sadd.s32 s7, s5;
	s5 =	smul.u32 $0x2710, s6  }
0x9: {  	v2 =	vimm.s32 $0x0;
	v0 =	vimm.f32 $-3.000000010e+38;
	v1 =	vnsel vm0, $0x3, v1;
	s6 =	sadd.s32 $0x16C00, s7;
	s7 =	smax.u32 s8, $0x1;
	s8 =	simm.s32 $0x1  }
.LBB2_1:
0xa: {  	s12 =	simm.s32 $0x40;
	s13 =	simm.s32 $0x0  }
.LBB2_2:
0xb: {  	p0 =	sne.s32 s12, $0x27FC0;
	[tilespmem:s13+$0x190] =	vst v0;
	s13 =	smov.u32 s12;
	s12 =	sadd.s32 $0x40, s12  }
.Ltmp0:
0xc: {  	(pc) =	sbr.rel @p0 .LBB2_2-.Ltmp0, $2  }
0xd: {  	_ =	sdelay $0x2  }
0xe: {  	s13 =	sshra.s32 s13, $0x2  }
0xf: {  	[tilespmem:s13+$0x190] =	vst v0;
	s12 =	simm.s32 $0x0;
	s13 =	simm.s32 $0x0  }
.LBB2_4:
0x10: {  	s14 =	smul.u32 $0x50, s13;
	_ =	sdelay $0x1  }
0x11: {  	s14 =	sadd.s32 s5, s14  }
0x12: {  	s15 =	sshrl.u32 s14, $0x3  }
0x13: {  	s15 =	sadd.s32 s4, s15  }
0x14: {  	[tilespmem:s12], [sflag:$0x1] =	stream.linear.gather [hbm4b:s15+s12], $0x50, $0x38;
	[tilespmem:$0xA190] =	vst v63  }
0x15: {  	_ =	swait.ge [sflag:s8], $0x50  }
0x16: {  	s14 =	sshrl.u32 s14, $0x1;
	[sflag:s8] =	ssyncset.done $0x0  }
0x17: {  	v3 =	vmov s12;
	s14 =	sadd.s32 s2, s14;
	[sflag:s8] =	ssyncadd.s32 $0xFFFFFFB0  }
0x18: {  	[tilespmem:s9], [sflag:$0x1] =	stream.linear.gather [hbm4b:s14+s12], $0x140, $0x38;
	[tilespmem:$0xA190] =	vst v63  }
0x19: {  	_ =	swait.ge [sflag:s8], $0x140  }
0x1a: {  	[sflag:s8] =	ssyncset.done $0x0  }
0x1b: {  	[sflag:s8] =	ssyncadd.s32 $0xFFFFFEC0  }
0x1c: {  	v3 =	vld.idx.msk [tilespmem:v3+s3+$0x0], $0xffff;
	_ =	sdelay $0x4  }
0x1d: {  	v4 =	vshra.s32 v3, $0x1F  }
0x1e: {  	v4 =	vshrl.u32 v4, $0x1E  }
0x1f: {  	v4 =	vadd.s32 v4, v3  }
0x20: {  	v4 =	vshra.s32 v4, $0x2  }
0x21: {  	v5 =	vshll.u32 v4, $0x2  }
0x22: {  	vm0 =	vlt.s32 v3, $0x1;
	vm1 =	vne.s32 v3, v5  }
0x23: {  	vm0 =	vmand vm0, vm1  }
0x24: {  	v3 =	vsub.s32 v3, v5;
	v5 =	vsel vm0, $0xFFFFFFFF, v2  }
0x25: {  	v3 =	vshll.u32 v3, $0x2;
	v4 =	vadd.s32 v5, v4  }
0x26: {  	v5 =	vor.u32 v1, v3;
	v3 =	vand.u32 $0x8, v3;
	v4 =	vshll.u32 v4, $0x4  }
0x27: {  	v6 =	vor.u32 s12, v1;
	v5 =	vand.u32 $0x7, v5;
	v3 =	vor.u32 v3, v4  }
0x28: {  	v3 =	vor.u32 v5, v3;
	_ =	sdelay $0x3  }
0x29: {  	v4 =	vld.idx.msk [tilespmem:v6+s9+$0x0], $0xffff  }
0x2a: {  	v6 =	vld.idx.msk [tilespmem:v3+s10+$0x0], $0xffff  }
0x2b: {  	s31 =	simm.s32 $0x1  }
0x2c: {  	s15 =	simm.s32 $0x2;
	s14 =	simm.s32 $0x0;
	v5 =	vmov s31  }
.LBB2_5:
0x2d: {  	p0 =	sne.s32 s15, $0x4F;
	_ =	sdelay $0x1  }
0x2e: {  	v4 =	vmax.f32 v6, v4  }
0x2f: {  	[tilespmem:v3+s10+$0x0] =	vst.idx.msk $0xf, v4  }
0x30: {  	v3 =	vld.idx.msk [tilespmem:v5+s3+$0x0], $0xffff;
	_ =	sdelay $0x5  }
0x31: {  	v4 =	vshra.s32 v3, $0x1F  }
0x32: {  	v4 =	vshrl.u32 v4, $0x1E  }
0x33: {  	v4 =	vadd.s32 v4, v3  }
0x34: {  	v4 =	vshra.s32 v4, $0x2  }
0x35: {  	v5 =	vshll.u32 v4, $0x2  }
0x36: {  	vm0 =	vlt.s32 v3, $0x1;
	vm1 =	vne.s32 v3, v5  }
0x37: {  	vm0 =	vmand vm0, vm1  }
0x38: {  	v3 =	vsub.s32 v3, v5;
	v5 =	vsel vm0, $0xFFFFFFFF, v2  }
0x39: {  	v3 =	vshll.u32 v3, $0x2;
	v4 =	vadd.s32 v5, v4  }
0x3a: {  	s14 =	sadd.s32 $0x4, s14;
	v5 =	vor.u32 v1, v3;
	v3 =	vand.u32 $0x8, v3;
	v4 =	vshll.u32 v4, $0x4  }
0x3b: {  	v6 =	vor.u32 s14, v1;
	v5 =	vand.u32 $0x7, v5;
	v3 =	vor.u32 v3, v4  }
0x3c: {  	v3 =	vor.u32 v5, v3;
	_ =	sdelay $0x3  }
.Ltmp1:
0x3d: {  	v4 =	vld.idx.msk [tilespmem:v6+s9+$0x0], $0xffff;
	(pc) =	sbr.rel @p0 .LBB2_5-.Ltmp1, $2  }
0x3e: {  	v6 =	vld.idx.msk [tilespmem:v3+s10+$0x0], $0xffff;
	_ =	sdelay $0x2  }
0x3f: {  	v5 =	vmov s15;
	s15 =	sadd.s32 $0x1, s15  }
0x40: {  	_ =	sdelay $0x2  }
0x41: {  	v4 =	vmax.f32 v6, v4  }
0x42: {  	[tilespmem:v3+s10+$0x0] =	vst.idx.msk $0xf, v4  }
0x43: {  	v3 =	vld.idx.msk [tilespmem:v5+s3+$0x0], $0xffff;
	_ =	sdelay $0x4  }
0x44: {  	v58 =	vshra.s32 v3, $0x1F  }
0x45: {  	v4 =	vshrl.u32 v58, $0x1E  }
0x46: {  	v4 =	vadd.s32 v4, v3  }
0x47: {  	v4 =	vshra.s32 v4, $0x2  }
0x48: {  	v59 =	vshll.u32 v4, $0x2  }
0x49: {  	vm0 =	vlt.s32 v3, $0x1;
	vm1 =	vne.s32 v3, v59  }
0x4a: {  	vm0 =	vmand vm0, vm1  }
0x4b: {  	v3 =	vsub.s32 v3, v59;
	v60 =	vsel vm0, $0xFFFFFFFF, v2  }
0x4c: {  	v3 =	vshll.u32 v3, $0x2;
	v4 =	vadd.s32 v60, v4  }
0x4d: {  	s14 =	sadd.s32 $0x4, s14;
	v61 =	vor.u32 v1, v3;
	v3 =	vand.u32 $0x8, v3;
	v4 =	vshll.u32 v4, $0x4  }
0x4e: {  	v62 =	vor.u32 s14, v1;
	v5 =	vand.u32 $0x7, v61;
	v3 =	vor.u32 v3, v4  }
0x4f: {  	v3 =	vor.u32 v5, v3;
	_ =	sdelay $0x3  }
0x50: {  	v63 =	vld.idx.msk [tilespmem:v62+s9+$0x0], $0xffff  }
0x51: {  	s13 =	sadd.s32 $0x1, s13;
	v5 =	vld.idx.msk [tilespmem:v3+s10+$0x0], $0xffff  }
0x52: {  	p0 =	sne.s32 s13, $0x7D  }
.Ltmp2:
0x53: {  	_ = 	snop;
	(pc) =	sbr.rel @p0 .LBB2_4-.Ltmp2, $3  }
0x54: {  	_ =	sdelay $0x1  }
0x55: {  	v4 =	vmax.f32 v5, v63  }
0x56: {  	[tilespmem:v3+s10+$0x0] =	vst.idx.msk $0xf, v4  }
0x57: {  	s11 =	sadd.s32 $0x1, s11  }
0x58: {  	p0 =	sne.s32 s11, s7  }
.Ltmp3:
0x59: {  	_ = 	snop;
	(pc) =	sbr.rel @p0 .LBB2_1-.Ltmp3, $4  }
0x5a: {  	[hbm4b:s6+s3] =	stream.linear.scatter [tilespmem:s10], [sflag:$0x1], $0xA000, $0x38;
	[tilespmem:$0xA190] =	vst v63  }
0x5b: {  	_ =	swait.ge [sflag:s8], $0xA000  }
0x5c: {  	[sflag:s8] =	ssyncset.done $0x0  }
0x5d: {  	[sflag:s8] =	ssyncadd.s32 $0xFFFF6000  }
0x5e: {  	_ =	sfence.sel $0x180000  }
0x5f: {  	[bflag:$0x0] =	sbarrier.arrive $0xFFFF  }
0x60: {  	p0 =	sne.s32 s0, $0x0;
	_ =	strace $0x9000004A  }
0x61: {  	s0 =	sadd.s32 @!p0 $0x100000, s1;
	[bflag:$0x2] =	sbarrier.arrive $0xFFFF  }
0x62: {  	[sflag:s0] =	ssyncadd.tile.s32 @!p0 $0x1;
	_ =	shalt  }
.Lfunc_end2:
_tile_overlayer_lowered:
.L_overlay_start_2:
0x63: {  	(tag) =	ssettag $0x2  }
0x64: {  	s0 =	rddreg [dreg:$0x0];
	s2 =	stileid.u32  }
0x65: {  	s1 =	rddreg [dreg:$0x1];
	p0 =	sne.s32 s2, $0x0  }
0x66: {  	s3 =	rddreg [dreg:$0x2];
	[bflag:$0x3] =	sbarrier.arrive $0xFFFF;
	s2 =	simm.s32 @!p0 $0x1C01  }
0x67: {  	[timem:s3], [sflag:s2] =	dma.local @!p0 [hbm:s0], s1  }
0x68: {  	s0 =	simm.s32 @!p0 $0x1  }
0x69: {  	_ =	swait.ge @!p0 [sflag:s0], s1  }
0x6a: {  	s1 =	ssub.s32 @!p0 $0x0, s1;
	[sflag:s0] =	ssyncset.done @!p0 $0x0  }
0x6b: {  	[sflag:s0] =	ssyncadd.s32 @!p0 s1  }
0x6c: {  	[bflag:$0x3] =	sbarrier.arrive $0xFFFF  }
0x6d: {  	_ =	shalt  }

// kernel: kernel.16.cloned.1.call-start
scs
__scs_entry_jumppad:
0x0: {  	(pc) =	sbr.rel $0x88, $3  }
0x1: {  	(tag) =	ssettag $0x0;
	lr =	simm.s32 $0x1  }
0x2: {  	[smem:$0x3F95] =	sst lr;
	_ =	strace $0xD0000000  }
0x3: {  	_ = 	snop  }
0x4: {  	_ = 	snop  }
0x5: {  	_ = 	snop  }
0x6: {  	_ = 	snop  }
0x7: {  	_ = 	snop  }
__scs_overlays_trampoline_lowered:
0x8: {  	[smem:$0x3FA4] =	sst s0  }
0x9: {  	[smem:$0x3FA5] =	sst s1  }
0xa: {  	[smem:$0x3FA6] =	sst s2  }
0xb: {  	[smem:$0x3FA7] =	sst s3  }
0xc: {  	[smem:$0x3FA8] =	sst s4  }
0xd: {  	[smem:$0x3FA9] =	sst s5  }
0xe: {  	[smem:$0x3FAA] =	sst s6  }
0xf: {  	[smem:$0x3FAB] =	sst s7  }
0x10: {  	[smem:$0x3FAC] =	sst s8  }
0x11: {  	[smem:$0x3FAD] =	sst s9;
	s0 =	simm.s32 @!p0 $0x0  }
0x12: {  	s1 =	sld [smem:$0x3F93];
	s0 =	simm.s32 @p0 $0x1  }
0x13: {  	[smem:$0x3FAE] =	sst s0;
	s0 =	simm.s32 @!p1 $0x0  }
0x14: {  	s2 =	sld [smem:$0x3F92];
	s0 =	simm.s32 @p1 $0x1  }
0x15: {  	[smem:$0x3FAF] =	sst s0;
	s0 =	simm.s32 @!p2 $0x0  }
0x16: {  	s3 =	sld [smem:$0x3FDB];
	s0 =	simm.s32 @p2 $0x1  }
0x17: {  	s4 =	simm.s32 $0x1BF5;
	[smem:$0x3FB1] =	sst s0  }
0x18: {  	s0 =	sld [smem:$0x3F94];
	_ =	swait.ge [sflag:s4], $0x0  }
0x19: {  	s7 =	sld [smem:$0x3F95]  }
0x1a: {  	s8 =	sadd.s32 $0xFFFFE003, lr  }
0x1b: {  	s9 =	sadd.s32 $0xFFFFFEF7, lr;
	s5 =	simm.s32 $0xFFFFFFFF;
	p2 =	slt.u32 s8, $0xFFFFF086  }
0x1c: {  	p1 =	slt.u32 s9, $0xF7A;
	s5 =	simm.s32 @!p2 $0x0  }
0x1d: {  	s5 =	simm.s32 @p1 $0x1;
	p0 =	seq.s32 s7, s2  }
0x1e: {  	s7 =	smul.u32 @!p0 $0xF7A, s2;
	p2 =	seq.s32 @!p0 s5, $0x0  }
0x1f: {  	s9 =	smul.u32 $0xF7A, s1;
	s8 =	simm.s32 @!p0 $0x1BF5;
	p2 =	por !p2, p0  }
0x20: {  	[sflag:s8] =	ssyncset.s32 @!p0 $0xFFFFF086;
	s6 =	sadd.s32 @!p0 s3, s7;
	s7 =	simm.s32 @!p0 $0x108  }
0x21: {  	s3 =	sadd.s32 s3, s9;
	s6 =	sadd.s32 @!p0 $0x88, s6;
	s7 =	simm.s32 @p2 $0x1082  }
0x22: {  	[simem:s7], [sflag:s8] =	dma.local @!p0 [hbm:s6], $0xF7A  }
0x23: {  	s9 =	sor.u32 $0xD0000000, s2;
	s6 =	simm.s32 $0x108;
	_ =	swait.ge @!p0 [sflag:s8], $0x0  }
0x24: {  	s3 =	sadd.s32 $0x88, s3;
	s6 =	simm.s32 @!p1 $0x1082;
	[sflag:s4] =	ssyncset.s32 $0xFFFFF086  }
0x25: {  	[simem:s6], [sflag:s4] =	dma.local [hbm:s3], $0xF7A  }
0x26: {  	[smem:$0x3F95] =	sst s1;
	(tag) =	ssettag s2;
	_ =	strace s9  }
0x27: {  	s1 =	sld [smem:$0x3FA5]  }
0x28: {  	s2 =	sld [smem:$0x3FA6]  }
0x29: {  	s4 =	sld [smem:$0x3FA8]  }
0x2a: {  	p0 =	seq.s32 s5, $0x0;
	s5 =	sld [smem:$0x3FA9]  }
0x2b: {  	s6 =	sld [smem:$0x3FAA]  }
0x2c: {  	s7 =	sld [smem:$0x3FAB]  }
0x2d: {  	s3 =	simm.s32 $0x108;
	s8 =	sld [smem:$0x3FAC]  }
0x2e: {  	s3 =	simm.s32 @!p0 $0x1082;
	s9 =	sld [smem:$0x3FAD]  }
0x2f: {  	lr =	sadd.s32 s0, s3;
	s0 =	sld [smem:$0x3FA4]  }
0x30: {  	s3 =	sld [smem:$0x3FA7]  }
0x31: {  	[smem:$0x3FB0] =	sst s10  }
0x32: {  	s10 =	sld [smem:$0x3FAE];
	_ =	sdelay $0x3  }
0x33: {  	p0 =	seq.s32 s10, $0x1;
	s10 =	sld [smem:$0x3FB0];
	_ =	sdelay $0x3  }
0x34: {  	[smem:$0x3FB0] =	sst s10  }
0x35: {  	s10 =	sld [smem:$0x3FAF];
	_ =	sdelay $0x3  }
0x36: {  	p1 =	seq.s32 s10, $0x1;
	s10 =	sld [smem:$0x3FB0];
	_ =	sdelay $0x3  }
0x37: {  	[smem:$0x3FB0] =	sst s10  }
0x38: {  	s10 =	sld [smem:$0x3FB1]  }
0x39: {  	_ = 	snop;
	(pc) =	sbr.ind lr, $3  }
0x3a: {  	_ = 	snop  }
0x3b: {  	_ = 	snop  }
0x3c: {  	p2 =	seq.s32 s10, $0x1;
	s10 =	sld [smem:$0x3FB0]  }
0x3d: {  	_ =	shalt  }
0x3e: {  	_ =	shalt  }
0x3f: {  	_ =	shalt  }
0x40: {  	_ =	shalt  }
0x41: {  	_ =	shalt  }
0x42: {  	_ =	shalt  }
0x43: {  	_ =	shalt  }
0x44: {  	_ =	shalt  }
0x45: {  	_ =	shalt  }
0x46: {  	_ =	shalt  }
0x47: {  	_ =	shalt  }
0x48: {  	_ =	shalt  }
0x49: {  	_ =	shalt  }
0x4a: {  	_ =	shalt  }
0x4b: {  	_ =	shalt  }
0x4c: {  	_ =	shalt  }
0x4d: {  	_ =	shalt  }
0x4e: {  	_ =	shalt  }
0x4f: {  	_ =	shalt  }
0x50: {  	_ =	shalt  }
0x51: {  	_ =	shalt  }
0x52: {  	_ =	shalt  }
0x53: {  	_ =	shalt  }
0x54: {  	_ =	shalt  }
0x55: {  	_ =	shalt  }
0x56: {  	_ =	shalt  }
0x57: {  	_ =	shalt  }
0x58: {  	_ =	shalt  }
0x59: {  	_ =	shalt  }
0x5a: {  	_ =	shalt  }
0x5b: {  	_ =	shalt  }
0x5c: {  	_ =	shalt  }
0x5d: {  	_ =	shalt  }
0x5e: {  	_ =	shalt  }
0x5f: {  	_ =	shalt  }
0x60: {  	_ =	shalt  }
0x61: {  	_ =	shalt  }
0x62: {  	_ =	shalt  }
0x63: {  	_ =	shalt  }
0x64: {  	_ =	shalt  }
0x65: {  	_ =	shalt  }
0x66: {  	_ =	shalt  }
0x67: {  	_ =	shalt  }
0x68: {  	_ =	shalt  }
0x69: {  	_ =	shalt  }
0x6a: {  	_ =	shalt  }
0x6b: {  	_ =	shalt  }
0x6c: {  	_ =	shalt  }
0x6d: {  	_ =	shalt  }
0x6e: {  	_ =	shalt  }
0x6f: {  	_ =	shalt  }
0x70: {  	_ =	shalt  }
0x71: {  	_ =	shalt  }
0x72: {  	_ =	shalt  }
0x73: {  	_ =	shalt  }
0x74: {  	_ =	shalt  }
0x75: {  	_ =	shalt  }
0x76: {  	_ =	shalt  }
0x77: {  	_ =	shalt  }
0x78: {  	_ =	shalt  }
0x79: {  	_ =	shalt  }
0x7a: {  	_ =	shalt  }
0x7b: {  	_ =	shalt  }
0x7c: {  	_ =	shalt  }
0x7d: {  	_ =	shalt  }
0x7e: {  	_ =	shalt  }
0x7f: {  	_ =	shalt  }
0x80: {  	_ =	shalt  }
0x81: {  	_ =	shalt  }
0x82: {  	_ =	shalt  }
0x83: {  	_ =	shalt  }
0x84: {  	_ =	shalt  }
0x85: {  	_ =	shalt  }
0x86: {  	_ =	shalt  }
0x87: {  	_ =	shalt  }
.Lfunc_end0:
.L_simem_size_0:
called_computation.2_lowered:
.L_overlay_start_0:
0x88: {  	s2 =	sld [smem:$0x3FD9]  }
0x89: {  	s3 =	sld [smem:$0x3FFE];
	_ =	sdelay $0x1  }
0x8a: {  	s1 =	srdreg.scid  }
0x8b: {  	s0 =	sand.u32 $0x1, s1  }
0x8c: {  	s17 =	sshll.u32 s0, $0xA;
	s2 =	sadd.s32 s3, s2  }
0x8d: {  	s2 =	sadd.s32 s2, s17  }
0x8e: {  	[smem:$0x3FBC] =	sst s2  }
0x8f: {  	_ = 	snop  }
0x90: {  	s18 =	sld [smem:$0x3FD0];
	(tm) =	ssettm $0x1  }
0x91: {  	s19 =	sld [smem:$0x3FFB];
	_ =	sdelay $0x3  }
0x92: {  	_ =	strace s19  }
0x93: {  	s2 =	sld [smem:$0x3FFC];
	_ =	sdelay $0x3  }
0x94: {  	_ =	strace s2  }
0x95: {  	s2 =	sld [smem:$0x3FFD];
	_ =	sdelay $0x3  }
0x96: {  	_ =	strace s2  }
0x97: {  	_ =	strace $0x8FFFFFFF  }
0x98: {  	s20 =	sld [smem:$0x3FDB];
	_ =	sdelay $0x1  }
0x99: {  	s4 =	simm.s32 $_scs_section_size  }
0x9a: {  	s5 =	simm.s32 $_size__tile_overlayer_lowered;
	s6 =	simm.s32 $_tile_overlayer_lowered  }
0x9b: {  	s7 =	simm.s32 $0x1BFF;
	s21 =	sshll.u32 s6, $0x1;
	s4 =	sadd.s32 s4, s20  }
0x9c: {  	s22 =	simm.s32 $0x0;
	s5 =	sshll.u32 s5, $0x1;
	s6 =	sadd.s32 s21, s4  }
0x9d: {  	[timem:s22], [sflag:s7] =	dma.local [hbm:s6], s5  }
0x9e: {  	_ =	swait.ge [sflag:s7], s5  }
0x9f: {  	s5 =	ssub.s32 $0x0, s5;
	[sflag:s7] =	ssyncset.done $0x0  }
0xa0: {  	[sflag:s7] =	ssyncadd.s32 s5;
	_ =	sdelay $0x1  }
0xa1: {  	s23 =	simm.s32 $0x1B8B  }
0xa2: {  	_ =	swait.ge [sflag:s23], $0x1  }
0xa3: {  	[sflag:s23] =	ssyncset.done $0x0  }
0xa4: {  	[sflag:s23] =	ssyncadd.s32 $0xFFFFFFFF  }
0xa5: {  	s5 =	sld [smem:$0x0]  }
0xa6: {  	s6 =	sand.u32 $0xFFFFFFFE, s1  }
0xa7: {  	p0 =	sne.s32 s1, s6  }
0xa8: {  	s6 =	sshll.u32 @p0 s6, $0xE  }
0xa9: {  	s6 =	sadd.s32 @p0 $0x11B8D, s6;
	s7 =	sshll.u32 @p0 s5, $0x11  }
0xaa: {  	s6 =	sor.u32 @p0 s7, s6  }
0xab: {  	[sflag:s6] =	ssyncadd.remote.s32 @p0 $0x1;
	_ =	sdelay $0x1  }
0xac: {  	s6 =	simm.s32 @p0 $0x1B8D  }
0xad: {  	_ =	swait.eq @p0 [sflag:s6], $0x1  }
0xae: {  	[sflag:s6] =	ssyncadd.s32 @p0 $0xFFFFFFFF  }
0xaf: {  	s7 =	sshll.u32 @!p0 s1, $0xE  }
0xb0: {  	s7 =	sor.u32 @!p0 $0x4000, s7;
	s6 =	simm.s32 @!p0 $0x1B8D  }
0xb1: {  	s5 =	sshll.u32 @!p0 s5, $0x11;
	s7 =	sadd.s32 @!p0 $0x11B8D, s7;
	_ =	swait.eq @!p0 [sflag:s6], $0x1  }
0xb2: {  	s5 =	sor.u32 @!p0 s5, s7;
	[sflag:s6] =	ssyncadd.s32 @!p0 $0xFFFFFFFF  }
0xb3: {  	s25 =	simm.s32 $0x1B8E;
	s24 =	sld [smem:$0x3FFE];
	[sflag:s5] =	ssyncadd.remote.s32 @!p0 $0x1  }
0xb4: {  	s26 =	simm.s32 $execute0_lowered;
	[smem:$0x3FD2] =	sst s25  }
0xb5: {  	s6 =	sshll.u32 s26, $0x1;
	_ =	strace $0x8000004F;
	[dreg:$0x1] =	wrdreg $0xFFFFFFFF  }
0xb6: {  	s28 =	simm.s32 $_size_execute0_lowered;
	s4 =	sadd.s32 s4, s6;
	[dreg:$0x0] =	wrdreg $0x0  }
0xb7: {  	s6 =	sshll.u32 s28, $0x1;
	[dreg:$0x2] =	wrdreg s4  }
0xb8: {  	[dreg:$0x3] =	wrdreg s6  }
0xb9: {  	[dreg:$0x4] =	wrdreg $0xC0  }
0xba: {  	_ =	task [dreg:s22], $0x5FFFF  }
0xbb: {  	[dreg:$0x1] =	wrdreg $0xFFFFFFFF  }
0xbc: {  	[dreg:$0x0] =	wrdreg $0x60  }
0xbd: {  	[dreg:$0x2] =	wrdreg s24  }
0xbe: {  	[dreg:$0x3] =	wrdreg s18  }
0xbf: {  	[dreg:$0x4] =	wrdreg $0x58200  }
0xc0: {  	[dreg:$0x5] =	wrdreg $0x9  }
0xc1: {  	_ =	task.clear_ibuf [dreg:s22], $0x6FFFF;
	_ =	strace $0x9000004F  }
0xc2: {  	s29 =	simm.s32 $0x9;
	_ =	strace $0x80000051  }
0xc3: {  	_ =	swait.ge [sflag:s29], $0x1  }
0xc4: {  	[sflag:s29] =	ssyncadd.s32 $0xFFFFFFFF  }
0xc5: {  	_ =	strace $0x90000051  }
0xc6: {  	_ =	sfence  }
0xc7: {  	s30 =	sld [smem:$0x0];
	_ =	sdelay $0x2  }
0xc8: {  	s31 =	sshll.u32 s1, $0xD;
	s1 =	sshrl.u32 s1, $0x2  }
0xc9: {  	s4 =	sand.u32 $0x4000, s31;
	s1 =	sadd.s32 s1, s30  }
0xca: {  	s0 =	sor.u32 s4, s0;
	s1 =	sshll.u32 s1, $0x11  }
0xcb: {  	s0 =	sor.u32 s1, s0  }
0xcc: {  	s0 =	sadd.s32 $0x8F2B, s0  }
0xcd: {  	[sflag:s0] =	ssyncadd.remote.s32 $0x1  }
0xce: {  	_ =	sfence.sel $0xFFFF  }
0xcf: {  	[dreg:$0x0] =	wrdreg $0xFFFFFFFF;
	(pc) =	sbr.abs _section_cstart, $3  }
0xd0: {  	[dreg:$0x1] =	wrdreg $0xFFFFFFFF  }
0xd1: {  	_ =	task.clear_ibuf [dreg:s22], $0x2FFFF;
	_ =	strace $0x9FFFFFFF  }
0xd2: {  	(tm) =	ssettm $0x7FFFFFFF  }
0xd3: {  	_ =	shalt  }
tec
execute0_lowered:
.L_overlay_start_1:
0x0: {  	(tag) =	ssettag $0x1  }
0x1: {  	s0 =	rddreg [dreg:$0x0]  }
0x2: {  	s1 =	rddreg [dreg:$0x1]  }
0x3: {  	s2 =	rddreg [dreg:$0x2];
	s3 =	simm.s32 $0x0;
	s4 =	srdreg.scid  }
0x4: {  	s10 =	stileid.u32;
	s28 =	simm.s32 $0x2B20;
	s29 =	simm.s32 $0x3  }
0x5: {  	s30 =	simm.s32 $0x50;
	s31 =	simm.s32 $0x320;
	[smem:$0x7FF] =	sst s3  }
0x6: {  	s4 =	sand.u32 $0x1, s4;
	s5 =	sadd.s32 $0xCE00, s0;
	s8 =	smul.u32 $0x14000, s10  }
0x7: {  	s9 =	sadd.s32 $0x6AE00, s0;
	s15 =	sshll.u32 s10, $0x1;
	s6 =	ssub.s32 $0x2, s4  }
0x8: {  	_ =	strace $0x80000050;
	s7 =	sshrl.u32 s6, $0x1;
	s10 =	sor.u32 $0x2800, s8  }
0x9: {  	s11 =	sadd.s32 $0x5000, s8;
	s12 =	sadd.s32 $0x7800, s8;
	s13 =	sadd.s32 $0xA000, s8  }
0xa: {  	s6 =	ssub.s32 s6, s7;
	s7 =	sor.u32 s4, s15;
	s4 =	smul.u32 $0x140000, s4  }
0xb: {  	s18 =	sadd.s32 $0xC800, s8;
	s24 =	sadd.s32 $0xF000, s8;
	s25 =	sadd.s32 $0x11800, s8  }
0xc: {  	s14 =	sadd.s32 s8, s4;
	s15 =	sadd.s32 s4, s10;
	s17 =	sadd.s32 s4, s11  }
0xd: {  	s19 =	sadd.s32 s4, s12;
	s22 =	sadd.s32 s4, s18;
	s23 =	sadd.s32 s4, s24  }
0xe: {  	s10 =	sadd.s32 s10, s2;
	s24 =	sadd.s32 s24, s2;
	s14 =	sshrl.u32 s14, $0x3  }
0xf: {  	s15 =	sshrl.u32 s15, $0x3;
	[dreg:$0xc] =	wrdreg s10;
	s14 =	sadd.s32 s9, s14  }
0x10: {  	s16 =	sadd.s32 s9, s15;
	s15 =	sshrl.u32 s19, $0x3;
	[dreg:$0x4] =	wrdreg s14  }
0x11: {  	s19 =	smax.u32 s6, $0x1;
	s6 =	simm.s32 $0x1;
	[dreg:$0x5] =	wrdreg s16  }
0x12: {  	s16 =	sadd.s32 s4, s13;
	s14 =	sshrl.u32 s17, $0x3;
	s20 =	sadd.s32 s9, s15  }
0x13: {  	s4 =	sadd.s32 s4, s25;
	s15 =	sshrl.u32 s23, $0x3;
	s17 =	smul.u32 $0x2710, s7  }
0x14: {  	s23 =	sadd.s32 s18, s2;
	s25 =	sadd.s32 s25, s2;
	[dreg:$0xd] =	wrdreg s19  }
0x15: {  	s7 =	simm.s32 $0x1E0;
	s16 =	sshrl.u32 s16, $0x3;
	s14 =	sadd.s32 s9, s14  }
0x16: {  	[dreg:$0x7] =	wrdreg s20;
	s4 =	sshrl.u32 s4, $0x3;
	s26 =	sadd.s32 s9, s15  }
0x17: {  	s15 =	sadd.s32 $0x16C00, s0;
	s20 =	sadd.s32 s11, s2;
	[dreg:$0x6] =	wrdreg s14  }
0x18: {  	s21 =	sadd.s32 s9, s16;
	s14 =	sshrl.u32 s22, $0x3;
	[dreg:$0xa] =	wrdreg s26  }
0x19: {  	s4 =	sadd.s32 s9, s4;
	s16 =	sadd.s32 $0x43C00, s0;
	s26 =	sadd.s32 s8, s2  }
0x1a: {  	v2 =	vlaneseq.u32;
	s22 =	sadd.s32 s13, s2;
	[dreg:$0x8] =	wrdreg s21;
	s14 =	sadd.s32 s9, s14  }
0x1b: {  	v1 =	vshrl.u32 v2, $0x2;
	[dreg:$0xb] =	wrdreg s4;
	s21 =	sadd.s32 s12, s2;
	s4 =	simm.s32 $0x2  }
0x1c: {  	v0 =	vimm.f32 $0.0e+00;
	v2 =	vand.u32 $0x3, v2;
	v1 =	vmul.u32 $0x10, v1;
	[dreg:$0x9] =	wrdreg s14;
	s14 =	sadd.s32 $0x3000, s0;
	s0 =	simm.s32 $0x5320  }
.LBB2_1:
0x1d: {  	s8 =	simm.s32 $0x0;
	s9 =	simm.s32 $0x200  }
.LBB2_2:
0x1e: {  	p0 =	sne.s32 s9, $0x9E00;
	[tilespmem:s8+$0x2B90] =	vst v0  }
0x1f: {  	[tilespmem:s8+$0x2B20] =	vst v0  }
0x20: {  	[tilespmem:s8+$0x2B30] =	vst v0  }
.Ltmp0:
0x21: {  	[tilespmem:s8+$0x2B40] =	vst v0;
	(pc) =	sbr.rel @p0 .LBB2_2-.Ltmp0, $4  }
0x22: {  	[tilespmem:s8+$0x2B50] =	vst v0  }
0x23: {  	[tilespmem:s8+$0x2B60] =	vst v0  }
0x24: {  	[tilespmem:s8+$0x2B70] =	vst v0  }
0x25: {  	[tilespmem:s8+$0x2B80] =	vst v0;
	s8 =	sshra.s32 s9, $0x2;
	s9 =	sadd.s32 $0x200, s9  }
0x26: {  	[tilespmem:s8+$0x2B90] =	vst v0  }
0x27: {  	[tilespmem:s8+$0x2B20] =	vst v0  }
0x28: {  	[tilespmem:s8+$0x2B30] =	vst v0  }
0x29: {  	[tilespmem:s8+$0x2B40] =	vst v0  }
0x2a: {  	[tilespmem:s8+$0x2B50] =	vst v0  }
0x2b: {  	[tilespmem:s8+$0x2B60] =	vst v0  }
0x2c: {  	[tilespmem:s8+$0x2B70] =	vst v0  }
0x2d: {  	[tilespmem:s8+$0x2B80] =	vst v0  }
0x2e: {  	[spmem:s26] =	stream.linear.scatter [tilespmem:s28], [sflag:$0x3], $0x2800, $0x38;
	[tilespmem:$0x19820] =	vst v63  }
0x2f: {  	_ =	swait.ge [sflag:s29], $0x2800  }
0x30: {  	[sflag:s29] =	ssyncset.done $0x0  }
0x31: {  	s19 =	smov.u32 s26;
	s26 =	rddreg [dreg:$0xc];
	[sflag:s29] =	ssyncadd.s32 $0xFFFFD800  }
0x32: {  	[spmem:s26] =	stream.linear.scatter [tilespmem:s28], [sflag:$0x3], $0x2800, $0x38;
	[tilespmem:$0x19820] =	vst v63  }
0x33: {  	_ =	swait.ge [sflag:s29], $0x2800  }
0x34: {  	[sflag:s29] =	ssyncset.done $0x0  }
0x35: {  	[sflag:s29] =	ssyncadd.s32 $0xFFFFD800  }
0x36: {  	[spmem:s20] =	stream.linear.scatter [tilespmem:s28], [sflag:$0x3], $0x2800, $0x38;
	[tilespmem:$0x19820] =	vst v63  }
0x37: {  	_ =	swait.ge [sflag:s29], $0x2800  }
0x38: {  	[sflag:s29] =	ssyncset.done $0x0  }
0x39: {  	[sflag:s29] =	ssyncadd.s32 $0xFFFFD800  }
0x3a: {  	[spmem:s21] =	stream.linear.scatter [tilespmem:s28], [sflag:$0x3], $0x2800, $0x38;
	[tilespmem:$0x19820] =	vst v63  }
0x3b: {  	_ =	swait.ge [sflag:s29], $0x2800  }
0x3c: {  	[sflag:s29] =	ssyncset.done $0x0  }
0x3d: {  	[sflag:s29] =	ssyncadd.s32 $0xFFFFD800  }
0x3e: {  	[spmem:s22] =	stream.linear.scatter [tilespmem:s28], [sflag:$0x3], $0x2800, $0x38;
	[tilespmem:$0x19820] =	vst v63  }
0x3f: {  	_ =	swait.ge [sflag:s29], $0x2800  }
0x40: {  	[sflag:s29] =	ssyncset.done $0x0  }
0x41: {  	[sflag:s29] =	ssyncadd.s32 $0xFFFFD800  }
0x42: {  	[spmem:s23] =	stream.linear.scatter [tilespmem:s28], [sflag:$0x3], $0x2800, $0x38;
	[tilespmem:$0x19820] =	vst v63  }
0x43: {  	_ =	swait.ge [sflag:s29], $0x2800  }
0x44: {  	[sflag:s29] =	ssyncset.done $0x0  }
0x45: {  	[sflag:s29] =	ssyncadd.s32 $0xFFFFD800  }
0x46: {  	[spmem:s24] =	stream.linear.scatter [tilespmem:s28], [sflag:$0x3], $0x2800, $0x38;
	[tilespmem:$0x19820] =	vst v63  }
0x47: {  	_ =	swait.ge [sflag:s29], $0x2800  }
0x48: {  	[sflag:s29] =	ssyncset.done $0x0  }
0x49: {  	[sflag:s29] =	ssyncadd.s32 $0xFFFFD800  }
0x4a: {  	[spmem:s25] =	stream.linear.scatter [tilespmem:s28], [sflag:$0x3], $0x2800, $0x38;
	[tilespmem:$0x19820] =	vst v63  }
0x4b: {  	_ =	swait.ge [sflag:s29], $0x2800  }
0x4c: {  	[sflag:s29] =	ssyncset.done $0x0  }
0x4d: {  	[sflag:s29] =	ssyncadd.s32 $0xFFFFD800  }
0x4e: {  	s8 =	simm.s32 $0x0;
	s9 =	simm.s32 $0x0;
	[bflag:$0x0] =	sbarrier.arrive $0xFFFF  }
.LBB2_4:
0x4f: {  	s10 =	smul.u32 $0x50, s9;
	_ =	sdelay $0x1  }
0x50: {  	s10 =	sadd.s32 s17, s10  }
0x51: {  	s11 =	sshrl.u32 s10, $0x3  }
0x52: {  	s12 =	sadd.s32 s5, s11  }
0x53: {  	[tilespmem:s8], [sflag:$0x3] =	stream.linear.gather [hbm4b:s12+s8], $0x50, $0x38;
	[tilespmem:$0x19820] =	vst v63  }
0x54: {  	_ =	swait.ge [sflag:s29], $0x50  }
0x55: {  	[sflag:s29] =	ssyncset.done $0x0  }
0x56: {  	s11 =	sadd.s32 s14, s11;
	[sflag:s29] =	ssyncadd.s32 $0xFFFFFFB0  }
0x57: {  	[tilespmem:s30], [sflag:$0x3] =	stream.linear.gather [hbm4b:s11+s8], $0x50, $0x38;
	[tilespmem:$0x19820] =	vst v63  }
0x58: {  	_ =	swait.ge [sflag:s29], $0x50  }
0x59: {  	s10 =	sshrl.u32 s10, $0x1;
	[sflag:s29] =	ssyncset.done $0x0  }
0x5a: {  	s13 =	simm.s32 $0xA0;
	s10 =	sadd.s32 s1, s10;
	[sflag:s29] =	ssyncadd.s32 $0xFFFFFFB0  }
0x5b: {  	[tilespmem:s13], [sflag:$0x3] =	stream.linear.gather [hbm4b:s10+s8], $0x140, $0x38;
	[tilespmem:$0x19820] =	vst v63  }
0x5c: {  	_ =	swait.ge [sflag:s29], $0x140  }
0x5d: {  	v3 =	vmov s8;
	[sflag:s29] =	ssyncset.done $0x0  }
0x5e: {  	v3 =	vshll.u32 v3, $0x4;
	[sflag:s29] =	ssyncadd.s32 $0xFFFFFEC0  }
0x5f: {  	v3 =	vor.u32 v1, v3;
	[tilespmem:s31], [sflag:$0x1] =	stream.indirect.gather [hbm4b:s16+s30], $0x80, s8, s30, $0xb8;
	[tilespmem:$0x19820] =	vst v63  }
0x60: {  	v3 =	vor.u32 v2, v3  }
0x61: {  	[tilespmem:s0], [sflag:$0x2] =	stream.indirect.gather [hbm4b:s15+s30], $0x10, s30, s30, $0xb8;
	[tilespmem:$0x19820] =	vst v63  }
0x62: {  	_ =	swait.ge [sflag:s4], $0x500  }
0x63: {  	[sflag:s4] =	ssyncset.done $0x0  }
0x64: {  	[sflag:s4] =	ssyncadd.s32 $0xFFFFFB00  }
0x65: {  	v3 =	vld.idx.msk [tilespmem:v3+s0+$0x0], $0xffff  }
0x66: {  	v4 =	vld [tilespmem:s13+$0x0];
	_ =	sdelay $0x4  }
0x67: {  	v3 =	vsub.f32 v4, v3;
	_ =	sdelay $0x1  }
0x68: {  	v3 =	vmul.f32 $1.442695020e+00, v3;
	_ =	sdelay $0x1  }
0x69: {  	(erf) = vpow2.f32 v3;
	_ =	sdelay $0x1  }
0x6a: {  	s18 =	simm.s32 $0x4  }
0x6b: {  	v3 =	vmov s18  }
0x6c: {  	v3 =	vshll.u32 v3, $0x4  }
0x6d: {  	v3 =	vor.u32 v1, v3  }
0x6e: {  	v3 =	vor.u32 v2, v3;
	_ =	sdelay $0x2  }
0x6f: {  	s10 =	simm.s32 $0x1E0;
	v4 =	vpop (erf)  }
0x70: {  	[tilespmem:s10+$0x0] =	vst v4  }
0x71: {  	s11 =	simm.s32 $0xB0;
	v3 =	vld.idx.msk [tilespmem:v3+s0+$0x0], $0xffff  }
0x72: {  	v4 =	vld [tilespmem:s11+$0x0];
	_ =	sdelay $0x4  }
0x73: {  	v3 =	vsub.f32 v4, v3;
	_ =	sdelay $0x1  }
0x74: {  	v3 =	vmul.f32 $1.442695020e+00, v3;
	_ =	sdelay $0x1  }
0x75: {  	(erf) = vpow2.f32 v3;
	_ =	sdelay $0x1  }
0x76: {  	s26 =	simm.s32 $0x8  }
0x77: {  	s12 =	simm.s32 $0xC;
	v3 =	vmov s26  }
.LBB2_5:
0x78: {  	p0 =	sne.s32 s12, $0x4C;
	v3 =	vshll.u32 v3, $0x4  }
0x79: {  	v3 =	vor.u32 v1, v3  }
0x7a: {  	v3 =	vor.u32 v2, v3;
	_ =	sdelay $0x2  }
0x7b: {  	s10 =	sadd.s32 $0x10, s10;
	v4 =	vpop (erf)  }
0x7c: {  	[tilespmem:s10+$0x0] =	vst v4  }
0x7d: {  	s11 =	sadd.s32 $0x10, s11;
	v3 =	vld.idx.msk [tilespmem:v3+s0+$0x0], $0xffff  }
0x7e: {  	v4 =	vld [tilespmem:s11+$0x0];
	_ =	sdelay $0x4  }
0x7f: {  	v3 =	vsub.f32 v4, v3;
	_ =	sdelay $0x1  }
0x80: {  	v3 =	vmul.f32 $1.442695020e+00, v3  }
.Ltmp1:
0x81: {  	(pc) =	sbr.rel @p0 .LBB2_5-.Ltmp1, $2  }
0x82: {  	(erf) = vpow2.f32 v3;
	_ =	sdelay $0x2  }
0x83: {  	v3 =	vmov s12;
	s12 =	sadd.s32 $0x4, s12  }
0x84: {  	v3 =	vshll.u32 v3, $0x4  }
0x85: {  	v3 =	vor.u32 v1, v3  }
0x86: {  	v3 =	vor.u32 v2, v3;
	_ =	sdelay $0x2  }
0x87: {  	s10 =	sadd.s32 $0x10, s10;
	v4 =	vpop (erf)  }
0x88: {  	[tilespmem:s10+$0x0] =	vst v4  }
0x89: {  	s11 =	sadd.s32 $0x10, s11;
	v3 =	vld.idx.msk [tilespmem:v3+s0+$0x0], $0xffff  }
0x8a: {  	v4 =	vld [tilespmem:s11+$0x0];
	_ =	sdelay $0x4  }
0x8b: {  	v3 =	vsub.f32 v4, v3;
	_ =	sdelay $0x1  }
0x8c: {  	v3 =	vmul.f32 $1.442695020e+00, v3;
	_ =	sdelay $0x1  }
0x8d: {  	(erf) = vpow2.f32 v3;
	_ =	sdelay $0x4  }
0x8e: {  	s12 =	simm.s32 $0x0  }
0x8f: {  	v3 =	vmov s12  }
0x90: {  	v3 =	vand.u32 $0xFFFFFFFC, v3  }
0x91: {  	v3 =	vbroadcast v3, $0x0  }
0x92: {  	s10 =	sadd.s32 $0x10, s10;
	v4 =	vpop (erf)  }
0x93: {  	[tilespmem:s10+$0x0] =	vst v4  }
0x94: {  	_ =	swait.ge [sflag:s6], $0x2800  }
0x95: {  	[sflag:s6] =	ssyncset.done $0x0  }
0x96: {  	[sflag:s6] =	ssyncadd.s32 $0xFFFFD800  }
0x97: {  	s11 =	simm.s32 $0x360;
	v4 =	vld.idx.msk [tilespmem:v3+s7+$0x0], $0xffff  }
0x98: {  	v5 =	vld [tilespmem:s11+$0xFFFFFFC0];
	_ =	sdelay $0x4  }
0x99: {  	v4 =	vmul.f32 v5, v4  }
0x9a: {  	s10 =	simm.s32 $0x2B60  }
0x9b: {  	[tilespmem:s10+$0xFFFFFFC0] =	vst v4  }
0x9c: {  	s12 =	simm.s32 $0x1;
	v3 =	vld.idx.msk [tilespmem:v3+s7+$0x0], $0xffff  }
0x9d: {  	v5 =	vmov s12;
	v4 =	vld [tilespmem:s11+$0xFFFFFFD0]  }
0x9e: {  	v5 =	vand.u32 $0xFFFFFFFD, v5  }
0x9f: {  	v5 =	vbroadcast v5, $0x0;
	_ =	sdelay $0x2  }
0xa0: {  	v3 =	vmul.f32 v4, v3;
	_ =	sdelay $0x1  }
0xa1: {  	[tilespmem:s10+$0xFFFFFFD0] =	vst v3  }
0xa2: {  	v3 =	vld.idx.msk [tilespmem:v5+s7+$0x0], $0xffff  }
0xa3: {  	v4 =	vld [tilespmem:s11+$0xFFFFFFE0];
	_ =	sdelay $0x4  }
0xa4: {  	v3 =	vmul.f32 v4, v3;
	_ =	sdelay $0x1  }
0xa5: {  	[tilespmem:s10+$0xFFFFFFE0] =	vst v3  }
0xa6: {  	s13 =	simm.s32 $0x2;
	v3 =	vld.idx.msk [tilespmem:v5+s7+$0x0], $0xffff  }
0xa7: {  	v4 =	vld [tilespmem:s11+$0xFFFFFFF0];
	v5 =	vmov s13  }
0xa8: {  	v5 =	vand.u32 $0xFFFFFFFE, v5  }
0xa9: {  	v5 =	vbroadcast v5, $0x0;
	_ =	sdelay $0x2  }
0xaa: {  	v3 =	vmul.f32 v4, v3;
	_ =	sdelay $0x1  }
0xab: {  	[tilespmem:s10+$0xFFFFFFF0] =	vst v3  }
0xac: {  	v3 =	vld.idx.msk [tilespmem:v5+s7+$0x0], $0xffff  }
0xad: {  	v4 =	vld [tilespmem:s11+$0x0];
	_ =	sdelay $0x4  }
0xae: {  	v3 =	vmul.f32 v4, v3;
	_ =	sdelay $0x1  }
0xaf: {  	[tilespmem:s10+$0x0] =	vst v3  }
0xb0: {  	v3 =	vld.idx.msk [tilespmem:v5+s7+$0x0], $0xffff  }
0xb1: {  	v4 =	vld [tilespmem:s11+$0x10];
	_ =	sdelay $0x1  }
0xb2: {  	s18 =	simm.s32 $0x3  }
0xb3: {  	v5 =	vmov s18;
	_ =	sdelay $0x1  }
0xb4: {  	v3 =	vmul.f32 v4, v3;
	_ =	sdelay $0x1  }
0xb5: {  	[tilespmem:s10+$0x10] =	vst v3  }
0xb6: {  	v3 =	vld.idx.msk [tilespmem:v5+s7+$0x0], $0xffff  }
0xb7: {  	v4 =	vld [tilespmem:s11+$0x20];
	_ =	sdelay $0x4  }
0xb8: {  	v3 =	vmul.f32 v4, v3;
	_ =	sdelay $0x1  }
0xb9: {  	[tilespmem:s10+$0x20] =	vst v3  }
0xba: {  	s26 =	simm.s32 $0x4;
	v4 =	vld.idx.msk [tilespmem:v5+s7+$0x0], $0xffff  }
0xbb: {  	v3 =	vmov s26;
	v5 =	vld [tilespmem:s11+$0x30]  }
0xbc: {  	v3 =	vand.u32 $0xFFFFFFFC, v3  }
0xbd: {  	v3 =	vbroadcast v3, $0x0;
	_ =	sdelay $0x2  }
0xbe: {  	s12 =	simm.s32 $0x7;
	s13 =	simm.s32 $0xB;
	v4 =	vmul.f32 v5, v4  }
.LBB2_7:
0xbf: {  	s11 =	sadd.s32 $0x80, s11  }
0xc0: {  	s26 =	smov.u32 s13;
	s18 =	sadd.s32 $0x4, s13;
	[tilespmem:s10+$0x30] =	vst v4;
	s10 =	sadd.s32 $0x80, s10  }
0xc1: {  	p0 =	sne.s32 s13, $0x13F;
	v4 =	vld.idx.msk [tilespmem:v3+s7+$0x0], $0xffff  }
0xc2: {  	v5 =	vld [tilespmem:s11+$0xFFFFFFC0];
	_ =	sdelay $0x4  }
0xc3: {  	v4 =	vmul.f32 v5, v4;
	_ =	sdelay $0x1  }
0xc4: {  	[tilespmem:s10+$0xFFFFFFC0] =	vst v4  }
0xc5: {  	s13 =	sadd.s32 $0xFFFFFFFE, s12;
	v3 =	vld.idx.msk [tilespmem:v3+s7+$0x0], $0xffff  }
0xc6: {  	v5 =	vmov s13;
	v4 =	vld [tilespmem:s11+$0xFFFFFFD0]  }
0xc7: {  	v5 =	vand.u32 $0xFFFFFFFD, v5  }
0xc8: {  	v5 =	vbroadcast v5, $0x0;
	_ =	sdelay $0x2  }
0xc9: {  	v3 =	vmul.f32 v4, v3;
	_ =	sdelay $0x1  }
0xca: {  	[tilespmem:s10+$0xFFFFFFD0] =	vst v3  }
0xcb: {  	v3 =	vld.idx.msk [tilespmem:v5+s7+$0x0], $0xffff  }
0xcc: {  	v4 =	vld [tilespmem:s11+$0xFFFFFFE0];
	_ =	sdelay $0x4  }
0xcd: {  	v3 =	vmul.f32 v4, v3;
	_ =	sdelay $0x1  }
0xce: {  	[tilespmem:s10+$0xFFFFFFE0] =	vst v3  }
0xcf: {  	s13 =	sadd.s32 $0xFFFFFFFF, s12;
	v3 =	vld.idx.msk [tilespmem:v5+s7+$0x0], $0xffff  }
0xd0: {  	v5 =	vmov s13;
	v4 =	vld [tilespmem:s11+$0xFFFFFFF0]  }
0xd1: {  	v5 =	vand.u32 $0xFFFFFFFE, v5  }
0xd2: {  	v5 =	vbroadcast v5, $0x0;
	_ =	sdelay $0x2  }
0xd3: {  	v3 =	vmul.f32 v4, v3;
	_ =	sdelay $0x1  }
0xd4: {  	[tilespmem:s10+$0xFFFFFFF0] =	vst v3  }
0xd5: {  	v3 =	vld.idx.msk [tilespmem:v5+s7+$0x0], $0xffff  }
0xd6: {  	v4 =	vld [tilespmem:s11+$0x0];
	_ =	sdelay $0x4  }
0xd7: {  	v3 =	vmul.f32 v4, v3;
	_ =	sdelay $0x1  }
0xd8: {  	[tilespmem:s10+$0x0] =	vst v3  }
0xd9: {  	v3 =	vld.idx.msk [tilespmem:v5+s7+$0x0], $0xffff  }
0xda: {  	v4 =	vld [tilespmem:s11+$0x10];
	_ =	sdelay $0x2  }
0xdb: {  	v5 =	vmov s12;
	s12 =	smov.u32 s26;
	_ =	sdelay $0x1  }
0xdc: {  	v3 =	vmul.f32 v4, v3;
	_ =	sdelay $0x1  }
0xdd: {  	[tilespmem:s10+$0x10] =	vst v3  }
0xde: {  	v3 =	vld.idx.msk [tilespmem:v5+s7+$0x0], $0xffff  }
0xdf: {  	v4 =	vld [tilespmem:s11+$0x20];
	_ =	sdelay $0x4  }
0xe0: {  	v3 =	vmul.f32 v4, v3;
	_ =	sdelay $0x1  }
0xe1: {  	[tilespmem:s10+$0x20] =	vst v3  }
0xe2: {  	s13 =	sadd.s32 $0xFFFFFFFD, s12;
	v4 =	vld.idx.msk [tilespmem:v5+s7+$0x0], $0xffff  }
0xe3: {  	v3 =	vmov s13;
	v5 =	vld [tilespmem:s11+$0x30]  }
.Ltmp2:
0xe4: {  	v3 =	vand.u32 $0xFFFFFFFC, v3;
	(pc) =	sbr.rel @p0 .LBB2_7-.Ltmp2, $2  }
0xe5: {  	v3 =	vbroadcast v3, $0x0;
	_ =	sdelay $0x2  }
0xe6: {  	s13 =	smov.u32 s18;
	v4 =	vmul.f32 v5, v4  }
0xe7: {  	_ =	sdelay $0x2  }
0xe8: {  	[tilespmem:s10+$0x30] =	vst v4  }
0xe9: {  	s11 =	sadd.s32 $0x80, s11;
	v4 =	vld.idx.msk [tilespmem:v3+s7+$0x0], $0xffff  }
0xea: {  	v5 =	vld [tilespmem:s11+$0xFFFFFFC0];
	_ =	sdelay $0x4  }
0xeb: {  	v4 =	vmul.f32 v5, v4  }
0xec: {  	s18 =	sadd.s32 $0x80, s10  }
0xed: {  	[tilespmem:s18+$0xFFFFFFC0] =	vst v4  }
0xee: {  	s13 =	sadd.s32 $0xFFFFFFFE, s12;
	v3 =	vld.idx.msk [tilespmem:v3+s7+$0x0], $0xffff  }
0xef: {  	v55 =	vmov s13;
	v4 =	vld [tilespmem:s11+$0xFFFFFFD0]  }
0xf0: {  	v5 =	vand.u32 $0xFFFFFFFD, v55  }
0xf1: {  	v5 =	vbroadcast v5, $0x0;
	_ =	sdelay $0x2  }
0xf2: {  	v3 =	vmul.f32 v4, v3;
	_ =	sdelay $0x1  }
0xf3: {  	[tilespmem:s18+$0xFFFFFFD0] =	vst v3  }
0xf4: {  	v3 =	vld.idx.msk [tilespmem:v5+s7+$0x0], $0xffff  }
0xf5: {  	v56 =	vld [tilespmem:s11+$0xFFFFFFE0];
	_ =	sdelay $0x4  }
0xf6: {  	v3 =	vmul.f32 v56, v3;
	_ =	sdelay $0x1  }
0xf7: {  	[tilespmem:s18+$0xFFFFFFE0] =	vst v3  }
0xf8: {  	s26 =	sadd.s32 $0xFFFFFFFF, s12;
	v3 =	vld.idx.msk [tilespmem:v5+s7+$0x0], $0xffff  }
0xf9: {  	v58 =	vmov s26;
	v57 =	vld [tilespmem:s11+$0xFFFFFFF0]  }
0xfa: {  	v5 =	vand.u32 $0xFFFFFFFE, v58  }
0xfb: {  	v5 =	vbroadcast v5, $0x0;
	_ =	sdelay $0x2  }
0xfc: {  	v3 =	vmul.f32 v57, v3;
	_ =	sdelay $0x1  }
0xfd: {  	[tilespmem:s18+$0xFFFFFFF0] =	vst v3  }
0xfe: {  	v3 =	vld.idx.msk [tilespmem:v5+s7+$0x0], $0xffff  }
0xff: {  	v59 =	vld [tilespmem:s11+$0x0];
	_ =	sdelay $0x4  }
0x100: {  	v3 =	vmul.f32 v59, v3;
	_ =	sdelay $0x1  }
0x101: {  	[tilespmem:s18+$0x0] =	vst v3  }
0x102: {  	v3 =	vld.idx.msk [tilespmem:v5+s7+$0x0], $0xffff  }
0x103: {  	v60 =	vld [tilespmem:s11+$0x10];
	_ =	sdelay $0x2  }
0x104: {  	v61 =	vmov s12;
	_ =	sdelay $0x1  }
0x105: {  	v3 =	vmul.f32 v60, v3;
	_ =	sdelay $0x1  }
0x106: {  	[tilespmem:s18+$0x10] =	vst v3  }
0x107: {  	v3 =	vld.idx.msk [tilespmem:v61+s7+$0x0], $0xffff  }
0x108: {  	v62 =	vld [tilespmem:s11+$0x20];
	_ =	sdelay $0x4  }
0x109: {  	v3 =	vmul.f32 v62, v3;
	_ =	sdelay $0x1  }
0x10a: {  	[tilespmem:s18+$0x20] =	vst v3  }
0x10b: {  	v3 =	vld.idx.msk [tilespmem:v61+s7+$0x0], $0xffff  }
0x10c: {  	v63 =	vld [tilespmem:s11+$0x30];
	_ =	sdelay $0x4  }
0x10d: {  	s9 =	sadd.s32 $0x1, s9;
	v3 =	vmul.f32 v63, v3  }
0x10e: {  	p0 =	sne.s32 s9, $0x7D  }
.Ltmp3:
0x10f: {  	[tilespmem:s18+$0x30] =	vst v3;
	(pc) =	sbr.rel @p0 .LBB2_4-.Ltmp3, $4  }
0x110: {  	[spmem:s2] =	stream.indirect.scatter.add.f32 [tilespmem:s28], [sflag:$0x3], $0x80, s30, s30, $0xb8;
	[tilespmem:$0x19820] =	vst v63  }
0x111: {  	_ =	swait.ge [sflag:s29], $0x2800  }
0x112: {  	[sflag:s29] =	ssyncset.done $0x0  }
0x113: {  	[sflag:s29] =	ssyncadd.s32 $0xFFFFD800  }
0x114: {  	s8 =	stileid.u32  }
0x115: {  	[bflag:$0x0] =	sbarrier.arrive $0xFFFF;
	s8 =	sshll.u32 s8, $0x6  }
0x116: {  	s9 =	sshrl.u32 s19, $0x3;
	s10 =	rddreg [dreg:$0x4];
	s8 =	sor.u32 $0x1C03, s8  }
0x117: {  	[hbm:s10], [sflag:s8] =	dma.local [spmem:s9], $0x500  }
0x118: {  	_ =	swait.ge [sflag:s29], $0x500  }
0x119: {  	[sflag:s29] =	ssyncset.done $0x0;
	s12 =	rddreg [dreg:$0xc]  }
0x11a: {  	s13 =	rddreg [dreg:$0x5];
	[sflag:s29] =	ssyncadd.s32 $0xFFFFFB00;
	s9 =	sshrl.u32 s12, $0x3  }
0x11b: {  	[hbm:s13], [sflag:s8] =	dma.local [spmem:s9], $0x500  }
0x11c: {  	_ =	swait.ge [sflag:s29], $0x500  }
0x11d: {  	s26 =	smov.u32 s19;
	[sflag:s29] =	ssyncset.done $0x0  }
0x11e: {  	s18 =	sshrl.u32 s20, $0x3;
	s19 =	rddreg [dreg:$0x6];
	[sflag:s29] =	ssyncadd.s32 $0xFFFFFB00  }
0x11f: {  	[hbm:s19], [sflag:s8] =	dma.local [spmem:s18], $0x500  }
0x120: {  	_ =	swait.ge [sflag:s29], $0x500  }
0x121: {  	[sflag:s29] =	ssyncset.done $0x0  }
0x122: {  	s10 =	sshrl.u32 s21, $0x3;
	s11 =	rddreg [dreg:$0x7];
	[sflag:s29] =	ssyncadd.s32 $0xFFFFFB00  }
0x123: {  	[hbm:s11], [sflag:s8] =	dma.local [spmem:s10], $0x500  }
0x124: {  	_ =	swait.ge [sflag:s29], $0x500  }
0x125: {  	[sflag:s29] =	ssyncset.done $0x0  }
0x126: {  	s12 =	sshrl.u32 s22, $0x3;
	s13 =	rddreg [dreg:$0x8];
	[sflag:s29] =	ssyncadd.s32 $0xFFFFFB00  }
0x127: {  	[hbm:s13], [sflag:s8] =	dma.local [spmem:s12], $0x500  }
0x128: {  	_ =	swait.ge [sflag:s29], $0x500  }
0x129: {  	[sflag:s29] =	ssyncset.done $0x0  }
0x12a: {  	s18 =	sshrl.u32 s23, $0x3;
	s19 =	rddreg [dreg:$0x9];
	[sflag:s29] =	ssyncadd.s32 $0xFFFFFB00  }
0x12b: {  	[hbm:s19], [sflag:s8] =	dma.local [spmem:s18], $0x500  }
0x12c: {  	_ =	swait.ge [sflag:s29], $0x500  }
0x12d: {  	[sflag:s29] =	ssyncset.done $0x0  }
0x12e: {  	s11 =	sshrl.u32 s24, $0x3;
	s12 =	rddreg [dreg:$0xa];
	[sflag:s29] =	ssyncadd.s32 $0xFFFFFB00  }
0x12f: {  	[hbm:s12], [sflag:s8] =	dma.local [spmem:s11], $0x500  }
0x130: {  	_ =	swait.ge [sflag:s29], $0x500  }
0x131: {  	[sflag:s29] =	ssyncset.done $0x0  }
0x132: {  	s13 =	sshrl.u32 s25, $0x3;
	s18 =	rddreg [dreg:$0xb];
	[sflag:s29] =	ssyncadd.s32 $0xFFFFFB00  }
0x133: {  	[hbm:s18], [sflag:s8] =	dma.local [spmem:s13], $0x500  }
0x134: {  	_ =	swait.ge [sflag:s29], $0x500  }
0x135: {  	s3 =	sadd.s32 $0x1, s3;
	s19 =	rddreg [dreg:$0xd]  }
0x136: {  	p0 =	sne.s32 s3, s19  }
.Ltmp4:
0x137: {  	_ = 	snop;
	(pc) =	sbr.rel @p0 .LBB2_1-.Ltmp4, $3  }
0x138: {  	_ =	sdelay $0x1  }
0x139: {  	[sflag:s29] =	ssyncset.done $0x0  }
0x13a: {  	[sflag:s29] =	ssyncadd.s32 $0xFFFFFB00  }
0x13b: {  	_ =	sfence.sel $0x180000  }
0x13c: {  	[bflag:$0x0] =	sbarrier.arrive $0xFFFF  }
0x13d: {  	_ =	strace $0x90000050  }
0x13e: {  	s0 =	stileid.u32;
	[bflag:$0x2] =	sbarrier.arrive $0xFFFF  }
0x13f: {  	p0 =	sne.s32 s0, $0x0;
	s0 =	rddreg [dreg:$0x3]  }
0x140: {  	s0 =	sadd.s32 @!p0 $0x100000, s0  }
0x141: {  	[sflag:s0] =	ssyncadd.tile.s32 @!p0 $0x1;
	_ =	shalt  }
.Lfunc_end2:
_tile_overlayer_lowered:
.L_overlay_start_2:
0x142: {  	(tag) =	ssettag $0x2  }
0x143: {  	s0 =	rddreg [dreg:$0x0];
	s2 =	stileid.u32  }
0x144: {  	s1 =	rddreg [dreg:$0x1];
	p0 =	sne.s32 s2, $0x0  }
0x145: {  	s3 =	rddreg [dreg:$0x2];
	[bflag:$0x3] =	sbarrier.arrive $0xFFFF;
	s2 =	simm.s32 @!p0 $0x1C03  }
0x146: {  	[timem:s3], [sflag:s2] =	dma.local @!p0 [hbm:s0], s1  }
0x147: {  	s0 =	simm.s32 @!p0 $0x3  }
0x148: {  	_ =	swait.ge @!p0 [sflag:s0], s1  }
0x149: {  	s1 =	ssub.s32 @!p0 $0x0, s1;
	[sflag:s0] =	ssyncset.done @!p0 $0x0  }
0x14a: {  	[sflag:s0] =	ssyncadd.s32 @!p0 s1  }
0x14b: {  	[bflag:$0x3] =	sbarrier.arrive $0xFFFF  }
0x14c: {  	_ =	shalt  }

// kernel: kernel.19.cloned.1.call-start
scs
__scs_entry_jumppad:
0x0: {  	(pc) =	sbr.rel $0x88, $3  }
0x1: {  	(tag) =	ssettag $0x0;
	lr =	simm.s32 $0x1  }
0x2: {  	[smem:$0x3F95] =	sst lr;
	_ =	strace $0xD0000000  }
0x3: {  	_ = 	snop  }
0x4: {  	_ = 	snop  }
0x5: {  	_ = 	snop  }
0x6: {  	_ = 	snop  }
0x7: {  	_ = 	snop  }
__scs_overlays_trampoline_lowered:
0x8: {  	[smem:$0x3FA4] =	sst s0  }
0x9: {  	[smem:$0x3FA5] =	sst s1  }
0xa: {  	[smem:$0x3FA6] =	sst s2  }
0xb: {  	[smem:$0x3FA7] =	sst s3  }
0xc: {  	[smem:$0x3FA8] =	sst s4  }
0xd: {  	[smem:$0x3FA9] =	sst s5  }
0xe: {  	[smem:$0x3FAA] =	sst s6  }
0xf: {  	[smem:$0x3FAB] =	sst s7  }
0x10: {  	[smem:$0x3FAC] =	sst s8  }
0x11: {  	[smem:$0x3FAD] =	sst s9;
	s0 =	simm.s32 @!p0 $0x0  }
0x12: {  	s1 =	sld [smem:$0x3F93];
	s0 =	simm.s32 @p0 $0x1  }
0x13: {  	[smem:$0x3FAE] =	sst s0;
	s0 =	simm.s32 @!p1 $0x0  }
0x14: {  	s2 =	sld [smem:$0x3F92];
	s0 =	simm.s32 @p1 $0x1  }
0x15: {  	[smem:$0x3FAF] =	sst s0;
	s0 =	simm.s32 @!p2 $0x0  }
0x16: {  	s3 =	sld [smem:$0x3FDB];
	s0 =	simm.s32 @p2 $0x1  }
0x17: {  	s4 =	simm.s32 $0x1BF5;
	[smem:$0x3FB1] =	sst s0  }
0x18: {  	s0 =	sld [smem:$0x3F94];
	_ =	swait.ge [sflag:s4], $0x0  }
0x19: {  	s7 =	sld [smem:$0x3F95]  }
0x1a: {  	s8 =	sadd.s32 $0xFFFFE003, lr  }
0x1b: {  	s9 =	sadd.s32 $0xFFFFFEF7, lr;
	s5 =	simm.s32 $0xFFFFFFFF;
	p2 =	slt.u32 s8, $0xFFFFF086  }
0x1c: {  	p1 =	slt.u32 s9, $0xF7A;
	s5 =	simm.s32 @!p2 $0x0  }
0x1d: {  	s5 =	simm.s32 @p1 $0x1;
	p0 =	seq.s32 s7, s2  }
0x1e: {  	s7 =	smul.u32 @!p0 $0xF7A, s2;
	p2 =	seq.s32 @!p0 s5, $0x0  }
0x1f: {  	s9 =	smul.u32 $0xF7A, s1;
	s8 =	simm.s32 @!p0 $0x1BF5;
	p2 =	por !p2, p0  }
0x20: {  	[sflag:s8] =	ssyncset.s32 @!p0 $0xFFFFF086;
	s6 =	sadd.s32 @!p0 s3, s7;
	s7 =	simm.s32 @!p0 $0x108  }
0x21: {  	s3 =	sadd.s32 s3, s9;
	s6 =	sadd.s32 @!p0 $0x88, s6;
	s7 =	simm.s32 @p2 $0x1082  }
0x22: {  	[simem:s7], [sflag:s8] =	dma.local @!p0 [hbm:s6], $0xF7A  }
0x23: {  	s9 =	sor.u32 $0xD0000000, s2;
	s6 =	simm.s32 $0x108;
	_ =	swait.ge @!p0 [sflag:s8], $0x0  }
0x24: {  	s3 =	sadd.s32 $0x88, s3;
	s6 =	simm.s32 @!p1 $0x1082;
	[sflag:s4] =	ssyncset.s32 $0xFFFFF086  }
0x25: {  	[simem:s6], [sflag:s4] =	dma.local [hbm:s3], $0xF7A  }
0x26: {  	[smem:$0x3F95] =	sst s1;
	(tag) =	ssettag s2;
	_ =	strace s9  }
0x27: {  	s1 =	sld [smem:$0x3FA5]  }
0x28: {  	s2 =	sld [smem:$0x3FA6]  }
0x29: {  	s4 =	sld [smem:$0x3FA8]  }
0x2a: {  	p0 =	seq.s32 s5, $0x0;
	s5 =	sld [smem:$0x3FA9]  }
0x2b: {  	s6 =	sld [smem:$0x3FAA]  }
0x2c: {  	s7 =	sld [smem:$0x3FAB]  }
0x2d: {  	s3 =	simm.s32 $0x108;
	s8 =	sld [smem:$0x3FAC]  }
0x2e: {  	s3 =	simm.s32 @!p0 $0x1082;
	s9 =	sld [smem:$0x3FAD]  }
0x2f: {  	lr =	sadd.s32 s0, s3;
	s0 =	sld [smem:$0x3FA4]  }
0x30: {  	s3 =	sld [smem:$0x3FA7]  }
0x31: {  	[smem:$0x3FB0] =	sst s10  }
0x32: {  	s10 =	sld [smem:$0x3FAE];
	_ =	sdelay $0x3  }
0x33: {  	p0 =	seq.s32 s10, $0x1;
	s10 =	sld [smem:$0x3FB0];
	_ =	sdelay $0x3  }
0x34: {  	[smem:$0x3FB0] =	sst s10  }
0x35: {  	s10 =	sld [smem:$0x3FAF];
	_ =	sdelay $0x3  }
0x36: {  	p1 =	seq.s32 s10, $0x1;
	s10 =	sld [smem:$0x3FB0];
	_ =	sdelay $0x3  }
0x37: {  	[smem:$0x3FB0] =	sst s10  }
0x38: {  	s10 =	sld [smem:$0x3FB1]  }
0x39: {  	_ = 	snop;
	(pc) =	sbr.ind lr, $3  }
0x3a: {  	_ = 	snop  }
0x3b: {  	_ = 	snop  }
0x3c: {  	p2 =	seq.s32 s10, $0x1;
	s10 =	sld [smem:$0x3FB0]  }
0x3d: {  	_ =	shalt  }
0x3e: {  	_ =	shalt  }
0x3f: {  	_ =	shalt  }
0x40: {  	_ =	shalt  }
0x41: {  	_ =	shalt  }
0x42: {  	_ =	shalt  }
0x43: {  	_ =	shalt  }
0x44: {  	_ =	shalt  }
0x45: {  	_ =	shalt  }
0x46: {  	_ =	shalt  }
0x47: {  	_ =	shalt  }
0x48: {  	_ =	shalt  }
0x49: {  	_ =	shalt  }
0x4a: {  	_ =	shalt  }
0x4b: {  	_ =	shalt  }
0x4c: {  	_ =	shalt  }
0x4d: {  	_ =	shalt  }
0x4e: {  	_ =	shalt  }
0x4f: {  	_ =	shalt  }
0x50: {  	_ =	shalt  }
0x51: {  	_ =	shalt  }
0x52: {  	_ =	shalt  }
0x53: {  	_ =	shalt  }
0x54: {  	_ =	shalt  }
0x55: {  	_ =	shalt  }
0x56: {  	_ =	shalt  }
0x57: {  	_ =	shalt  }
0x58: {  	_ =	shalt  }
0x59: {  	_ =	shalt  }
0x5a: {  	_ =	shalt  }
0x5b: {  	_ =	shalt  }
0x5c: {  	_ =	shalt  }
0x5d: {  	_ =	shalt  }
0x5e: {  	_ =	shalt  }
0x5f: {  	_ =	shalt  }
0x60: {  	_ =	shalt  }
0x61: {  	_ =	shalt  }
0x62: {  	_ =	shalt  }
0x63: {  	_ =	shalt  }
0x64: {  	_ =	shalt  }
0x65: {  	_ =	shalt  }
0x66: {  	_ =	shalt  }
0x67: {  	_ =	shalt  }
0x68: {  	_ =	shalt  }
0x69: {  	_ =	shalt  }
0x6a: {  	_ =	shalt  }
0x6b: {  	_ =	shalt  }
0x6c: {  	_ =	shalt  }
0x6d: {  	_ =	shalt  }
0x6e: {  	_ =	shalt  }
0x6f: {  	_ =	shalt  }
0x70: {  	_ =	shalt  }
0x71: {  	_ =	shalt  }
0x72: {  	_ =	shalt  }
0x73: {  	_ =	shalt  }
0x74: {  	_ =	shalt  }
0x75: {  	_ =	shalt  }
0x76: {  	_ =	shalt  }
0x77: {  	_ =	shalt  }
0x78: {  	_ =	shalt  }
0x79: {  	_ =	shalt  }
0x7a: {  	_ =	shalt  }
0x7b: {  	_ =	shalt  }
0x7c: {  	_ =	shalt  }
0x7d: {  	_ =	shalt  }
0x7e: {  	_ =	shalt  }
0x7f: {  	_ =	shalt  }
0x80: {  	_ =	shalt  }
0x81: {  	_ =	shalt  }
0x82: {  	_ =	shalt  }
0x83: {  	_ =	shalt  }
0x84: {  	_ =	shalt  }
0x85: {  	_ =	shalt  }
0x86: {  	_ =	shalt  }
0x87: {  	_ =	shalt  }
.Lfunc_end0:
.L_simem_size_0:
called_computation.3_lowered:
.L_overlay_start_0:
0x88: {  	s2 =	sld [smem:$0x3FD9]  }
0x89: {  	s3 =	sld [smem:$0x3FFE];
	_ =	sdelay $0x1  }
0x8a: {  	s1 =	srdreg.scid  }
0x8b: {  	s0 =	sand.u32 $0x1, s1  }
0x8c: {  	s17 =	sshll.u32 s0, $0xA;
	s2 =	sadd.s32 s3, s2  }
0x8d: {  	s2 =	sadd.s32 s2, s17  }
0x8e: {  	[smem:$0x3FBC] =	sst s2  }
0x8f: {  	_ = 	snop  }
0x90: {  	s2 =	sld [smem:$0x3FD0];
	(tm) =	ssettm $0x1  }
0x91: {  	s18 =	sld [smem:$0x3FFB];
	_ =	sdelay $0x3  }
0x92: {  	_ =	strace s18  }
0x93: {  	s3 =	sld [smem:$0x3FFC];
	_ =	sdelay $0x3  }
0x94: {  	_ =	strace s3  }
0x95: {  	s3 =	sld [smem:$0x3FFD];
	_ =	sdelay $0x3  }
0x96: {  	_ =	strace s3  }
0x97: {  	_ =	strace $0x8FFFFFFF  }
0x98: {  	s19 =	sld [smem:$0x3FDB];
	_ =	sdelay $0x1  }
0x99: {  	s4 =	simm.s32 $_scs_section_size  }
0x9a: {  	s5 =	simm.s32 $_size__tile_overlayer_lowered;
	s6 =	simm.s32 $_tile_overlayer_lowered  }
0x9b: {  	s22 =	simm.s32 $0x1BFF;
	s21 =	sshll.u32 s6, $0x1;
	s3 =	sadd.s32 s4, s19  }
0x9c: {  	s7 =	simm.s32 $0x0;
	s20 =	sshll.u32 s5, $0x1;
	s5 =	sadd.s32 s21, s3  }
0x9d: {  	[timem:s7], [sflag:s22] =	dma.local [hbm:s5], s20  }
0x9e: {  	_ =	swait.ge [sflag:s22], s20  }
0x9f: {  	s4 =	ssub.s32 $0x0, s20;
	[sflag:s22] =	ssyncset.done $0x0  }
0xa0: {  	[sflag:s22] =	ssyncadd.s32 s4;
	_ =	sdelay $0x1  }
0xa1: {  	s23 =	simm.s32 $0x1B8B  }
0xa2: {  	_ =	swait.ge [sflag:s23], $0x1  }
0xa3: {  	[sflag:s23] =	ssyncset.done $0x0  }
0xa4: {  	s25 =	simm.s32 $0x1B8E;
	s24 =	sld [smem:$0x3FFE];
	[sflag:s23] =	ssyncadd.s32 $0xFFFFFFFF  }
0xa5: {  	s26 =	simm.s32 $execute0_lowered;
	[smem:$0x3FD2] =	sst s25  }
0xa6: {  	s5 =	sshll.u32 s26, $0x1;
	_ =	strace $0x8000004C;
	[dreg:$0x1] =	wrdreg $0xFFFFFFFF  }
0xa7: {  	s28 =	simm.s32 $_size_execute0_lowered;
	s3 =	sadd.s32 s3, s5;
	[dreg:$0x0] =	wrdreg $0x0  }
0xa8: {  	s5 =	sshll.u32 s28, $0x1;
	[dreg:$0x2] =	wrdreg s3  }
0xa9: {  	[dreg:$0x3] =	wrdreg s5  }
0xaa: {  	[dreg:$0x4] =	wrdreg $0xC0  }
0xab: {  	_ =	task [dreg:s7], $0x5FFFF  }
0xac: {  	[dreg:$0x1] =	wrdreg $0xFFFFFFFF  }
0xad: {  	[dreg:$0x0] =	wrdreg $0x60  }
0xae: {  	[dreg:$0x2] =	wrdreg s24  }
0xaf: {  	[dreg:$0x3] =	wrdreg s2  }
0xb0: {  	[dreg:$0x4] =	wrdreg $0xA  }
0xb1: {  	_ =	task.clear_ibuf [dreg:s7], $0x5FFFF;
	_ =	strace $0x9000004C  }
0xb2: {  	s29 =	simm.s32 $0xA;
	_ =	strace $0x8000004E  }
0xb3: {  	_ =	swait.ge [sflag:s29], $0x1  }
0xb4: {  	[sflag:s29] =	ssyncadd.s32 $0xFFFFFFFF  }
0xb5: {  	_ =	strace $0x9000004E  }
0xb6: {  	_ =	sfence  }
0xb7: {  	s30 =	sld [smem:$0x0];
	_ =	sdelay $0x2  }
0xb8: {  	s31 =	sshll.u32 s1, $0xD;
	s1 =	sshrl.u32 s1, $0x2  }
0xb9: {  	s3 =	sand.u32 $0x4000, s31;
	s1 =	sadd.s32 s1, s30  }
0xba: {  	s0 =	sor.u32 s3, s0;
	s1 =	sshll.u32 s1, $0x11  }
0xbb: {  	s0 =	sor.u32 s1, s0  }
0xbc: {  	s0 =	sadd.s32 $0x8F2B, s0  }
0xbd: {  	[sflag:s0] =	ssyncadd.remote.s32 $0x1  }
0xbe: {  	_ =	sfence.sel $0xFFFF  }
0xbf: {  	[dreg:$0x0] =	wrdreg $0xFFFFFFFF;
	(pc) =	sbr.abs _section_cstart, $3  }
0xc0: {  	[dreg:$0x1] =	wrdreg $0xFFFFFFFF  }
0xc1: {  	_ =	task.clear_ibuf [dreg:s7], $0x2FFFF;
	_ =	strace $0x9FFFFFFF  }
0xc2: {  	(tm) =	ssettm $0x7FFFFFFF  }
0xc3: {  	_ =	shalt  }
tec
execute0_lowered:
.L_overlay_start_1:
0x0: {  	(tag) =	ssettag $0x1  }
0x1: {  	s6 =	rddreg [dreg:$0x0]  }
0x2: {  	s1 =	srdreg.scid;
	s0 =	stileid.u32  }
0x3: {  	s2 =	rddreg [dreg:$0x1];
	s3 =	simm.s32 $0x0;
	s11 =	simm.s32 $0x1  }
0x4: {  	s12 =	simm.s32 $0x190;
	s13 =	simm.s32 $0x7D0;
	s14 =	simm.s32 $0x0  }
0x5: {  	s4 =	sand.u32 $0x1, s1;
	s5 =	sshll.u32 s0, $0x1;
	s1 =	rddreg [dreg:$0x2]  }
0x6: {  	[smem:$0x7FF] =	sst s3;
	s7 =	sor.u32 s4, s5;
	s9 =	ssub.s32 $0x2, s4  }
0x7: {  	v0 =	vimm.s32 $0x3020100;
	_ =	strace $0x8000004D;
	s8 =	smul.u32 $0x1400, s7;
	s10 =	sshrl.u32 s9, $0x1  }
0x8: {  	v2 =	vlaneseq.u32;
	vm0 =	vcmask $0xF00;
	v3 =	vunpack.c.0.s8.s32 v0;
	s4 =	sadd.s32 $0x3000, s6;
	s5 =	sadd.s32 $0x16C00, s6;
	s9 =	ssub.s32 s9, s10  }
0x9: {  	v4 =	vimm.s32 $0x0;
	v1 =	vshrl.u32 v2, $0x2;
	v0 =	vimm.f32 $0.0e+00;
	s10 =	simm.s32 $0x2D0;
	s8 =	sadd.s32 s8, s6;
	s6 =	smul.u32 $0x2710, s7  }
0xa: {  	v2 =	vand.u32 $0x3, v2;
	v1 =	vmul.u32 $0x10, v1;
	v3 =	vnsel vm0, $0x3, v3;
	s7 =	sadd.s32 $0x1BC00, s8;
	s8 =	smax.u32 s9, $0x1;
	s9 =	simm.s32 $0x2  }
.LBB2_1:
0xb: {  	s15 =	simm.s32 $0x40;
	s16 =	simm.s32 $0x0  }
.LBB2_2:
0xc: {  	p0 =	sne.s32 s15, $0x27FC0;
	[tilespmem:s16+$0x7D0] =	vst v0;
	s16 =	smov.u32 s15;
	s15 =	sadd.s32 $0x40, s15  }
.Ltmp0:
0xd: {  	(pc) =	sbr.rel @p0 .LBB2_2-.Ltmp0, $2  }
0xe: {  	_ =	sdelay $0x2  }
0xf: {  	s16 =	sshra.s32 s16, $0x2  }
0x10: {  	[tilespmem:s16+$0x7D0] =	vst v0;
	s15 =	simm.s32 $0x0;
	s16 =	simm.s32 $0x0  }
.LBB2_4:
0x11: {  	s17 =	smul.u32 $0x50, s16;
	_ =	sdelay $0x1  }
0x12: {  	s17 =	sadd.s32 s6, s17  }
0x13: {  	s18 =	sshrl.u32 s17, $0x3  }
0x14: {  	s18 =	sadd.s32 s4, s18  }
0x15: {  	[tilespmem:s15], [sflag:$0x2] =	stream.linear.gather [hbm4b:s18+s15], $0x50, $0x38;
	[tilespmem:$0xA7D0] =	vst v63  }
0x16: {  	_ =	swait.ge [sflag:s9], $0x50  }
0x17: {  	s17 =	sshrl.u32 s17, $0x1;
	[sflag:s9] =	ssyncset.done $0x0  }
0x18: {  	s30 =	simm.s32 $0x50;
	s17 =	sadd.s32 s2, s17;
	[sflag:s9] =	ssyncadd.s32 $0xFFFFFFB0  }
0x19: {  	v5 =	vmov s15;
	[tilespmem:s30], [sflag:$0x2] =	stream.linear.gather [hbm4b:s17+s15], $0x140, $0x38;
	[tilespmem:$0xA7D0] =	vst v63  }
0x1a: {  	v5 =	vshll.u32 v5, $0x4;
	_ =	swait.ge [sflag:s9], $0x140  }
0x1b: {  	v5 =	vor.u32 v1, v5;
	[sflag:s9] =	ssyncset.done $0x0  }
0x1c: {  	v5 =	vor.u32 v2, v5;
	[sflag:s9] =	ssyncadd.s32 $0xFFFFFEC0  }
0x1d: {  	[tilespmem:s10], [sflag:$0x1] =	stream.indirect.gather [hbm4b:s5+s30], $0x10, s15, s30, $0xb8;
	[tilespmem:$0xA7D0] =	vst v63  }
0x1e: {  	_ =	swait.ge [sflag:s11], $0x500  }
0x1f: {  	[sflag:s11] =	ssyncset.done $0x0  }
0x20: {  	[sflag:s11] =	ssyncadd.s32 $0xFFFFFB00  }
0x21: {  	v5 =	vld.idx.msk [tilespmem:v5+s10+$0x0], $0xffff  }
0x22: {  	v6 =	vld [tilespmem:s30+$0x0];
	_ =	sdelay $0x4  }
0x23: {  	v5 =	vsub.f32 v6, v5;
	_ =	sdelay $0x1  }
0x24: {  	v5 =	vmul.f32 $1.442695020e+00, v5;
	_ =	sdelay $0x1  }
0x25: {  	(erf) = vpow2.f32 v5;
	_ =	sdelay $0x1  }
0x26: {  	s31 =	simm.s32 $0x4  }
0x27: {  	v5 =	vmov s31  }
0x28: {  	v5 =	vshll.u32 v5, $0x4  }
0x29: {  	v5 =	vor.u32 v1, v5  }
0x2a: {  	v5 =	vor.u32 v2, v5;
	_ =	sdelay $0x2  }
0x2b: {  	s17 =	simm.s32 $0x190;
	v6 =	vpop (erf)  }
0x2c: {  	[tilespmem:s17+$0x0] =	vst v6  }
0x2d: {  	s18 =	simm.s32 $0x60;
	v5 =	vld.idx.msk [tilespmem:v5+s10+$0x0], $0xffff  }
0x2e: {  	v6 =	vld [tilespmem:s18+$0x0];
	_ =	sdelay $0x4  }
0x2f: {  	v5 =	vsub.f32 v6, v5;
	_ =	sdelay $0x1  }
0x30: {  	v5 =	vmul.f32 $1.442695020e+00, v5;
	_ =	sdelay $0x1  }
0x31: {  	(erf) = vpow2.f32 v5;
	_ =	sdelay $0x1  }
0x32: {  	s19 =	simm.s32 $0x8  }
0x33: {  	v5 =	vmov s19;
	s19 =	simm.s32 $0xC  }
.LBB2_5:
0x34: {  	p0 =	sne.s32 s19, $0x4C;
	v5 =	vshll.u32 v5, $0x4  }
0x35: {  	v5 =	vor.u32 v1, v5  }
0x36: {  	v5 =	vor.u32 v2, v5;
	_ =	sdelay $0x2  }
0x37: {  	s17 =	sadd.s32 $0x10, s17;
	v6 =	vpop (erf)  }
0x38: {  	[tilespmem:s17+$0x0] =	vst v6  }
0x39: {  	s18 =	sadd.s32 $0x10, s18;
	v5 =	vld.idx.msk [tilespmem:v5+s10+$0x0], $0xffff  }
0x3a: {  	v6 =	vld [tilespmem:s18+$0x0];
	_ =	sdelay $0x4  }
0x3b: {  	v5 =	vsub.f32 v6, v5;
	_ =	sdelay $0x1  }
0x3c: {  	v5 =	vmul.f32 $1.442695020e+00, v5  }
.Ltmp1:
0x3d: {  	(pc) =	sbr.rel @p0 .LBB2_5-.Ltmp1, $2  }
0x3e: {  	(erf) = vpow2.f32 v5;
	_ =	sdelay $0x2  }
0x3f: {  	v5 =	vmov s19;
	s19 =	sadd.s32 $0x4, s19  }
0x40: {  	v5 =	vshll.u32 v5, $0x4  }
0x41: {  	v5 =	vor.u32 v1, v5  }
0x42: {  	v5 =	vor.u32 v2, v5;
	_ =	sdelay $0x2  }
0x43: {  	s19 =	sadd.s32 $0x10, s17;
	v6 =	vpop (erf)  }
0x44: {  	[tilespmem:s19+$0x0] =	vst v6  }
0x45: {  	s29 =	sadd.s32 $0x10, s18;
	v5 =	vld.idx.msk [tilespmem:v5+s10+$0x0], $0xffff  }
0x46: {  	v6 =	vld [tilespmem:s29+$0x0];
	_ =	sdelay $0x4  }
0x47: {  	v5 =	vsub.f32 v6, v5;
	_ =	sdelay $0x1  }
0x48: {  	v5 =	vmul.f32 $1.442695020e+00, v5;
	_ =	sdelay $0x1  }
0x49: {  	(erf) = vpow2.f32 v5;
	_ =	sdelay $0x4  }
0x4a: {  	s17 =	simm.s32 $0x0  }
0x4b: {  	v5 =	vmov s17;
	_ =	sdelay $0x2  }
0x4c: {  	s30 =	sadd.s32 $0x10, s19;
	v6 =	vpop (erf)  }
0x4d: {  	[tilespmem:s30+$0x0] =	vst v6  }
0x4e: {  	v5 =	vld.idx.msk [tilespmem:v5+s3+$0x0], $0xffff;
	_ =	sdelay $0x4  }
0x4f: {  	v6 =	vshra.s32 v5, $0x1F  }
0x50: {  	v6 =	vshrl.u32 v6, $0x1E  }
0x51: {  	v6 =	vadd.s32 v6, v5  }
0x52: {  	v6 =	vshra.s32 v6, $0x2  }
0x53: {  	v7 =	vshll.u32 v6, $0x2  }
0x54: {  	vm0 =	vlt.s32 v5, $0x1;
	vm1 =	vne.s32 v5, v7  }
0x55: {  	v8 =	vor.u32 s17, v3;
	vm0 =	vmand vm0, vm1  }
0x56: {  	v5 =	vsub.s32 v5, v7;
	v7 =	vsel vm0, $0xFFFFFFFF, v4  }
0x57: {  	v5 =	vshll.u32 v5, $0x2;
	v6 =	vadd.s32 v7, v6  }
0x58: {  	v7 =	vor.u32 v3, v5;
	v5 =	vand.u32 $0x8, v5;
	v6 =	vshll.u32 v6, $0x4  }
0x59: {  	v7 =	vand.u32 $0x7, v7;
	v6 =	vor.u32 v5, v6  }
0x5a: {  	s31 =	simm.s32 $0x1;
	v5 =	vld.idx.msk [tilespmem:v8+s12+$0x0], $0xffff;
	v6 =	vor.u32 v7, v6  }
0x5b: {  	s18 =	simm.s32 $0x2;
	v7 =	vmov s31  }
.LBB2_7:
0x5c: {  	p0 =	sne.s32 s18, $0x4F;
	_ =	sdelay $0x2  }
0x5d: {  	[tilespmem:v6+s13+$0x0] =	vst.idx.add.f32.msk $0xf, v5  }
0x5e: {  	v5 =	vld.idx.msk [tilespmem:v7+s3+$0x0], $0xffff;
	_ =	sdelay $0x5  }
0x5f: {  	v6 =	vshra.s32 v5, $0x1F  }
0x60: {  	v6 =	vshrl.u32 v6, $0x1E  }
0x61: {  	v6 =	vadd.s32 v6, v5  }
0x62: {  	v6 =	vshra.s32 v6, $0x2  }
0x63: {  	s17 =	sadd.s32 $0x4, s17;
	v7 =	vshll.u32 v6, $0x2  }
0x64: {  	v8 =	vor.u32 s17, v3;
	vm0 =	vlt.s32 v5, $0x1;
	vm1 =	vne.s32 v5, v7  }
0x65: {  	vm0 =	vmand vm0, vm1  }
0x66: {  	v5 =	vsub.s32 v5, v7;
	v7 =	vsel vm0, $0xFFFFFFFF, v4  }
.Ltmp2:
0x67: {  	v5 =	vshll.u32 v5, $0x2;
	v6 =	vadd.s32 v7, v6;
	(pc) =	sbr.rel @p0 .LBB2_7-.Ltmp2, $4  }
0x68: {  	v9 =	vand.u32 $0x8, v5;
	v7 =	vor.u32 v3, v5;
	v6 =	vshll.u32 v6, $0x4  }
0x69: {  	v7 =	vand.u32 $0x7, v7;
	v6 =	vor.u32 v9, v6;
	v5 =	vld.idx.msk [tilespmem:v8+s12+$0x0], $0xffff  }
0x6a: {  	v6 =	vor.u32 v7, v6  }
0x6b: {  	v7 =	vmov s18;
	s18 =	sadd.s32 $0x1, s18  }
0x6c: {  	_ =	sdelay $0x3  }
0x6d: {  	[tilespmem:v6+s13+$0x0] =	vst.idx.add.f32.msk $0xf, v5  }
0x6e: {  	v5 =	vld.idx.msk [tilespmem:v7+s3+$0x0], $0xffff;
	_ =	sdelay $0x4  }
0x6f: {  	v6 =	vshra.s32 v5, $0x1F  }
0x70: {  	v6 =	vshrl.u32 v6, $0x1E  }
0x71: {  	v6 =	vadd.s32 v6, v5  }
0x72: {  	v6 =	vshra.s32 v6, $0x2  }
0x73: {  	v7 =	vshll.u32 v6, $0x2  }
0x74: {  	s17 =	sadd.s32 $0x4, s17;
	vm0 =	vlt.s32 v5, $0x1;
	vm1 =	vne.s32 v5, v7  }
0x75: {  	v8 =	vor.u32 s17, v3;
	vm0 =	vmand vm0, vm1  }
0x76: {  	v5 =	vsub.s32 v5, v7;
	v7 =	vsel vm0, $0xFFFFFFFF, v4  }
0x77: {  	v5 =	vshll.u32 v5, $0x2;
	v6 =	vadd.s32 v7, v6  }
0x78: {  	v7 =	vor.u32 v3, v5;
	v5 =	vand.u32 $0x8, v5;
	v6 =	vshll.u32 v6, $0x4  }
0x79: {  	s16 =	sadd.s32 $0x1, s16;
	v7 =	vand.u32 $0x7, v7;
	v5 =	vor.u32 v5, v6  }
0x7a: {  	p0 =	sne.s32 s16, $0x7D;
	v6 =	vld.idx.msk [tilespmem:v8+s12+$0x0], $0xffff;
	v5 =	vor.u32 v7, v5  }
.Ltmp3:
0x7b: {  	_ = 	snop;
	(pc) =	sbr.rel @p0 .LBB2_4-.Ltmp3, $2  }
0x7c: {  	_ =	sdelay $0x2  }
0x7d: {  	[tilespmem:v5+s13+$0x0] =	vst.idx.add.f32.msk $0xf, v6  }
0x7e: {  	s14 =	sadd.s32 $0x1, s14  }
0x7f: {  	p0 =	sne.s32 s14, s8  }
.Ltmp4:
0x80: {  	_ = 	snop;
	(pc) =	sbr.rel @p0 .LBB2_1-.Ltmp4, $4  }
0x81: {  	[hbm4b:s7+s3] =	stream.linear.scatter [tilespmem:s13], [sflag:$0x2], $0xA000, $0x38;
	[tilespmem:$0xA7D0] =	vst v63  }
0x82: {  	_ =	swait.ge [sflag:s9], $0xA000  }
0x83: {  	[sflag:s9] =	ssyncset.done $0x0  }
0x84: {  	[sflag:s9] =	ssyncadd.s32 $0xFFFF6000  }
0x85: {  	_ =	sfence.sel $0x180000  }
0x86: {  	[bflag:$0x0] =	sbarrier.arrive $0xFFFF  }
0x87: {  	p0 =	sne.s32 s0, $0x0;
	_ =	strace $0x9000004D  }
0x88: {  	s0 =	sadd.s32 @!p0 $0x100000, s1;
	[bflag:$0x2] =	sbarrier.arrive $0xFFFF  }
0x89: {  	[sflag:s0] =	ssyncadd.tile.s32 @!p0 $0x1;
	_ =	shalt  }
.Lfunc_end2:
_tile_overlayer_lowered:
.L_overlay_start_2:
0x8a: {  	(tag) =	ssettag $0x2  }
0x8b: {  	s0 =	rddreg [dreg:$0x0];
	s2 =	stileid.u32  }
0x8c: {  	s1 =	rddreg [dreg:$0x1];
	p0 =	sne.s32 s2, $0x0  }
0x8d: {  	s3 =	rddreg [dreg:$0x2];
	[bflag:$0x3] =	sbarrier.arrive $0xFFFF;
	s2 =	simm.s32 @!p0 $0x1C02  }
0x8e: {  	[timem:s3], [sflag:s2] =	dma.local @!p0 [hbm:s0], s1  }
0x8f: {  	s0 =	simm.s32 @!p0 $0x2  }
0x90: {  	_ =	swait.ge @!p0 [sflag:s0], s1  }
0x91: {  	s1 =	ssub.s32 @!p0 $0x0, s1;
	[sflag:s0] =	ssyncset.done @!p0 $0x0  }
0x92: {  	[sflag:s0] =	ssyncadd.s32 @!p0 s1  }
0x93: {  	[bflag:$0x3] =	sbarrier.arrive $0xFFFF  }
0x94: {  	_ =	shalt  }

</sc_bundles>
